<compile_context>
chip_gen: v7x
topology: tpu7x:2x2x1
jax: 0.10.2.dev20260603
libtpu: 0.0.44.dev20260713+nightly
codegen_flags: <defaults>
</compile_context>

<pallas_src>
import jax
import jax.numpy as jnp
from jax import lax
from jax.experimental import pallas as pl
from jax.experimental.pallas import tpu as pltpu, tpu_sc as plsc
import functools

N_NODES = 10000
N_EDGES = 320000
RBF_DIM = 16
DIM = 128

N_CORES = 2
N_SUBCORES = 16
CHUNK = 64
N_CHUNKS = N_EDGES // CHUNK
CA = 256
CB = 64
N_CHUNKS_PAD = N_SUBCORES * (CA + CB)
E_PAD = N_CHUNKS_PAD * CHUNK
ACC_ROWS = 10112
DUMMY_DST = N_NODES

TC_BLK = 2000
TC_GRID = N_EDGES // TC_BLK



def _softplus(x, beta=0.5, threshold=14.0):
    return jnp.where(beta * x > threshold, x,
                     (1.0 / beta) * jnp.log1p(jnp.exp(beta * x)))


def _edge_mlp_body(rbf_ref, w1_ref, b1_ref, w2_ref, b2_ref, out_ref):
    x = rbf_ref[:]
    h = jnp.dot(x, w1_ref[:], preferred_element_type=jnp.float32) + b1_ref[:]
    h = _softplus(h).astype(jnp.bfloat16)
    out_ref[:] = jnp.dot(h, w2_ref[:],
                         preferred_element_type=jnp.float32) + b2_ref[:]


def _edge_mlp(rbf, W1b, b1, W2b, b2):
    return pl.pallas_call(
        _edge_mlp_body,
        grid=(TC_GRID,),
        in_specs=[
            pl.BlockSpec((TC_BLK, RBF_DIM), lambda g: (g, 0)),
            pl.BlockSpec((RBF_DIM, DIM), lambda g: (0, 0)),
            pl.BlockSpec((1, DIM), lambda g: (0, 0)),
            pl.BlockSpec((DIM, DIM), lambda g: (0, 0)),
            pl.BlockSpec((1, DIM), lambda g: (0, 0)),
        ],
        out_specs=pl.BlockSpec((TC_BLK, DIM), lambda g: (g, 0)),
        out_shape=jax.ShapeDtypeStruct((N_EDGES, DIM), jnp.float32),
    )(rbf, W1b, b1.reshape(1, DIM), W2b, b2.reshape(1, DIM))


def _combine_body(p_ref, o_ref):
    o_ref[:] = p_ref[0] + p_ref[1]


def _combine(partials):
    blk = 2000
    return pl.pallas_call(
        _combine_body,
        grid=(N_NODES // blk,),
        in_specs=[pl.BlockSpec((2, blk, DIM), lambda g: (0, g, 0))],
        out_specs=pl.BlockSpec((blk, DIM), lambda g: (g, 0)),
        out_shape=jax.ShapeDtypeStruct((N_NODES, DIM), jnp.float32),
    )(partials)


@functools.partial(
    pl.kernel,
    out_type=jax.ShapeDtypeStruct((N_CORES, ACC_ROWS, DIM), jnp.float32),
    mesh=plsc.VectorSubcoreMesh(core_axis_name="c", subcore_axis_name="s"),
    scratch_types=[
        [pltpu.VMEM((2, CHUNK), jnp.int32)] * 2,
        [pltpu.VMEM((CHUNK,), jnp.int32)] * 2,
        [pltpu.VMEM((CHUNK, DIM), jnp.float32)] * 2,
        [pltpu.VMEM((CHUNK, DIM), jnp.float32)] * 2,
        [pltpu.VMEM((CHUNK, DIM), jnp.float32)] * 2,
        pltpu.VMEM_SHARED((ACC_ROWS, DIM), jnp.float32),
        [pltpu.SemaphoreType.DMA] * 2,
        [pltpu.SemaphoreType.DMA] * 2,
        [pltpu.SemaphoreType.DMA] * 2,
        [pltpu.SemaphoreType.DMA] * 2,
    ],
)
def _sc_scatter(node_feat, h, idx2_h, out_h,
                idx, dsts, rows, hbuf, msg, acc, isem, gsem, hsem, ssem):
    cid = lax.axis_index("c")
    sid = lax.axis_index("s")
    n_tile_chunks = jnp.where(cid == 0, CA, CB)
    crow = cid * (N_SUBCORES * CA) + sid * n_tile_chunks

    zeros = jnp.zeros((16,), jnp.float32)

    def zero_row(i, carry):
        for j in range(DIM // 16):
            msg[0][i, pl.ds(j * 16, 16)] = zeros
        return carry
    lax.fori_loop(0, CHUNK, zero_row, 0)
    rows_per_tile = ACC_ROWS // N_SUBCORES
    for k in range(10):
        r = sid * rows_per_tile + k * CHUNK
        n = CHUNK if k < 9 else rows_per_tile - 9 * CHUNK
        pltpu.sync_copy(msg[0].at[pl.ds(0, n)], acc.at[pl.ds(r, n)])
    plsc.subcore_barrier()

    def start_idx(g, q):
        pltpu.async_copy(idx2_h.at[crow + g], idx[q], isem[q])

    def start_in(g, b):
        row = crow + g
        hrow = jnp.where(row < N_CHUNKS, row, 0) * CHUNK
        pltpu.async_copy(node_feat.at[idx[b].at[0]], rows[b], gsem[b])
        pltpu.async_copy(h.at[pl.ds(hrow, CHUNK)], hbuf[b], hsem[b])

    start_idx(0, 0)
    start_idx(1, 1)
    pltpu.make_async_copy(idx2_h.at[crow], idx[0], isem[0]).wait()
    start_in(0, 0)

    n_outer = n_tile_chunks // 2
    def outer(t, carry):
        for p in range(2):
            g = 2 * t + p
            b, nb = p, 1 - p
            pltpu.make_async_copy(node_feat.at[idx[b].at[0]], rows[b],
                                  gsem[b]).wait()
            pltpu.make_async_copy(h.at[pl.ds(0, CHUNK)], hbuf[b],
                                  hsem[b]).wait()

            @pl.when(t > 0)
            def _():
                pltpu.make_async_copy(msg[b], acc.at[dsts[b]],
                                      ssem[b]).wait()

            for k in range(CHUNK // 16):
                dsts[b][pl.ds(k * 16, 16)] = idx[b][1, pl.ds(k * 16, 16)]

            @pl.when(t < n_outer - 1)
            def _():
                start_idx(g + 2, b)

            if p == 0:
                pltpu.make_async_copy(idx2_h.at[crow], idx[nb],
                                      isem[nb]).wait()
                start_in(g + 1, nb)
            else:
                @pl.when(t < n_outer - 1)
                def _():
                    pltpu.make_async_copy(idx2_h.at[crow], idx[nb],
                                          isem[nb]).wait()
                    start_in(g + 1, nb)

            def mul_row(i, c2):
                for j in range(DIM // 16):
                    s = pl.ds(j * 16, 16)
                    msg[b][i, s] = rows[b][i, s] * hbuf[b][i, s]
                return c2
            lax.fori_loop(0, CHUNK, mul_row, 0)

            pltpu.async_copy(msg[b], acc.at[dsts[b]], ssem[b], add=True)
        return carry
    lax.fori_loop(0, n_outer, outer, 0)

    for b in range(2):
        pltpu.make_async_copy(msg[b], acc.at[dsts[b]], ssem[b]).wait()

    plsc.subcore_barrier()

    for k in range(10):
        r = sid * rows_per_tile + k * CHUNK
        n = CHUNK if k < 9 else rows_per_tile - 9 * CHUNK
        pltpu.sync_copy(acc.at[pl.ds(r, n)], msg[0].at[pl.ds(0, n)])
        pltpu.sync_copy(msg[0].at[pl.ds(0, n)], out_h.at[cid].at[pl.ds(r, n)])


def kernel(node_feat, rbf, edge_index, W1, b1, W2, b2):
    pad = E_PAD - N_EDGES
    src = jnp.concatenate(
        [edge_index[0].astype(jnp.int32), jnp.zeros((pad,), jnp.int32)])
    dst = jnp.concatenate(
        [edge_index[1].astype(jnp.int32),
         DUMMY_DST + (jnp.arange(pad, dtype=jnp.int32)
                      % (ACC_ROWS - N_NODES))])
    idx2 = jnp.stack([src.reshape(N_CHUNKS_PAD, CHUNK),
                      dst.reshape(N_CHUNKS_PAD, CHUNK)], axis=1)
    h = _edge_mlp(rbf.astype(jnp.bfloat16), W1.astype(jnp.bfloat16),
                  b1, W2.astype(jnp.bfloat16), b2)
    partials = _sc_scatter(node_feat, h, idx2)
    return _combine(partials)

# --- scband reference (transcript-rebuilt; emitter-appended) ---
"""Pipeline reference for scband-cfconv-16449724744295 (READ-ONLY COPY).

The authoritative reference and input builder live on the scoring server;
editing this copy changes nothing except your own understanding.
"""

import jax, jax.numpy as jnp
import numpy as np

N_NODES = 10000
N_EDGES = 320000
RBF_DIM = 16
DIM = 128


def _softplus(x, beta=0.5, threshold=14.0):
    # Faithful to torch.nn.Softplus(beta=0.5, threshold=14):
    # out = (1/beta)*log(1+exp(beta*x)) when beta*x <= threshold, else x
    return jnp.where(beta * x > threshold, x, (1.0 / beta) * jnp.log1p(jnp.exp(beta * x)))


def setup_inputs(seed: int = 0) -> dict:
    key = jax.random.key(seed)
    k1, k2, k3, k4, k5 = jax.random.split(key, 5)
    node_feat = jax.random.normal(k1, (N_NODES, DIM), dtype=jnp.float32)
    rbf = jax.random.uniform(k2, (N_EDGES, RBF_DIM), dtype=jnp.float32)
    edge_index = jax.random.randint(k3, (2, N_EDGES), 0, N_NODES, dtype=jnp.int64)
    # Learned parameters (nn.Linear stores weight [out,in]; we keep [in,out] and matmul directly)
    W1 = jax.random.normal(k4, (RBF_DIM, DIM), dtype=jnp.float32) * (1.0 / np.sqrt(RBF_DIM))
    b1 = jnp.zeros((DIM,), dtype=jnp.float32)
    W2 = jax.random.normal(k5, (DIM, DIM), dtype=jnp.float32) * (1.0 / np.sqrt(DIM))
    b2 = jnp.zeros((DIM,), dtype=jnp.float32)
    return {"node_feat": node_feat, "rbf": rbf, "edge_index": edge_index, "W1": W1, "b1": b1, "W2": W2, "b2": b2}


def reference(node_feat, rbf, edge_index, W1, b1, W2, b2):
    # update_edge: h = Linear2(softplus(Linear1(rbf)))
    h = rbf @ W1 + b1
    h = _softplus(h)
    h = h @ W2 + b2
    # message: u_mul_e('new_node', 'h') -> src node feature * edge filter
    src = edge_index[0]
    dst = edge_index[1]
    msg = jnp.take(node_feat, src, axis=0) * h
    # reduce: sum messages at dst nodes -> new_node
    out = jax.ops.segment_sum(msg, dst, num_segments=node_feat.shape[0])
    return out

if __name__ == "__main__":
    import jax
    _d = setup_inputs()
    print(jax.jit(kernel)(*tuple(_d.values())))

</pallas_src>

<mosaic_0001>
#map = affine_map<(d0, d1) -> (0, 0)>
#map1 = affine_map<(d0, d1) -> (0, 0, 0)>
module attributes {stable_mosaic.version = 14 : i64} {
  func.func @_sc_scatter(%arg0: i32, %arg1: i32, %arg2: memref<10000x128xf32, #tpu.memory_space<hbm>>, %arg3: memref<320000x128xf32, #tpu.memory_space<hbm>>, %arg4: memref<5120x2x64xi32, #tpu.memory_space<hbm>>, %arg5: memref<2x10112x128xf32, #tpu.memory_space<hbm>>, %arg6: memref<2x64xi32, #tpu.memory_space<vmem>>, %arg7: memref<2x64xi32, #tpu.memory_space<vmem>>, %arg8: memref<64xi32, #tpu.memory_space<vmem>>, %arg9: memref<64xi32, #tpu.memory_space<vmem>>, %arg10: memref<64x128xf32, #tpu.memory_space<vmem>>, %arg11: memref<64x128xf32, #tpu.memory_space<vmem>>, %arg12: memref<64x128xf32, #tpu.memory_space<vmem>>, %arg13: memref<64x128xf32, #tpu.memory_space<vmem>>, %arg14: memref<64x128xf32, #tpu.memory_space<vmem>>, %arg15: memref<64x128xf32, #tpu.memory_space<vmem>>, %arg16: memref<10112x128xf32, #tpu.memory_space<vmem_shared>>, %arg17: memref<!tpu.dma_semaphore, #tpu.memory_space<semaphore_mem>>, %arg18: memref<!tpu.dma_semaphore, #tpu.memory_space<semaphore_mem>>, %arg19: memref<!tpu.dma_semaphore, #tpu.memory_space<semaphore_mem>>, %arg20: memref<!tpu.dma_semaphore, #tpu.memory_space<semaphore_mem>>, %arg21: memref<!tpu.dma_semaphore, #tpu.memory_space<semaphore_mem>>, %arg22: memref<!tpu.dma_semaphore, #tpu.memory_space<semaphore_mem>>, %arg23: memref<!tpu.dma_semaphore, #tpu.memory_space<semaphore_mem>>, %arg24: memref<!tpu.dma_semaphore, #tpu.memory_space<semaphore_mem>>) attributes {dimension_semantics = [#tpu.dimension_semantics<core_parallel>, #tpu.dimension_semantics<subcore_parallel>], iteration_bounds = array<i64: 2, 16>, scalar_prefetch = 0 : i64, scratch_operands = 19 : i64, tpu.core_type = #tpu.core_type<sc_vector_subcore>, window_params = [{transform_indices = #map}, {transform_indices = #map}, {transform_indices = #map1}, {transform_indices = #map1}]} {
    %eq3A = arith.constant 0 : i32
    %eq3A_0 = arith.cmpi eq, %arg0, %eq3A : i32
    %jit3A = arith.constant 256 : i32
    %jit3A_1 = arith.constant 64 : i32
    %select_n3A = arith.select %eq3A_0, %jit3A, %jit3A_1 : i32
    %mul3A = arith.constant 4096 : i32
    %mul3A_2 = arith.muli %arg0, %mul3A : i32
    %mul3A_3 = arith.muli %arg1, %select_n3A : i32
    %add3A = arith.addi %mul3A_2, %mul3A_3 : i32
    %broadcast_in_dim3A = arith.constant 0.000000e+00 : f32
    %broadcast_in_dim3A_4 = vector.broadcast %broadcast_in_dim3A : f32 to vector<16xf32>
    %scan3A = arith.constant 0 : i32
    %scan3A_5 = arith.constant 0 : i32
    %scan3A_6 = arith.constant 64 : i32
    %scan3A_7 = arith.addi %scan3A_5, %scan3A_6 : i32
    %scan3A_8 = arith.constant 1 : i32
    scf.for %scan3A_168 = %scan3A_5 to %scan3A_7 step %scan3A_8  : i32 {
      %swap3A = arith.index_cast %scan3A_168 : i32 to index
      %swap3A_169 = arith.constant 0 : index
      %swap3A_170 = tpu.vector_load %arg14[%swap3A, %swap3A_169] {strides = array<i32>} : memref<64x128xf32, #tpu.memory_space<vmem>>, vector<1x16xf32>,
      %swap3A_171 = vector.shape_cast %swap3A_170 : vector<1x16xf32> to vector<16xf32>
      %swap3A_172 = vector.shape_cast %broadcast_in_dim3A_4 : vector<16xf32> to vector<1x16xf32>
      tpu.vector_store %arg14[%swap3A, %swap3A_169], %swap3A_172 {strides = array<i32>} : memref<64x128xf32, #tpu.memory_space<vmem>>, vector<1x16xf32>,
      %swap3A_173 = arith.index_cast %scan3A_168 : i32 to index
      %swap3A_174 = arith.constant 16 : index
      %swap3A_175 = tpu.vector_load %arg14[%swap3A_173, %swap3A_174] {strides = array<i32>} : memref<64x128xf32, #tpu.memory_space<vmem>>, vector<1x16xf32>,
      %swap3A_176 = vector.shape_cast %swap3A_175 : vector<1x16xf32> to vector<16xf32>
      %swap3A_177 = vector.shape_cast %broadcast_in_dim3A_4 : vector<16xf32> to vector<1x16xf32>
      tpu.vector_store %arg14[%swap3A_173, %swap3A_174], %swap3A_177 {strides = array<i32>} : memref<64x128xf32, #tpu.memory_space<vmem>>, vector<1x16xf32>,
      %swap3A_178 = arith.index_cast %scan3A_168 : i32 to index
      %swap3A_179 = arith.constant 32 : index
      %swap3A_180 = tpu.vector_load %arg14[%swap3A_178, %swap3A_179] {strides = array<i32>} : memref<64x128xf32, #tpu.memory_space<vmem>>, vector<1x16xf32>,
      %swap3A_181 = vector.shape_cast %swap3A_180 : vector<1x16xf32> to vector<16xf32>
      %swap3A_182 = vector.shape_cast %broadcast_in_dim3A_4 : vector<16xf32> to vector<1x16xf32>
      tpu.vector_store %arg14[%swap3A_178, %swap3A_179], %swap3A_182 {strides = array<i32>} : memref<64x128xf32, #tpu.memory_space<vmem>>, vector<1x16xf32>,
      %swap3A_183 = arith.index_cast %scan3A_168 : i32 to index
      %swap3A_184 = arith.constant 48 : index
      %swap3A_185 = tpu.vector_load %arg14[%swap3A_183, %swap3A_184] {strides = array<i32>} : memref<64x128xf32, #tpu.memory_space<vmem>>, vector<1x16xf32>,
      %swap3A_186 = vector.shape_cast %swap3A_185 : vector<1x16xf32> to vector<16xf32>
      %swap3A_187 = vector.shape_cast %broadcast_in_dim3A_4 : vector<16xf32> to vector<1x16xf32>
      tpu.vector_store %arg14[%swap3A_183, %swap3A_184], %swap3A_187 {strides = array<i32>} : memref<64x128xf32, #tpu.memory_space<vmem>>, vector<1x16xf32>,
      %swap3A_188 = arith.index_cast %scan3A_168 : i32 to index
      %swap3A_189 = arith.constant 64 : index
      %swap3A_190 = tpu.vector_load %arg14[%swap3A_188, %swap3A_189] {strides = array<i32>} : memref<64x128xf32, #tpu.memory_space<vmem>>, vector<1x16xf32>,
      %swap3A_191 = vector.shape_cast %swap3A_190 : vector<1x16xf32> to vector<16xf32>
      %swap3A_192 = vector.shape_cast %broadcast_in_dim3A_4 : vector<16xf32> to vector<1x16xf32>
      tpu.vector_store %arg14[%swap3A_188, %swap3A_189], %swap3A_192 {strides = array<i32>} : memref<64x128xf32, #tpu.memory_space<vmem>>, vector<1x16xf32>,
      %swap3A_193 = arith.index_cast %scan3A_168 : i32 to index
      %swap3A_194 = arith.constant 80 : index
      %swap3A_195 = tpu.vector_load %arg14[%swap3A_193, %swap3A_194] {strides = array<i32>} : memref<64x128xf32, #tpu.memory_space<vmem>>, vector<1x16xf32>,
      %swap3A_196 = vector.shape_cast %swap3A_195 : vector<1x16xf32> to vector<16xf32>
      %swap3A_197 = vector.shape_cast %broadcast_in_dim3A_4 : vector<16xf32> to vector<1x16xf32>
      tpu.vector_store %arg14[%swap3A_193, %swap3A_194], %swap3A_197 {strides = array<i32>} : memref<64x128xf32, #tpu.memory_space<vmem>>, vector<1x16xf32>,
      %swap3A_198 = arith.index_cast %scan3A_168 : i32 to index
      %swap3A_199 = arith.constant 96 : index
      %swap3A_200 = tpu.vector_load %arg14[%swap3A_198, %swap3A_199] {strides = array<i32>} : memref<64x128xf32, #tpu.memory_space<vmem>>, vector<1x16xf32>,
      %swap3A_201 = vector.shape_cast %swap3A_200 : vector<1x16xf32> to vector<16xf32>
      %swap3A_202 = vector.shape_cast %broadcast_in_dim3A_4 : vector<16xf32> to vector<1x16xf32>
      tpu.vector_store %arg14[%swap3A_198, %swap3A_199], %swap3A_202 {strides = array<i32>} : memref<64x128xf32, #tpu.memory_space<vmem>>, vector<1x16xf32>,
      %swap3A_203 = arith.index_cast %scan3A_168 : i32 to index
      %swap3A_204 = arith.constant 112 : index
      %swap3A_205 = tpu.vector_load %arg14[%swap3A_203, %swap3A_204] {strides = array<i32>} : memref<64x128xf32, #tpu.memory_space<vmem>>, vector<1x16xf32>,
      %swap3A_206 = vector.shape_cast %swap3A_205 : vector<1x16xf32> to vector<16xf32>
      %swap3A_207 = vector.shape_cast %broadcast_in_dim3A_4 : vector<16xf32> to vector<1x16xf32>
      tpu.vector_store %arg14[%swap3A_203, %swap3A_204], %swap3A_207 {strides = array<i32>} : memref<64x128xf32, #tpu.memory_space<vmem>>, vector<1x16xf32>,
    }
    %scan3A_9 = arith.constant 64 : i32
    %mul3A_10 = arith.constant 632 : i32
    %mul3A_11 = arith.muli %arg1, %mul3A_10 : i32
    %add3A_12 = arith.constant 0 : i32
    %add3A_13 = arith.addi %mul3A_11, %add3A_12 : i32
    "tpu.region"() ({
      %run_scoped3A = tpu.sem_alloc : memref<!tpu.dma_semaphore, #tpu.memory_space<semaphore_mem>>
      %dma_start3A_168 = arith.constant 0 : i32
      %dma_start3A_169 = arith.constant 0 : i32
      %dma_start3A_170 = tpu.memref_slice %arg14[%dma_start3A_168, %dma_start3A_169] : memref<64x128xf32, #tpu.memory_space<vmem>> -> memref<64x128xf32, #tpu.memory_space<vmem>>
      %dma_start3A_171 = arith.constant 0 : i32
      %dma_start3A_172 = tpu.memref_slice %arg16[%add3A_13, %dma_start3A_171] : memref<10112x128xf32, #tpu.memory_space<vmem_shared>> -> memref<64x128xf32, #tpu.memory_space<vmem_shared>>
      %dma_start3A_173 = arith.constant 0 : i32
      %dma_start3A_174 = tpu.memref_slice %arg16[%add3A_13, %dma_start3A_173] : memref<10112x128xf32, #tpu.memory_space<vmem_shared>> -> memref<64x128xf32, #tpu.memory_space<vmem_shared>>
      %dma_start3A_175 = arith.constant 0 : i32
      %dma_start3A_176 = arith.constant 0 : i32
      %dma_start3A_177 = tpu.memref_slice %arg14[%dma_start3A_175, %dma_start3A_176] : memref<64x128xf32, #tpu.memory_space<vmem>> -> memref<64x128xf32, #tpu.memory_space<vmem>>
      tpu.enqueue_dma source(%dma_start3A_177 : memref<64x128xf32, #tpu.memory_space<vmem>>) target(%dma_start3A_174 : memref<64x128xf32, #tpu.memory_space<vmem_shared>>) target_semaphore(%run_scoped3A : memref<!tpu.dma_semaphore, #tpu.memory_space<semaphore_mem>>)
      %dma_wait3A_178 = arith.constant 0 : i32
      %dma_wait3A_179 = arith.constant 0 : i32
      %dma_wait3A_180 = tpu.memref_slice %arg14[%dma_wait3A_178, %dma_wait3A_179] : memref<64x128xf32, #tpu.memory_space<vmem>> -> memref<64x128xf32, #tpu.memory_space<vmem>>
      %dma_wait3A_181 = arith.constant 0 : i32
      %dma_wait3A_182 = tpu.memref_slice %arg16[%add3A_13, %dma_wait3A_181] : memref<10112x128xf32, #tpu.memory_space<vmem_shared>> -> memref<64x128xf32, #tpu.memory_space<vmem_shared>>
      %dma_wait3A_183 = arith.constant 0 : i32
      %dma_wait3A_184 = tpu.memref_slice %arg16[%add3A_13, %dma_wait3A_183] : memref<10112x128xf32, #tpu.memory_space<vmem_shared>> -> memref<64x128xf32, #tpu.memory_space<vmem_shared>>
      %dma_wait3A_185 = arith.constant 0 : i32
      %dma_wait3A_186 = arith.constant 0 : i32
      %dma_wait3A_187 = tpu.memref_slice %arg14[%dma_wait3A_185, %dma_wait3A_186] : memref<64x128xf32, #tpu.memory_space<vmem>> -> memref<64x128xf32, #tpu.memory_space<vmem>>
      tpu.wait_dma2 semaphore(%run_scoped3A : memref<!tpu.dma_semaphore, #tpu.memory_space<semaphore_mem>>) src(%dma_wait3A_187 : memref<64x128xf32, #tpu.memory_space<vmem>>) dst(%dma_wait3A_184 : memref<64x128xf32, #tpu.memory_space<vmem_shared>>)
      tpu.yield
    }) : () -> ()
    %mul3A_14 = arith.constant 632 : i32
    %mul3A_15 = arith.muli %arg1, %mul3A_14 : i32
    %add3A_16 = arith.constant 64 : i32
    %add3A_17 = arith.addi %mul3A_15, %add3A_16 : i32
    "tpu.region"() ({
      %run_scoped3A = tpu.sem_alloc : memref<!tpu.dma_semaphore, #tpu.memory_space<semaphore_mem>>
      %dma_start3A_168 = arith.constant 0 : i32
      %dma_start3A_169 = arith.constant 0 : i32
      %dma_start3A_170 = tpu.memref_slice %arg14[%dma_start3A_168, %dma_start3A_169] : memref<64x128xf32, #tpu.memory_space<vmem>> -> memref<64x128xf32, #tpu.memory_space<vmem>>
      %dma_start3A_171 = arith.constant 0 : i32
      %dma_start3A_172 = tpu.memref_slice %arg16[%add3A_17, %dma_start3A_171] : memref<10112x128xf32, #tpu.memory_space<vmem_shared>> -> memref<64x128xf32, #tpu.memory_space<vmem_shared>>
      %dma_start3A_173 = arith.constant 0 : i32
      %dma_start3A_174 = tpu.memref_slice %arg16[%add3A_17, %dma_start3A_173] : memref<10112x128xf32, #tpu.memory_space<vmem_shared>> -> memref<64x128xf32, #tpu.memory_space<vmem_shared>>
      %dma_start3A_175 = arith.constant 0 : i32
      %dma_start3A_176 = arith.constant 0 : i32
      %dma_start3A_177 = tpu.memref_slice %arg14[%dma_start3A_175, %dma_start3A_176] : memref<64x128xf32, #tpu.memory_space<vmem>> -> memref<64x128xf32, #tpu.memory_space<vmem>>
      tpu.enqueue_dma source(%dma_start3A_177 : memref<64x128xf32, #tpu.memory_space<vmem>>) target(%dma_start3A_174 : memref<64x128xf32, #tpu.memory_space<vmem_shared>>) target_semaphore(%run_scoped3A : memref<!tpu.dma_semaphore, #tpu.memory_space<semaphore_mem>>)
      %dma_wait3A_178 = arith.constant 0 : i32
      %dma_wait3A_179 = arith.constant 0 : i32
      %dma_wait3A_180 = tpu.memref_slice %arg14[%dma_wait3A_178, %dma_wait3A_179] : memref<64x128xf32, #tpu.memory_space<vmem>> -> memref<64x128xf32, #tpu.memory_space<vmem>>
      %dma_wait3A_181 = arith.constant 0 : i32
      %dma_wait3A_182 = tpu.memref_slice %arg16[%add3A_17, %dma_wait3A_181] : memref<10112x128xf32, #tpu.memory_space<vmem_shared>> -> memref<64x128xf32, #tpu.memory_space<vmem_shared>>
      %dma_wait3A_183 = arith.constant 0 : i32
      %dma_wait3A_184 = tpu.memref_slice %arg16[%add3A_17, %dma_wait3A_183] : memref<10112x128xf32, #tpu.memory_space<vmem_shared>> -> memref<64x128xf32, #tpu.memory_space<vmem_shared>>
      %dma_wait3A_185 = arith.constant 0 : i32
      %dma_wait3A_186 = arith.constant 0 : i32
      %dma_wait3A_187 = tpu.memref_slice %arg14[%dma_wait3A_185, %dma_wait3A_186] : memref<64x128xf32, #tpu.memory_space<vmem>> -> memref<64x128xf32, #tpu.memory_space<vmem>>
      tpu.wait_dma2 semaphore(%run_scoped3A : memref<!tpu.dma_semaphore, #tpu.memory_space<semaphore_mem>>) src(%dma_wait3A_187 : memref<64x128xf32, #tpu.memory_space<vmem>>) dst(%dma_wait3A_184 : memref<64x128xf32, #tpu.memory_space<vmem_shared>>)
      tpu.yield
    }) : () -> ()
    %mul3A_18 = arith.constant 632 : i32
    %mul3A_19 = arith.muli %arg1, %mul3A_18 : i32
    %add3A_20 = arith.constant 128 : i32
    %add3A_21 = arith.addi %mul3A_19, %add3A_20 : i32
    "tpu.region"() ({
      %run_scoped3A = tpu.sem_alloc : memref<!tpu.dma_semaphore, #tpu.memory_space<semaphore_mem>>
      %dma_start3A_168 = arith.constant 0 : i32
      %dma_start3A_169 = arith.constant 0 : i32
      %dma_start3A_170 = tpu.memref_slice %arg14[%dma_start3A_168, %dma_start3A_169] : memref<64x128xf32, #tpu.memory_space<vmem>> -> memref<64x128xf32, #tpu.memory_space<vmem>>
      %dma_start3A_171 = arith.constant 0 : i32
      %dma_start3A_172 = tpu.memref_slice %arg16[%add3A_21, %dma_start3A_171] : memref<10112x128xf32, #tpu.memory_space<vmem_shared>> -> memref<64x128xf32, #tpu.memory_space<vmem_shared>>
      %dma_start3A_173 = arith.constant 0 : i32
      %dma_start3A_174 = tpu.memref_slice %arg16[%add3A_21, %dma_start3A_173] : memref<10112x128xf32, #tpu.memory_space<vmem_shared>> -> memref<64x128xf32, #tpu.memory_space<vmem_shared>>
      %dma_start3A_175 = arith.constant 0 : i32
      %dma_start3A_176 = arith.constant 0 : i32
      %dma_start3A_177 = tpu.memref_slice %arg14[%dma_start3A_175, %dma_start3A_176] : memref<64x128xf32, #tpu.memory_space<vmem>> -> memref<64x128xf32, #tpu.memory_space<vmem>>
      tpu.enqueue_dma source(%dma_start3A_177 : memref<64x128xf32, #tpu.memory_space<vmem>>) target(%dma_start3A_174 : memref<64x128xf32, #tpu.memory_space<vmem_shared>>) target_semaphore(%run_scoped3A : memref<!tpu.dma_semaphore, #tpu.memory_space<semaphore_mem>>)
      %dma_wait3A_178 = arith.constant 0 : i32
      %dma_wait3A_179 = arith.constant 0 : i32
      %dma_wait3A_180 = tpu.memref_slice %arg14[%dma_wait3A_178, %dma_wait3A_179] : memref<64x128xf32, #tpu.memory_space<vmem>> -> memref<64x128xf32, #tpu.memory_space<vmem>>
      %dma_wait3A_181 = arith.constant 0 : i32
      %dma_wait3A_182 = tpu.memref_slice %arg16[%add3A_21, %dma_wait3A_181] : memref<10112x128xf32, #tpu.memory_space<vmem_shared>> -> memref<64x128xf32, #tpu.memory_space<vmem_shared>>
      %dma_wait3A_183 = arith.constant 0 : i32
      %dma_wait3A_184 = tpu.memref_slice %arg16[%add3A_21, %dma_wait3A_183] : memref<10112x128xf32, #tpu.memory_space<vmem_shared>> -> memref<64x128xf32, #tpu.memory_space<vmem_shared>>
      %dma_wait3A_185 = arith.constant 0 : i32
      %dma_wait3A_186 = arith.constant 0 : i32
      %dma_wait3A_187 = tpu.memref_slice %arg14[%dma_wait3A_185, %dma_wait3A_186] : memref<64x128xf32, #tpu.memory_space<vmem>> -> memref<64x128xf32, #tpu.memory_space<vmem>>
      tpu.wait_dma2 semaphore(%run_scoped3A : memref<!tpu.dma_semaphore, #tpu.memory_space<semaphore_mem>>) src(%dma_wait3A_187 : memref<64x128xf32, #tpu.memory_space<vmem>>) dst(%dma_wait3A_184 : memref<64x128xf32, #tpu.memory_space<vmem_shared>>)
      tpu.yield
    }) : () -> ()
    %mul3A_22 = arith.constant 632 : i32
    %mul3A_23 = arith.muli %arg1, %mul3A_22 : i32
    %add3A_24 = arith.constant 192 : i32
    %add3A_25 = arith.addi %mul3A_23, %add3A_24 : i32
    "tpu.region"() ({
      %run_scoped3A = tpu.sem_alloc : memref<!tpu.dma_semaphore, #tpu.memory_space<semaphore_mem>>
      %dma_start3A_168 = arith.constant 0 : i32
      %dma_start3A_169 = arith.constant 0 : i32
      %dma_start3A_170 = tpu.memref_slice %arg14[%dma_start3A_168, %dma_start3A_169] : memref<64x128xf32, #tpu.memory_space<vmem>> -> memref<64x128xf32, #tpu.memory_space<vmem>>
      %dma_start3A_171 = arith.constant 0 : i32
      %dma_start3A_172 = tpu.memref_slice %arg16[%add3A_25, %dma_start3A_171] : memref<10112x128xf32, #tpu.memory_space<vmem_shared>> -> memref<64x128xf32, #tpu.memory_space<vmem_shared>>
      %dma_start3A_173 = arith.constant 0 : i32
      %dma_start3A_174 = tpu.memref_slice %arg16[%add3A_25, %dma_start3A_173] : memref<10112x128xf32, #tpu.memory_space<vmem_shared>> -> memref<64x128xf32, #tpu.memory_space<vmem_shared>>
      %dma_start3A_175 = arith.constant 0 : i32
      %dma_start3A_176 = arith.constant 0 : i32
      %dma_start3A_177 = tpu.memref_slice %arg14[%dma_start3A_175, %dma_start3A_176] : memref<64x128xf32, #tpu.memory_space<vmem>> -> memref<64x128xf32, #tpu.memory_space<vmem>>
      tpu.enqueue_dma source(%dma_start3A_177 : memref<64x128xf32, #tpu.memory_space<vmem>>) target(%dma_start3A_174 : memref<64x128xf32, #tpu.memory_space<vmem_shared>>) target_semaphore(%run_scoped3A : memref<!tpu.dma_semaphore, #tpu.memory_space<semaphore_mem>>)
      %dma_wait3A_178 = arith.constant 0 : i32
      %dma_wait3A_179 = arith.constant 0 : i32
      %dma_wait3A_180 = tpu.memref_slice %arg14[%dma_wait3A_178, %dma_wait3A_179] : memref<64x128xf32, #tpu.memory_space<vmem>> -> memref<64x128xf32, #tpu.memory_space<vmem>>
      %dma_wait3A_181 = arith.constant 0 : i32
      %dma_wait3A_182 = tpu.memref_slice %arg16[%add3A_25, %dma_wait3A_181] : memref<10112x128xf32, #tpu.memory_space<vmem_shared>> -> memref<64x128xf32, #tpu.memory_space<vmem_shared>>
      %dma_wait3A_183 = arith.constant 0 : i32
      %dma_wait3A_184 = tpu.memref_slice %arg16[%add3A_25, %dma_wait3A_183] : memref<10112x128xf32, #tpu.memory_space<vmem_shared>> -> memref<64x128xf32, #tpu.memory_space<vmem_shared>>
      %dma_wait3A_185 = arith.constant 0 : i32
      %dma_wait3A_186 = arith.constant 0 : i32
      %dma_wait3A_187 = tpu.memref_slice %arg14[%dma_wait3A_185, %dma_wait3A_186] : memref<64x128xf32, #tpu.memory_space<vmem>> -> memref<64x128xf32, #tpu.memory_space<vmem>>
      tpu.wait_dma2 semaphore(%run_scoped3A : memref<!tpu.dma_semaphore, #tpu.memory_space<semaphore_mem>>) src(%dma_wait3A_187 : memref<64x128xf32, #tpu.memory_space<vmem>>) dst(%dma_wait3A_184 : memref<64x128xf32, #tpu.memory_space<vmem_shared>>)
      tpu.yield
    }) : () -> ()
    %mul3A_26 = arith.constant 632 : i32
    %mul3A_27 = arith.muli %arg1, %mul3A_26 : i32
    %add3A_28 = arith.constant 256 : i32
    %add3A_29 = arith.addi %mul3A_27, %add3A_28 : i32
    "tpu.region"() ({
      %run_scoped3A = tpu.sem_alloc : memref<!tpu.dma_semaphore, #tpu.memory_space<semaphore_mem>>
      %dma_start3A_168 = arith.constant 0 : i32
      %dma_start3A_169 = arith.constant 0 : i32
      %dma_start3A_170 = tpu.memref_slice %arg14[%dma_start3A_168, %dma_start3A_169] : memref<64x128xf32, #tpu.memory_space<vmem>> -> memref<64x128xf32, #tpu.memory_space<vmem>>
      %dma_start3A_171 = arith.constant 0 : i32
      %dma_start3A_172 = tpu.memref_slice %arg16[%add3A_29, %dma_start3A_171] : memref<10112x128xf32, #tpu.memory_space<vmem_shared>> -> memref<64x128xf32, #tpu.memory_space<vmem_shared>>
      %dma_start3A_173 = arith.constant 0 : i32
      %dma_start3A_174 = tpu.memref_slice %arg16[%add3A_29, %dma_start3A_173] : memref<10112x128xf32, #tpu.memory_space<vmem_shared>> -> memref<64x128xf32, #tpu.memory_space<vmem_shared>>
      %dma_start3A_175 = arith.constant 0 : i32
      %dma_start3A_176 = arith.constant 0 : i32
      %dma_start3A_177 = tpu.memref_slice %arg14[%dma_start3A_175, %dma_start3A_176] : memref<64x128xf32, #tpu.memory_space<vmem>> -> memref<64x128xf32, #tpu.memory_space<vmem>>
      tpu.enqueue_dma source(%dma_start3A_177 : memref<64x128xf32, #tpu.memory_space<vmem>>) target(%dma_start3A_174 : memref<64x128xf32, #tpu.memory_space<vmem_shared>>) target_semaphore(%run_scoped3A : memref<!tpu.dma_semaphore, #tpu.memory_space<semaphore_mem>>)
      %dma_wait3A_178 = arith.constant 0 : i32
      %dma_wait3A_179 = arith.constant 0 : i32
      %dma_wait3A_180 = tpu.memref_slice %arg14[%dma_wait3A_178, %dma_wait3A_179] : memref<64x128xf32, #tpu.memory_space<vmem>> -> memref<64x128xf32, #tpu.memory_space<vmem>>
      %dma_wait3A_181 = arith.constant 0 : i32
      %dma_wait3A_182 = tpu.memref_slice %arg16[%add3A_29, %dma_wait3A_181] : memref<10112x128xf32, #tpu.memory_space<vmem_shared>> -> memref<64x128xf32, #tpu.memory_space<vmem_shared>>
      %dma_wait3A_183 = arith.constant 0 : i32
      %dma_wait3A_184 = tpu.memref_slice %arg16[%add3A_29, %dma_wait3A_183] : memref<10112x128xf32, #tpu.memory_space<vmem_shared>> -> memref<64x128xf32, #tpu.memory_space<vmem_shared>>
      %dma_wait3A_185 = arith.constant 0 : i32
      %dma_wait3A_186 = arith.constant 0 : i32
      %dma_wait3A_187 = tpu.memref_slice %arg14[%dma_wait3A_185, %dma_wait3A_186] : memref<64x128xf32, #tpu.memory_space<vmem>> -> memref<64x128xf32, #tpu.memory_space<vmem>>
      tpu.wait_dma2 semaphore(%run_scoped3A : memref<!tpu.dma_semaphore, #tpu.memory_space<semaphore_mem>>) src(%dma_wait3A_187 : memref<64x128xf32, #tpu.memory_space<vmem>>) dst(%dma_wait3A_184 : memref<64x128xf32, #tpu.memory_space<vmem_shared>>)
      tpu.yield
    }) : () -> ()
    %mul3A_30 = arith.constant 632 : i32
    %mul3A_31 = arith.muli %arg1, %mul3A_30 : i32
    %add3A_32 = arith.constant 320 : i32
    %add3A_33 = arith.addi %mul3A_31, %add3A_32 : i32
    "tpu.region"() ({
      %run_scoped3A = tpu.sem_alloc : memref<!tpu.dma_semaphore, #tpu.memory_space<semaphore_mem>>
      %dma_start3A_168 = arith.constant 0 : i32
      %dma_start3A_169 = arith.constant 0 : i32
      %dma_start3A_170 = tpu.memref_slice %arg14[%dma_start3A_168, %dma_start3A_169] : memref<64x128xf32, #tpu.memory_space<vmem>> -> memref<64x128xf32, #tpu.memory_space<vmem>>
      %dma_start3A_171 = arith.constant 0 : i32
      %dma_start3A_172 = tpu.memref_slice %arg16[%add3A_33, %dma_start3A_171] : memref<10112x128xf32, #tpu.memory_space<vmem_shared>> -> memref<64x128xf32, #tpu.memory_space<vmem_shared>>
      %dma_start3A_173 = arith.constant 0 : i32
      %dma_start3A_174 = tpu.memref_slice %arg16[%add3A_33, %dma_start3A_173] : memref<10112x128xf32, #tpu.memory_space<vmem_shared>> -> memref<64x128xf32, #tpu.memory_space<vmem_shared>>
      %dma_start3A_175 = arith.constant 0 : i32
      %dma_start3A_176 = arith.constant 0 : i32
      %dma_start3A_177 = tpu.memref_slice %arg14[%dma_start3A_175, %dma_start3A_176] : memref<64x128xf32, #tpu.memory_space<vmem>> -> memref<64x128xf32, #tpu.memory_space<vmem>>
      tpu.enqueue_dma source(%dma_start3A_177 : memref<64x128xf32, #tpu.memory_space<vmem>>) target(%dma_start3A_174 : memref<64x128xf32, #tpu.memory_space<vmem_shared>>) target_semaphore(%run_scoped3A : memref<!tpu.dma_semaphore, #tpu.memory_space<semaphore_mem>>)
      %dma_wait3A_178 = arith.constant 0 : i32
      %dma_wait3A_179 = arith.constant 0 : i32
      %dma_wait3A_180 = tpu.memref_slice %arg14[%dma_wait3A_178, %dma_wait3A_179] : memref<64x128xf32, #tpu.memory_space<vmem>> -> memref<64x128xf32, #tpu.memory_space<vmem>>
      %dma_wait3A_181 = arith.constant 0 : i32
      %dma_wait3A_182 = tpu.memref_slice %arg16[%add3A_33, %dma_wait3A_181] : memref<10112x128xf32, #tpu.memory_space<vmem_shared>> -> memref<64x128xf32, #tpu.memory_space<vmem_shared>>
      %dma_wait3A_183 = arith.constant 0 : i32
      %dma_wait3A_184 = tpu.memref_slice %arg16[%add3A_33, %dma_wait3A_183] : memref<10112x128xf32, #tpu.memory_space<vmem_shared>> -> memref<64x128xf32, #tpu.memory_space<vmem_shared>>
      %dma_wait3A_185 = arith.constant 0 : i32
      %dma_wait3A_186 = arith.constant 0 : i32
      %dma_wait3A_187 = tpu.memref_slice %arg14[%dma_wait3A_185, %dma_wait3A_186] : memref<64x128xf32, #tpu.memory_space<vmem>> -> memref<64x128xf32, #tpu.memory_space<vmem>>
      tpu.wait_dma2 semaphore(%run_scoped3A : memref<!tpu.dma_semaphore, #tpu.memory_space<semaphore_mem>>) src(%dma_wait3A_187 : memref<64x128xf32, #tpu.memory_space<vmem>>) dst(%dma_wait3A_184 : memref<64x128xf32, #tpu.memory_space<vmem_shared>>)
      tpu.yield
    }) : () -> ()
    %mul3A_34 = arith.constant 632 : i32
    %mul3A_35 = arith.muli %arg1, %mul3A_34 : i32
    %add3A_36 = arith.constant 384 : i32
    %add3A_37 = arith.addi %mul3A_35, %add3A_36 : i32
    "tpu.region"() ({
      %run_scoped3A = tpu.sem_alloc : memref<!tpu.dma_semaphore, #tpu.memory_space<semaphore_mem>>
      %dma_start3A_168 = arith.constant 0 : i32
      %dma_start3A_169 = arith.constant 0 : i32
      %dma_start3A_170 = tpu.memref_slice %arg14[%dma_start3A_168, %dma_start3A_169] : memref<64x128xf32, #tpu.memory_space<vmem>> -> memref<64x128xf32, #tpu.memory_space<vmem>>
      %dma_start3A_171 = arith.constant 0 : i32
      %dma_start3A_172 = tpu.memref_slice %arg16[%add3A_37, %dma_start3A_171] : memref<10112x128xf32, #tpu.memory_space<vmem_shared>> -> memref<64x128xf32, #tpu.memory_space<vmem_shared>>
      %dma_start3A_173 = arith.constant 0 : i32
      %dma_start3A_174 = tpu.memref_slice %arg16[%add3A_37, %dma_start3A_173] : memref<10112x128xf32, #tpu.memory_space<vmem_shared>> -> memref<64x128xf32, #tpu.memory_space<vmem_shared>>
      %dma_start3A_175 = arith.constant 0 : i32
      %dma_start3A_176 = arith.constant 0 : i32
      %dma_start3A_177 = tpu.memref_slice %arg14[%dma_start3A_175, %dma_start3A_176] : memref<64x128xf32, #tpu.memory_space<vmem>> -> memref<64x128xf32, #tpu.memory_space<vmem>>
      tpu.enqueue_dma source(%dma_start3A_177 : memref<64x128xf32, #tpu.memory_space<vmem>>) target(%dma_start3A_174 : memref<64x128xf32, #tpu.memory_space<vmem_shared>>) target_semaphore(%run_scoped3A : memref<!tpu.dma_semaphore, #tpu.memory_space<semaphore_mem>>)
      %dma_wait3A_178 = arith.constant 0 : i32
      %dma_wait3A_179 = arith.constant 0 : i32
      %dma_wait3A_180 = tpu.memref_slice %arg14[%dma_wait3A_178, %dma_wait3A_179] : memref<64x128xf32, #tpu.memory_space<vmem>> -> memref<64x128xf32, #tpu.memory_space<vmem>>
      %dma_wait3A_181 = arith.constant 0 : i32
      %dma_wait3A_182 = tpu.memref_slice %arg16[%add3A_37, %dma_wait3A_181] : memref<10112x128xf32, #tpu.memory_space<vmem_shared>> -> memref<64x128xf32, #tpu.memory_space<vmem_shared>>
      %dma_wait3A_183 = arith.constant 0 : i32
      %dma_wait3A_184 = tpu.memref_slice %arg16[%add3A_37, %dma_wait3A_183] : memref<10112x128xf32, #tpu.memory_space<vmem_shared>> -> memref<64x128xf32, #tpu.memory_space<vmem_shared>>
      %dma_wait3A_185 = arith.constant 0 : i32
      %dma_wait3A_186 = arith.constant 0 : i32
      %dma_wait3A_187 = tpu.memref_slice %arg14[%dma_wait3A_185, %dma_wait3A_186] : memref<64x128xf32, #tpu.memory_space<vmem>> -> memref<64x128xf32, #tpu.memory_space<vmem>>
      tpu.wait_dma2 semaphore(%run_scoped3A : memref<!tpu.dma_semaphore, #tpu.memory_space<semaphore_mem>>) src(%dma_wait3A_187 : memref<64x128xf32, #tpu.memory_space<vmem>>) dst(%dma_wait3A_184 : memref<64x128xf32, #tpu.memory_space<vmem_shared>>)
      tpu.yield
    }) : () -> ()
    %mul3A_38 = arith.constant 632 : i32
    %mul3A_39 = arith.muli %arg1, %mul3A_38 : i32
    %add3A_40 = arith.constant 448 : i32
    %add3A_41 = arith.addi %mul3A_39, %add3A_40 : i32
    "tpu.region"() ({
      %run_scoped3A = tpu.sem_alloc : memref<!tpu.dma_semaphore, #tpu.memory_space<semaphore_mem>>
      %dma_start3A_168 = arith.constant 0 : i32
      %dma_start3A_169 = arith.constant 0 : i32
      %dma_start3A_170 = tpu.memref_slice %arg14[%dma_start3A_168, %dma_start3A_169] : memref<64x128xf32, #tpu.memory_space<vmem>> -> memref<64x128xf32, #tpu.memory_space<vmem>>
      %dma_start3A_171 = arith.constant 0 : i32
      %dma_start3A_172 = tpu.memref_slice %arg16[%add3A_41, %dma_start3A_171] : memref<10112x128xf32, #tpu.memory_space<vmem_shared>> -> memref<64x128xf32, #tpu.memory_space<vmem_shared>>
      %dma_start3A_173 = arith.constant 0 : i32
      %dma_start3A_174 = tpu.memref_slice %arg16[%add3A_41, %dma_start3A_173] : memref<10112x128xf32, #tpu.memory_space<vmem_shared>> -> memref<64x128xf32, #tpu.memory_space<vmem_shared>>
      %dma_start3A_175 = arith.constant 0 : i32
      %dma_start3A_176 = arith.constant 0 : i32
      %dma_start3A_177 = tpu.memref_slice %arg14[%dma_start3A_175, %dma_start3A_176] : memref<64x128xf32, #tpu.memory_space<vmem>> -> memref<64x128xf32, #tpu.memory_space<vmem>>
      tpu.enqueue_dma source(%dma_start3A_177 : memref<64x128xf32, #tpu.memory_space<vmem>>) target(%dma_start3A_174 : memref<64x128xf32, #tpu.memory_space<vmem_shared>>) target_semaphore(%run_scoped3A : memref<!tpu.dma_semaphore, #tpu.memory_space<semaphore_mem>>)
      %dma_wait3A_178 = arith.constant 0 : i32
      %dma_wait3A_179 = arith.constant 0 : i32
      %dma_wait3A_180 = tpu.memref_slice %arg14[%dma_wait3A_178, %dma_wait3A_179] : memref<64x128xf32, #tpu.memory_space<vmem>> -> memref<64x128xf32, #tpu.memory_space<vmem>>
      %dma_wait3A_181 = arith.constant 0 : i32
      %dma_wait3A_182 = tpu.memref_slice %arg16[%add3A_41, %dma_wait3A_181] : memref<10112x128xf32, #tpu.memory_space<vmem_shared>> -> memref<64x128xf32, #tpu.memory_space<vmem_shared>>
      %dma_wait3A_183 = arith.constant 0 : i32
      %dma_wait3A_184 = tpu.memref_slice %arg16[%add3A_41, %dma_wait3A_183] : memref<10112x128xf32, #tpu.memory_space<vmem_shared>> -> memref<64x128xf32, #tpu.memory_space<vmem_shared>>
      %dma_wait3A_185 = arith.constant 0 : i32
      %dma_wait3A_186 = arith.constant 0 : i32
      %dma_wait3A_187 = tpu.memref_slice %arg14[%dma_wait3A_185, %dma_wait3A_186] : memref<64x128xf32, #tpu.memory_space<vmem>> -> memref<64x128xf32, #tpu.memory_space<vmem>>
      tpu.wait_dma2 semaphore(%run_scoped3A : memref<!tpu.dma_semaphore, #tpu.memory_space<semaphore_mem>>) src(%dma_wait3A_187 : memref<64x128xf32, #tpu.memory_space<vmem>>) dst(%dma_wait3A_184 : memref<64x128xf32, #tpu.memory_space<vmem_shared>>)
      tpu.yield
    }) : () -> ()
    %mul3A_42 = arith.constant 632 : i32
    %mul3A_43 = arith.muli %arg1, %mul3A_42 : i32
    %add3A_44 = arith.constant 512 : i32
    %add3A_45 = arith.addi %mul3A_43, %add3A_44 : i32
    "tpu.region"() ({
      %run_scoped3A = tpu.sem_alloc : memref<!tpu.dma_semaphore, #tpu.memory_space<semaphore_mem>>
      %dma_start3A_168 = arith.constant 0 : i32
      %dma_start3A_169 = arith.constant 0 : i32
      %dma_start3A_170 = tpu.memref_slice %arg14[%dma_start3A_168, %dma_start3A_169] : memref<64x128xf32, #tpu.memory_space<vmem>> -> memref<64x128xf32, #tpu.memory_space<vmem>>
      %dma_start3A_171 = arith.constant 0 : i32
      %dma_start3A_172 = tpu.memref_slice %arg16[%add3A_45, %dma_start3A_171] : memref<10112x128xf32, #tpu.memory_space<vmem_shared>> -> memref<64x128xf32, #tpu.memory_space<vmem_shared>>
      %dma_start3A_173 = arith.constant 0 : i32
      %dma_start3A_174 = tpu.memref_slice %arg16[%add3A_45, %dma_start3A_173] : memref<10112x128xf32, #tpu.memory_space<vmem_shared>> -> memref<64x128xf32, #tpu.memory_space<vmem_shared>>
      %dma_start3A_175 = arith.constant 0 : i32
      %dma_start3A_176 = arith.constant 0 : i32
      %dma_start3A_177 = tpu.memref_slice %arg14[%dma_start3A_175, %dma_start3A_176] : memref<64x128xf32, #tpu.memory_space<vmem>> -> memref<64x128xf32, #tpu.memory_space<vmem>>
      tpu.enqueue_dma source(%dma_start3A_177 : memref<64x128xf32, #tpu.memory_space<vmem>>) target(%dma_start3A_174 : memref<64x128xf32, #tpu.memory_space<vmem_shared>>) target_semaphore(%run_scoped3A : memref<!tpu.dma_semaphore, #tpu.memory_space<semaphore_mem>>)
      %dma_wait3A_178 = arith.constant 0 : i32
      %dma_wait3A_179 = arith.constant 0 : i32
      %dma_wait3A_180 = tpu.memref_slice %arg14[%dma_wait3A_178, %dma_wait3A_179] : memref<64x128xf32, #tpu.memory_space<vmem>> -> memref<64x128xf32, #tpu.memory_space<vmem>>
      %dma_wait3A_181 = arith.constant 0 : i32
      %dma_wait3A_182 = tpu.memref_slice %arg16[%add3A_45, %dma_wait3A_181] : memref<10112x128xf32, #tpu.memory_space<vmem_shared>> -> memref<64x128xf32, #tpu.memory_space<vmem_shared>>
      %dma_wait3A_183 = arith.constant 0 : i32
      %dma_wait3A_184 = tpu.memref_slice %arg16[%add3A_45, %dma_wait3A_183] : memref<10112x128xf32, #tpu.memory_space<vmem_shared>> -> memref<64x128xf32, #tpu.memory_space<vmem_shared>>
      %dma_wait3A_185 = arith.constant 0 : i32
      %dma_wait3A_186 = arith.constant 0 : i32
      %dma_wait3A_187 = tpu.memref_slice %arg14[%dma_wait3A_185, %dma_wait3A_186] : memref<64x128xf32, #tpu.memory_space<vmem>> -> memref<64x128xf32, #tpu.memory_space<vmem>>
      tpu.wait_dma2 semaphore(%run_scoped3A : memref<!tpu.dma_semaphore, #tpu.memory_space<semaphore_mem>>) src(%dma_wait3A_187 : memref<64x128xf32, #tpu.memory_space<vmem>>) dst(%dma_wait3A_184 : memref<64x128xf32, #tpu.memory_space<vmem_shared>>)
      tpu.yield
    }) : () -> ()
    %mul3A_46 = arith.constant 632 : i32
    %mul3A_47 = arith.muli %arg1, %mul3A_46 : i32
    %add3A_48 = arith.constant 576 : i32
    %add3A_49 = arith.addi %mul3A_47, %add3A_48 : i32
    "tpu.region"() ({
      %run_scoped3A = tpu.sem_alloc : memref<!tpu.dma_semaphore, #tpu.memory_space<semaphore_mem>>
      %dma_start3A_168 = arith.constant 0 : i32
      %dma_start3A_169 = arith.constant 0 : i32
      %dma_start3A_170 = tpu.memref_slice %arg14[%dma_start3A_168, %dma_start3A_169] : memref<64x128xf32, #tpu.memory_space<vmem>> -> memref<56x128xf32, #tpu.memory_space<vmem>>
      %dma_start3A_171 = arith.constant 0 : i32
      %dma_start3A_172 = tpu.memref_slice %arg16[%add3A_49, %dma_start3A_171] : memref<10112x128xf32, #tpu.memory_space<vmem_shared>> -> memref<56x128xf32, #tpu.memory_space<vmem_shared>>
      %dma_start3A_173 = arith.constant 0 : i32
      %dma_start3A_174 = tpu.memref_slice %arg16[%add3A_49, %dma_start3A_173] : memref<10112x128xf32, #tpu.memory_space<vmem_shared>> -> memref<56x128xf32, #tpu.memory_space<vmem_shared>>
      %dma_start3A_175 = arith.constant 0 : i32
      %dma_start3A_176 = arith.constant 0 : i32
      %dma_start3A_177 = tpu.memref_slice %arg14[%dma_start3A_175, %dma_start3A_176] : memref<64x128xf32, #tpu.memory_space<vmem>> -> memref<56x128xf32, #tpu.memory_space<vmem>>
      tpu.enqueue_dma source(%dma_start3A_177 : memref<56x128xf32, #tpu.memory_space<vmem>>) target(%dma_start3A_174 : memref<56x128xf32, #tpu.memory_space<vmem_shared>>) target_semaphore(%run_scoped3A : memref<!tpu.dma_semaphore, #tpu.memory_space<semaphore_mem>>)
      %dma_wait3A_178 = arith.constant 0 : i32
      %dma_wait3A_179 = arith.constant 0 : i32
      %dma_wait3A_180 = tpu.memref_slice %arg14[%dma_wait3A_178, %dma_wait3A_179] : memref<64x128xf32, #tpu.memory_space<vmem>> -> memref<56x128xf32, #tpu.memory_space<vmem>>
      %dma_wait3A_181 = arith.constant 0 : i32
      %dma_wait3A_182 = tpu.memref_slice %arg16[%add3A_49, %dma_wait3A_181] : memref<10112x128xf32, #tpu.memory_space<vmem_shared>> -> memref<56x128xf32, #tpu.memory_space<vmem_shared>>
      %dma_wait3A_183 = arith.constant 0 : i32
      %dma_wait3A_184 = tpu.memref_slice %arg16[%add3A_49, %dma_wait3A_183] : memref<10112x128xf32, #tpu.memory_space<vmem_shared>> -> memref<56x128xf32, #tpu.memory_space<vmem_shared>>
      %dma_wait3A_185 = arith.constant 0 : i32
      %dma_wait3A_186 = arith.constant 0 : i32
      %dma_wait3A_187 = tpu.memref_slice %arg14[%dma_wait3A_185, %dma_wait3A_186] : memref<64x128xf32, #tpu.memory_space<vmem>> -> memref<56x128xf32, #tpu.memory_space<vmem>>
      tpu.wait_dma2 semaphore(%run_scoped3A : memref<!tpu.dma_semaphore, #tpu.memory_space<semaphore_mem>>) src(%dma_wait3A_187 : memref<56x128xf32, #tpu.memory_space<vmem>>) dst(%dma_wait3A_184 : memref<56x128xf32, #tpu.memory_space<vmem_shared>>)
      tpu.yield
    }) : () -> ()
    %barrier3A = arith.constant 0 : index
    tpu.barrier barrier_id(%barrier3A)
    %add3A_50 = arith.constant 0 : i32
    %add3A_51 = arith.addi %add3A, %add3A_50 : i32
    %dma_start3A = arith.constant 0 : i32
    %dma_start3A_52 = arith.constant 0 : i32
    %dma_start3A_53 = tpu.memref_slice %arg4[%add3A_51, %dma_start3A, %dma_start3A_52] : memref<5120x2x64xi32, #tpu.memory_space<hbm>> -> memref<1x2x64xi32, #tpu.memory_space<hbm>>
    %dma_start3A_54 = tpu.memref_squeeze %dma_start3A_53 : memref<1x2x64xi32, #tpu.memory_space<hbm>> -> memref<2x64xi32, #tpu.memory_space<hbm>>
    %dma_start3A_55 = arith.constant 0 : i32
    %dma_start3A_56 = arith.constant 0 : i32
    %dma_start3A_57 = tpu.memref_slice %arg4[%add3A_51, %dma_start3A_55, %dma_start3A_56] : memref<5120x2x64xi32, #tpu.memory_space<hbm>> -> memref<1x2x64xi32, #tpu.memory_space<hbm>>
    %dma_start3A_58 = tpu.memref_squeeze %dma_start3A_57 : memref<1x2x64xi32, #tpu.memory_space<hbm>> -> memref<2x64xi32, #tpu.memory_space<hbm>>
    tpu.enqueue_dma source(%dma_start3A_58 : memref<2x64xi32, #tpu.memory_space<hbm>>) target(%arg6 : memref<2x64xi32, #tpu.memory_space<vmem>>) target_semaphore(%arg17 : memref<!tpu.dma_semaphore, #tpu.memory_space<semaphore_mem>>)
    %add3A_59 = arith.constant 1 : i32
    %add3A_60 = arith.addi %add3A, %add3A_59 : i32
    %dma_start3A_61 = arith.constant 0 : i32
    %dma_start3A_62 = arith.constant 0 : i32
    %dma_start3A_63 = tpu.memref_slice %arg4[%add3A_60, %dma_start3A_61, %dma_start3A_62] : memref<5120x2x64xi32, #tpu.memory_space<hbm>> -> memref<1x2x64xi32, #tpu.memory_space<hbm>>
    %dma_start3A_64 = tpu.memref_squeeze %dma_start3A_63 : memref<1x2x64xi32, #tpu.memory_space<hbm>> -> memref<2x64xi32, #tpu.memory_space<hbm>>
    %dma_start3A_65 = arith.constant 0 : i32
    %dma_start3A_66 = arith.constant 0 : i32
    %dma_start3A_67 = tpu.memref_slice %arg4[%add3A_60, %dma_start3A_65, %dma_start3A_66] : memref<5120x2x64xi32, #tpu.memory_space<hbm>> -> memref<1x2x64xi32, #tpu.memory_space<hbm>>
    %dma_start3A_68 = tpu.memref_squeeze %dma_start3A_67 : memref<1x2x64xi32, #tpu.memory_space<hbm>> -> memref<2x64xi32, #tpu.memory_space<hbm>>
    tpu.enqueue_dma source(%dma_start3A_68 : memref<2x64xi32, #tpu.memory_space<hbm>>) target(%arg7 : memref<2x64xi32, #tpu.memory_space<vmem>>) target_semaphore(%arg18 : memref<!tpu.dma_semaphore, #tpu.memory_space<semaphore_mem>>)
    %dma_wait3A = arith.constant 0 : i32
    %dma_wait3A_69 = arith.constant 0 : i32
    %dma_wait3A_70 = tpu.memref_slice %arg4[%add3A, %dma_wait3A, %dma_wait3A_69] : memref<5120x2x64xi32, #tpu.memory_space<hbm>> -> memref<1x2x64xi32, #tpu.memory_space<hbm>>
    %dma_wait3A_71 = tpu.memref_squeeze %dma_wait3A_70 : memref<1x2x64xi32, #tpu.memory_space<hbm>> -> memref<2x64xi32, #tpu.memory_space<hbm>>
    %dma_wait3A_72 = arith.constant 0 : i32
    %dma_wait3A_73 = arith.constant 0 : i32
    %dma_wait3A_74 = tpu.memref_slice %arg4[%add3A, %dma_wait3A_72, %dma_wait3A_73] : memref<5120x2x64xi32, #tpu.memory_space<hbm>> -> memref<1x2x64xi32, #tpu.memory_space<hbm>>
    %dma_wait3A_75 = tpu.memref_squeeze %dma_wait3A_74 : memref<1x2x64xi32, #tpu.memory_space<hbm>> -> memref<2x64xi32, #tpu.memory_space<hbm>>
    tpu.wait_dma2 semaphore(%arg17 : memref<!tpu.dma_semaphore, #tpu.memory_space<semaphore_mem>>) src(%dma_wait3A_75 : memref<2x64xi32, #tpu.memory_space<hbm>>) dst(%arg6 : memref<2x64xi32, #tpu.memory_space<vmem>>)
    %add3A_76 = arith.constant 0 : i32
    %add3A_77 = arith.addi %add3A, %add3A_76 : i32
    %lt3A = arith.constant 5000 : i32
    %lt3A_78 = arith.cmpi slt, %add3A_77, %lt3A : i32
    %jit3A_79 = arith.constant 0 : i32
    %select_n3A_80 = arith.select %lt3A_78, %add3A_77, %jit3A_79 : i32
    %mul3A_81 = arith.constant 64 : i32
    %mul3A_82 = arith.muli %select_n3A_80, %mul3A_81 : i32
    %dma_start3A_83 = arith.constant 0 : i32
    %dma_start3A_84 = arith.constant 0 : i32
    %dma_start3A_85 = tpu.memref_slice %arg6[%dma_start3A_83, %dma_start3A_84] : memref<2x64xi32, #tpu.memory_space<vmem>> -> memref<1x64xi32, #tpu.memory_space<vmem>>
    %dma_start3A_86 = tpu.memref_squeeze %dma_start3A_85 : memref<1x64xi32, #tpu.memory_space<vmem>> -> memref<64xi32, #tpu.memory_space<vmem>>
    %dma_start3A_87 = arith.constant 0 : i32
    %dma_start3A_88 = arith.constant 0 : i32
    %dma_start3A_89 = tpu.memref_slice %arg2[%dma_start3A_87, %dma_start3A_88] : memref<10000x128xf32, #tpu.memory_space<hbm>> -> memref<10000x128xf32, #tpu.memory_space<hbm>>
    tpu.enqueue_indirect_dma source(%dma_start3A_89 : memref<10000x128xf32, #tpu.memory_space<hbm>>) target(%arg10 : memref<64x128xf32, #tpu.memory_space<vmem>>) offsets(%dma_start3A_86 : memref<64xi32, #tpu.memory_space<vmem>>) semaphore(%arg19 : memref<!tpu.dma_semaphore, #tpu.memory_space<semaphore_mem>>)
    %dma_start3A_90 = arith.constant 0 : i32
    %dma_start3A_91 = tpu.memref_slice %arg3[%mul3A_82, %dma_start3A_90] : memref<320000x128xf32, #tpu.memory_space<hbm>> -> memref<64x128xf32, #tpu.memory_space<hbm>>
    %dma_start3A_92 = arith.constant 0 : i32
    %dma_start3A_93 = tpu.memref_slice %arg3[%mul3A_82, %dma_start3A_92] : memref<320000x128xf32, #tpu.memory_space<hbm>> -> memref<64x128xf32, #tpu.memory_space<hbm>>
    tpu.enqueue_dma source(%dma_start3A_93 : memref<64x128xf32, #tpu.memory_space<hbm>>) target(%arg12 : memref<64x128xf32, #tpu.memory_space<vmem>>) target_semaphore(%arg21 : memref<!tpu.dma_semaphore, #tpu.memory_space<semaphore_mem>>)
    %jit3A_94 = arith.constant 2 : i32
    %div3A = arith.divsi %select_n3A, %jit3A_94 : i32
    %sign3A = arith.constant 0 : i32
    %sign3A_95 = arith.cmpi sgt, %select_n3A, %sign3A : i32
    %sign3A_96 = arith.extui %sign3A_95 : i1 to i32
    %sign3A_97 = arith.constant 0 : i32
    %sign3A_98 = arith.cmpi slt, %select_n3A, %sign3A_97 : i32
    %sign3A_99 = arith.extui %sign3A_98 : i1 to i32
    %sign3A_100 = arith.subi %sign3A_96, %sign3A_99 : i32
    %sign3A_101 = arith.constant 0 : i32
    %sign3A_102 = arith.cmpi sgt, %jit3A_94, %sign3A_101 : i32
    %sign3A_103 = arith.extui %sign3A_102 : i1 to i32
    %sign3A_104 = arith.constant 0 : i32
    %sign3A_105 = arith.cmpi slt, %jit3A_94, %sign3A_104 : i32
    %sign3A_106 = arith.extui %sign3A_105 : i1 to i32
    %sign3A_107 = arith.subi %sign3A_103, %sign3A_106 : i32
    %ne3A = arith.cmpi ne, %sign3A_100, %sign3A_107 : i32
    %rem3A = arith.remsi %select_n3A, %jit3A_94 : i32
    %ne3A_108 = arith.constant 0 : i32
    %ne3A_109 = arith.cmpi ne, %rem3A, %ne3A_108 : i32
    %and3A = arith.andi %ne3A, %ne3A_109 : i1
    %sub3A = arith.constant 1 : i32
    %sub3A_110 = arith.subi %div3A, %sub3A : i32
    %select_n3A_111 = arith.select %and3A, %sub3A_110, %div3A : i32
    %while3A = arith.constant 0 : i32
    %while3A_112 = arith.constant 0 : i32
    %while3A_113 = arith.subi %select_n3A_111, %while3A_112 : i32
    %while3A_114 = arith.addi %while3A_112, %while3A_113 : i32
    %while3A_115 = arith.constant 1 : i32
    %while3A_116 = arith.divsi %while3A_113, %while3A_115 : i32
    %while3A_117 = arith.muli %while3A_116, %while3A_115 : i32
    %while3A_118 = arith.addi %while3A_112, %while3A_117 : i32
    %while3A_119 = arith.constant 1 : i32
    scf.for %while3A_168 = %while3A_112 to %while3A_118 step %while3A_119  : i32 {
      %mul3A_169 = arith.constant 2 : i32
      %mul3A_170 = arith.muli %mul3A_169, %while3A_168 : i32
      %add3A_171 = arith.constant 0 : i32
      %add3A_172 = arith.addi %mul3A_170, %add3A_171 : i32
      %dma_wait3A_173 = arith.constant 0 : i32
      %dma_wait3A_174 = arith.constant 0 : i32
      %dma_wait3A_175 = tpu.memref_slice %arg6[%dma_wait3A_173, %dma_wait3A_174] : memref<2x64xi32, #tpu.memory_space<vmem>> -> memref<1x64xi32, #tpu.memory_space<vmem>>
      %dma_wait3A_176 = tpu.memref_squeeze %dma_wait3A_175 : memref<1x64xi32, #tpu.memory_space<vmem>> -> memref<64xi32, #tpu.memory_space<vmem>>
      %dma_wait3A_177 = arith.constant 0 : i32
      %dma_wait3A_178 = arith.constant 0 : i32
      %dma_wait3A_179 = tpu.memref_slice %arg2[%dma_wait3A_177, %dma_wait3A_178] : memref<10000x128xf32, #tpu.memory_space<hbm>> -> memref<10000x128xf32, #tpu.memory_space<hbm>>
      tpu.wait_indirect_dma semaphore(%arg19 : memref<!tpu.dma_semaphore, #tpu.memory_space<semaphore_mem>>) src(%dma_wait3A_179 : memref<10000x128xf32, #tpu.memory_space<hbm>>) dst(%arg10 : memref<64x128xf32, #tpu.memory_space<vmem>>)
      %dma_wait3A_180 = arith.constant 0 : i32
      %dma_wait3A_181 = arith.constant 0 : i32
      %dma_wait3A_182 = tpu.memref_slice %arg3[%dma_wait3A_180, %dma_wait3A_181] : memref<320000x128xf32, #tpu.memory_space<hbm>> -> memref<64x128xf32, #tpu.memory_space<hbm>>
      %dma_wait3A_183 = arith.constant 0 : i32
      %dma_wait3A_184 = arith.constant 0 : i32
      %dma_wait3A_185 = tpu.memref_slice %arg3[%dma_wait3A_183, %dma_wait3A_184] : memref<320000x128xf32, #tpu.memory_space<hbm>> -> memref<64x128xf32, #tpu.memory_space<hbm>>
      tpu.wait_dma2 semaphore(%arg21 : memref<!tpu.dma_semaphore, #tpu.memory_space<semaphore_mem>>) src(%dma_wait3A_185 : memref<64x128xf32, #tpu.memory_space<hbm>>) dst(%arg12 : memref<64x128xf32, #tpu.memory_space<vmem>>)
      %gt3A = arith.constant 0 : i32
      %gt3A_186 = arith.cmpi sgt, %while3A_168, %gt3A : i32
      %convert_element_type3A = arith.extui %gt3A_186 : i1 to i32
      %cond3A = arith.constant 0 : i32
      %cond3A_187 = arith.cmpi ne, %convert_element_type3A, %cond3A : i32
      scf.if %cond3A_187 {
        %dma_wait3A_344 = arith.constant 0 : i32
        %dma_wait3A_345 = arith.constant 0 : i32
        %dma_wait3A_346 = tpu.memref_slice %arg16[%dma_wait3A_344, %dma_wait3A_345] : memref<10112x128xf32, #tpu.memory_space<vmem_shared>> -> memref<10112x128xf32, #tpu.memory_space<vmem_shared>>
        tpu.wait_indirect_dma semaphore(%arg23 : memref<!tpu.dma_semaphore, #tpu.memory_space<semaphore_mem>>) src(%arg14 : memref<64x128xf32, #tpu.memory_space<vmem>>) dst(%dma_wait3A_346 : memref<10112x128xf32, #tpu.memory_space<vmem_shared>>)
      } else {
      }
      %get3A = arith.constant 1 : i32
      %get3A_188 = arith.index_cast %get3A : i32 to index
      %get3A_189 = arith.constant 0 : index
      %get3A_190 = tpu.vector_load %arg6[%get3A_188, %get3A_189] {strides = array<i32>} : memref<2x64xi32, #tpu.memory_space<vmem>>, vector<1x16xi32>,
      %get3A_191 = vector.shape_cast %get3A_190 : vector<1x16xi32> to vector<16xi32>
      %swap3A = arith.constant 0 : index
      %swap3A_192 = tpu.vector_load %arg8[%swap3A] {strides = array<i32>} : memref<64xi32, #tpu.memory_space<vmem>>, vector<16xi32>,
      %swap3A_193 = vector.shape_cast %swap3A_192 : vector<16xi32> to vector<16xi32>
      %swap3A_194 = vector.shape_cast %get3A_191 : vector<16xi32> to vector<16xi32>
      tpu.vector_store %arg8[%swap3A], %swap3A_194 {strides = array<i32>} : memref<64xi32, #tpu.memory_space<vmem>>, vector<16xi32>,
      %get3A_195 = arith.constant 1 : i32
      %get3A_196 = arith.index_cast %get3A_195 : i32 to index
      %get3A_197 = arith.constant 16 : index
      %get3A_198 = tpu.vector_load %arg6[%get3A_196, %get3A_197] {strides = array<i32>} : memref<2x64xi32, #tpu.memory_space<vmem>>, vector<1x16xi32>,
      %get3A_199 = vector.shape_cast %get3A_198 : vector<1x16xi32> to vector<16xi32>
      %swap3A_200 = arith.constant 16 : index
      %swap3A_201 = tpu.vector_load %arg8[%swap3A_200] {strides = array<i32>} : memref<64xi32, #tpu.memory_space<vmem>>, vector<16xi32>,
      %swap3A_202 = vector.shape_cast %swap3A_201 : vector<16xi32> to vector<16xi32>
      %swap3A_203 = vector.shape_cast %get3A_199 : vector<16xi32> to vector<16xi32>
      tpu.vector_store %arg8[%swap3A_200], %swap3A_203 {strides = array<i32>} : memref<64xi32, #tpu.memory_space<vmem>>, vector<16xi32>,
      %get3A_204 = arith.constant 1 : i32
      %get3A_205 = arith.index_cast %get3A_204 : i32 to index
      %get3A_206 = arith.constant 32 : index
      %get3A_207 = tpu.vector_load %arg6[%get3A_205, %get3A_206] {strides = array<i32>} : memref<2x64xi32, #tpu.memory_space<vmem>>, vector<1x16xi32>,
      %get3A_208 = vector.shape_cast %get3A_207 : vector<1x16xi32> to vector<16xi32>
      %swap3A_209 = arith.constant 32 : index
      %swap3A_210 = tpu.vector_load %arg8[%swap3A_209] {strides = array<i32>} : memref<64xi32, #tpu.memory_space<vmem>>, vector<16xi32>,
      %swap3A_211 = vector.shape_cast %swap3A_210 : vector<16xi32> to vector<16xi32>
      %swap3A_212 = vector.shape_cast %get3A_208 : vector<16xi32> to vector<16xi32>
      tpu.vector_store %arg8[%swap3A_209], %swap3A_212 {strides = array<i32>} : memref<64xi32, #tpu.memory_space<vmem>>, vector<16xi32>,
      %get3A_213 = arith.constant 1 : i32
      %get3A_214 = arith.index_cast %get3A_213 : i32 to index
      %get3A_215 = arith.constant 48 : index
      %get3A_216 = tpu.vector_load %arg6[%get3A_214, %get3A_215] {strides = array<i32>} : memref<2x64xi32, #tpu.memory_space<vmem>>, vector<1x16xi32>,
      %get3A_217 = vector.shape_cast %get3A_216 : vector<1x16xi32> to vector<16xi32>
      %swap3A_218 = arith.constant 48 : index
      %swap3A_219 = tpu.vector_load %arg8[%swap3A_218] {strides = array<i32>} : memref<64xi32, #tpu.memory_space<vmem>>, vector<16xi32>,
      %swap3A_220 = vector.shape_cast %swap3A_219 : vector<16xi32> to vector<16xi32>
      %swap3A_221 = vector.shape_cast %get3A_217 : vector<16xi32> to vector<16xi32>
      tpu.vector_store %arg8[%swap3A_218], %swap3A_221 {strides = array<i32>} : memref<64xi32, #tpu.memory_space<vmem>>, vector<16xi32>,
      %sub3A_222 = arith.constant 1 : i32
      %sub3A_223 = arith.subi %select_n3A_111, %sub3A_222 : i32
      %lt3A_224 = arith.cmpi slt, %while3A_168, %sub3A_223 : i32
      %convert_element_type3A_225 = arith.extui %lt3A_224 : i1 to i32
      %cond3A_226 = arith.constant 0 : i32
      %cond3A_227 = arith.cmpi ne, %convert_element_type3A_225, %cond3A_226 : i32
      scf.if %cond3A_227 {
        %add3A_344 = arith.constant 2 : i32
        %add3A_345 = arith.addi %add3A_172, %add3A_344 : i32
        %add3A_346 = arith.addi %add3A, %add3A_345 : i32
        %dma_start3A_347 = arith.constant 0 : i32
        %dma_start3A_348 = arith.constant 0 : i32
        %dma_start3A_349 = tpu.memref_slice %arg4[%add3A_346, %dma_start3A_347, %dma_start3A_348] : memref<5120x2x64xi32, #tpu.memory_space<hbm>> -> memref<1x2x64xi32, #tpu.memory_space<hbm>>
        %dma_start3A_350 = tpu.memref_squeeze %dma_start3A_349 : memref<1x2x64xi32, #tpu.memory_space<hbm>> -> memref<2x64xi32, #tpu.memory_space<hbm>>
        %dma_start3A_351 = arith.constant 0 : i32
        %dma_start3A_352 = arith.constant 0 : i32
        %dma_start3A_353 = tpu.memref_slice %arg4[%add3A_346, %dma_start3A_351, %dma_start3A_352] : memref<5120x2x64xi32, #tpu.memory_space<hbm>> -> memref<1x2x64xi32, #tpu.memory_space<hbm>>
        %dma_start3A_354 = tpu.memref_squeeze %dma_start3A_353 : memref<1x2x64xi32, #tpu.memory_space<hbm>> -> memref<2x64xi32, #tpu.memory_space<hbm>>
        tpu.enqueue_dma source(%dma_start3A_354 : memref<2x64xi32, #tpu.memory_space<hbm>>) target(%arg6 : memref<2x64xi32, #tpu.memory_space<vmem>>) target_semaphore(%arg17 : memref<!tpu.dma_semaphore, #tpu.memory_space<semaphore_mem>>)
      } else {
      }
      %dma_wait3A_228 = arith.constant 0 : i32
      %dma_wait3A_229 = arith.constant 0 : i32
      %dma_wait3A_230 = tpu.memref_slice %arg4[%add3A, %dma_wait3A_228, %dma_wait3A_229] : memref<5120x2x64xi32, #tpu.memory_space<hbm>> -> memref<1x2x64xi32, #tpu.memory_space<hbm>>
      %dma_wait3A_231 = tpu.memref_squeeze %dma_wait3A_230 : memref<1x2x64xi32, #tpu.memory_space<hbm>> -> memref<2x64xi32, #tpu.memory_space<hbm>>
      %dma_wait3A_232 = arith.constant 0 : i32
      %dma_wait3A_233 = arith.constant 0 : i32
      %dma_wait3A_234 = tpu.memref_slice %arg4[%add3A, %dma_wait3A_232, %dma_wait3A_233] : memref<5120x2x64xi32, #tpu.memory_space<hbm>> -> memref<1x2x64xi32, #tpu.memory_space<hbm>>
      %dma_wait3A_235 = tpu.memref_squeeze %dma_wait3A_234 : memref<1x2x64xi32, #tpu.memory_space<hbm>> -> memref<2x64xi32, #tpu.memory_space<hbm>>
      tpu.wait_dma2 semaphore(%arg18 : memref<!tpu.dma_semaphore, #tpu.memory_space<semaphore_mem>>) src(%dma_wait3A_235 : memref<2x64xi32, #tpu.memory_space<hbm>>) dst(%arg7 : memref<2x64xi32, #tpu.memory_space<vmem>>)
      %add3A_236 = arith.constant 1 : i32
      %add3A_237 = arith.addi %add3A_172, %add3A_236 : i32
      %add3A_238 = arith.addi %add3A, %add3A_237 : i32
      %lt3A_239 = arith.constant 5000 : i32
      %lt3A_240 = arith.cmpi slt, %add3A_238, %lt3A_239 : i32
      %jit3A_241 = arith.constant 0 : i32
      %select_n3A_242 = arith.select %lt3A_240, %add3A_238, %jit3A_241 : i32
      %mul3A_243 = arith.constant 64 : i32
      %mul3A_244 = arith.muli %select_n3A_242, %mul3A_243 : i32
      %dma_start3A_245 = arith.constant 0 : i32
      %dma_start3A_246 = arith.constant 0 : i32
      %dma_start3A_247 = tpu.memref_slice %arg7[%dma_start3A_245, %dma_start3A_246] : memref<2x64xi32, #tpu.memory_space<vmem>> -> memref<1x64xi32, #tpu.memory_space<vmem>>
      %dma_start3A_248 = tpu.memref_squeeze %dma_start3A_247 : memref<1x64xi32, #tpu.memory_space<vmem>> -> memref<64xi32, #tpu.memory_space<vmem>>
      %dma_start3A_249 = arith.constant 0 : i32
      %dma_start3A_250 = arith.constant 0 : i32
      %dma_start3A_251 = tpu.memref_slice %arg2[%dma_start3A_249, %dma_start3A_250] : memref<10000x128xf32, #tpu.memory_space<hbm>> -> memref<10000x128xf32, #tpu.memory_space<hbm>>
      tpu.enqueue_indirect_dma source(%dma_start3A_251 : memref<10000x128xf32, #tpu.memory_space<hbm>>) target(%arg11 : memref<64x128xf32, #tpu.memory_space<vmem>>) offsets(%dma_start3A_248 : memref<64xi32, #tpu.memory_space<vmem>>) semaphore(%arg20 : memref<!tpu.dma_semaphore, #tpu.memory_space<semaphore_mem>>)
      %dma_start3A_252 = arith.constant 0 : i32
      %dma_start3A_253 = tpu.memref_slice %arg3[%mul3A_244, %dma_start3A_252] : memref<320000x128xf32, #tpu.memory_space<hbm>> -> memref<64x128xf32, #tpu.memory_space<hbm>>
      %dma_start3A_254 = arith.constant 0 : i32
      %dma_start3A_255 = tpu.memref_slice %arg3[%mul3A_244, %dma_start3A_254] : memref<320000x128xf32, #tpu.memory_space<hbm>> -> memref<64x128xf32, #tpu.memory_space<hbm>>
      tpu.enqueue_dma source(%dma_start3A_255 : memref<64x128xf32, #tpu.memory_space<hbm>>) target(%arg13 : memref<64x128xf32, #tpu.memory_space<vmem>>) target_semaphore(%arg22 : memref<!tpu.dma_semaphore, #tpu.memory_space<semaphore_mem>>)
      %scan3A_256 = arith.constant 0 : i32
      %scan3A_257 = arith.constant 0 : i32
      %scan3A_258 = arith.constant 64 : i32
      %scan3A_259 = arith.addi %scan3A_257, %scan3A_258 : i32
      %scan3A_260 = arith.constant 1 : i32
      scf.for %scan3A_344 = %scan3A_257 to %scan3A_259 step %scan3A_260  : i32 {
        %get3A_345 = arith.index_cast %scan3A_344 : i32 to index
        %get3A_346 = arith.constant 0 : index
        %get3A_347 = tpu.vector_load %arg10[%get3A_345, %get3A_346] {strides = array<i32>} : memref<64x128xf32, #tpu.memory_space<vmem>>, vector<1x16xf32>,
        %get3A_348 = vector.shape_cast %get3A_347 : vector<1x16xf32> to vector<16xf32>
        %get3A_349 = arith.index_cast %scan3A_344 : i32 to index
        %get3A_350 = arith.constant 0 : index
        %get3A_351 = tpu.vector_load %arg12[%get3A_349, %get3A_350] {strides = array<i32>} : memref<64x128xf32, #tpu.memory_space<vmem>>, vector<1x16xf32>,
        %get3A_352 = vector.shape_cast %get3A_351 : vector<1x16xf32> to vector<16xf32>
        %mul3A_353 = arith.mulf %get3A_348, %get3A_352 : vector<16xf32>
        %swap3A_354 = arith.index_cast %scan3A_344 : i32 to index
        %swap3A_355 = arith.constant 0 : index
        %swap3A_356 = tpu.vector_load %arg14[%swap3A_354, %swap3A_355] {strides = array<i32>} : memref<64x128xf32, #tpu.memory_space<vmem>>, vector<1x16xf32>,
        %swap3A_357 = vector.shape_cast %swap3A_356 : vector<1x16xf32> to vector<16xf32>
        %swap3A_358 = vector.shape_cast %mul3A_353 : vector<16xf32> to vector<1x16xf32>
        tpu.vector_store %arg14[%swap3A_354, %swap3A_355], %swap3A_358 {strides = array<i32>} : memref<64x128xf32, #tpu.memory_space<vmem>>, vector<1x16xf32>,
        %get3A_359 = arith.index_cast %scan3A_344 : i32 to index
        %get3A_360 = arith.constant 16 : index
        %get3A_361 = tpu.vector_load %arg10[%get3A_359, %get3A_360] {strides = array<i32>} : memref<64x128xf32, #tpu.memory_space<vmem>>, vector<1x16xf32>,
        %get3A_362 = vector.shape_cast %get3A_361 : vector<1x16xf32> to vector<16xf32>
        %get3A_363 = arith.index_cast %scan3A_344 : i32 to index
        %get3A_364 = arith.constant 16 : index
        %get3A_365 = tpu.vector_load %arg12[%get3A_363, %get3A_364] {strides = array<i32>} : memref<64x128xf32, #tpu.memory_space<vmem>>, vector<1x16xf32>,
        %get3A_366 = vector.shape_cast %get3A_365 : vector<1x16xf32> to vector<16xf32>
        %mul3A_367 = arith.mulf %get3A_362, %get3A_366 : vector<16xf32>
        %swap3A_368 = arith.index_cast %scan3A_344 : i32 to index
        %swap3A_369 = arith.constant 16 : index
        %swap3A_370 = tpu.vector_load %arg14[%swap3A_368, %swap3A_369] {strides = array<i32>} : memref<64x128xf32, #tpu.memory_space<vmem>>, vector<1x16xf32>,
        %swap3A_371 = vector.shape_cast %swap3A_370 : vector<1x16xf32> to vector<16xf32>
        %swap3A_372 = vector.shape_cast %mul3A_367 : vector<16xf32> to vector<1x16xf32>
        tpu.vector_store %arg14[%swap3A_368, %swap3A_369], %swap3A_372 {strides = array<i32>} : memref<64x128xf32, #tpu.memory_space<vmem>>, vector<1x16xf32>,
        %get3A_373 = arith.index_cast %scan3A_344 : i32 to index
        %get3A_374 = arith.constant 32 : index
        %get3A_375 = tpu.vector_load %arg10[%get3A_373, %get3A_374] {strides = array<i32>} : memref<64x128xf32, #tpu.memory_space<vmem>>, vector<1x16xf32>,
        %get3A_376 = vector.shape_cast %get3A_375 : vector<1x16xf32> to vector<16xf32>
        %get3A_377 = arith.index_cast %scan3A_344 : i32 to index
        %get3A_378 = arith.constant 32 : index
        %get3A_379 = tpu.vector_load %arg12[%get3A_377, %get3A_378] {strides = array<i32>} : memref<64x128xf32, #tpu.memory_space<vmem>>, vector<1x16xf32>,
        %get3A_380 = vector.shape_cast %get3A_379 : vector<1x16xf32> to vector<16xf32>
        %mul3A_381 = arith.mulf %get3A_376, %get3A_380 : vector<16xf32>
        %swap3A_382 = arith.index_cast %scan3A_344 : i32 to index
        %swap3A_383 = arith.constant 32 : index
        %swap3A_384 = tpu.vector_load %arg14[%swap3A_382, %swap3A_383] {strides = array<i32>} : memref<64x128xf32, #tpu.memory_space<vmem>>, vector<1x16xf32>,
        %swap3A_385 = vector.shape_cast %swap3A_384 : vector<1x16xf32> to vector<16xf32>
        %swap3A_386 = vector.shape_cast %mul3A_381 : vector<16xf32> to vector<1x16xf32>
        tpu.vector_store %arg14[%swap3A_382, %swap3A_383], %swap3A_386 {strides = array<i32>} : memref<64x128xf32, #tpu.memory_space<vmem>>, vector<1x16xf32>,
        %get3A_387 = arith.index_cast %scan3A_344 : i32 to index
        %get3A_388 = arith.constant 48 : index
        %get3A_389 = tpu.vector_load %arg10[%get3A_387, %get3A_388] {strides = array<i32>} : memref<64x128xf32, #tpu.memory_space<vmem>>, vector<1x16xf32>,
        %get3A_390 = vector.shape_cast %get3A_389 : vector<1x16xf32> to vector<16xf32>
        %get3A_391 = arith.index_cast %scan3A_344 : i32 to index
        %get3A_392 = arith.constant 48 : index
        %get3A_393 = tpu.vector_load %arg12[%get3A_391, %get3A_392] {strides = array<i32>} : memref<64x128xf32, #tpu.memory_space<vmem>>, vector<1x16xf32>,
        %get3A_394 = vector.shape_cast %get3A_393 : vector<1x16xf32> to vector<16xf32>
        %mul3A_395 = arith.mulf %get3A_390, %get3A_394 : vector<16xf32>
        %swap3A_396 = arith.index_cast %scan3A_344 : i32 to index
        %swap3A_397 = arith.constant 48 : index
        %swap3A_398 = tpu.vector_load %arg14[%swap3A_396, %swap3A_397] {strides = array<i32>} : memref<64x128xf32, #tpu.memory_space<vmem>>, vector<1x16xf32>,
        %swap3A_399 = vector.shape_cast %swap3A_398 : vector<1x16xf32> to vector<16xf32>
        %swap3A_400 = vector.shape_cast %mul3A_395 : vector<16xf32> to vector<1x16xf32>
        tpu.vector_store %arg14[%swap3A_396, %swap3A_397], %swap3A_400 {strides = array<i32>} : memref<64x128xf32, #tpu.memory_space<vmem>>, vector<1x16xf32>,
        %get3A_401 = arith.index_cast %scan3A_344 : i32 to index
        %get3A_402 = arith.constant 64 : index
        %get3A_403 = tpu.vector_load %arg10[%get3A_401, %get3A_402] {strides = array<i32>} : memref<64x128xf32, #tpu.memory_space<vmem>>, vector<1x16xf32>,
        %get3A_404 = vector.shape_cast %get3A_403 : vector<1x16xf32> to vector<16xf32>
        %get3A_405 = arith.index_cast %scan3A_344 : i32 to index
        %get3A_406 = arith.constant 64 : index
        %get3A_407 = tpu.vector_load %arg12[%get3A_405, %get3A_406] {strides = array<i32>} : memref<64x128xf32, #tpu.memory_space<vmem>>, vector<1x16xf32>,
        %get3A_408 = vector.shape_cast %get3A_407 : vector<1x16xf32> to vector<16xf32>
        %mul3A_409 = arith.mulf %get3A_404, %get3A_408 : vector<16xf32>
        %swap3A_410 = arith.index_cast %scan3A_344 : i32 to index
        %swap3A_411 = arith.constant 64 : index
        %swap3A_412 = tpu.vector_load %arg14[%swap3A_410, %swap3A_411] {strides = array<i32>} : memref<64x128xf32, #tpu.memory_space<vmem>>, vector<1x16xf32>,
        %swap3A_413 = vector.shape_cast %swap3A_412 : vector<1x16xf32> to vector<16xf32>
        %swap3A_414 = vector.shape_cast %mul3A_409 : vector<16xf32> to vector<1x16xf32>
        tpu.vector_store %arg14[%swap3A_410, %swap3A_411], %swap3A_414 {strides = array<i32>} : memref<64x128xf32, #tpu.memory_space<vmem>>, vector<1x16xf32>,
        %get3A_415 = arith.index_cast %scan3A_344 : i32 to index
        %get3A_416 = arith.constant 80 : index
        %get3A_417 = tpu.vector_load %arg10[%get3A_415, %get3A_416] {strides = array<i32>} : memref<64x128xf32, #tpu.memory_space<vmem>>, vector<1x16xf32>,
        %get3A_418 = vector.shape_cast %get3A_417 : vector<1x16xf32> to vector<16xf32>
        %get3A_419 = arith.index_cast %scan3A_344 : i32 to index
        %get3A_420 = arith.constant 80 : index
        %get3A_421 = tpu.vector_load %arg12[%get3A_419, %get3A_420] {strides = array<i32>} : memref<64x128xf32, #tpu.memory_space<vmem>>, vector<1x16xf32>,
        %get3A_422 = vector.shape_cast %get3A_421 : vector<1x16xf32> to vector<16xf32>
        %mul3A_423 = arith.mulf %get3A_418, %get3A_422 : vector<16xf32>
        %swap3A_424 = arith.index_cast %scan3A_344 : i32 to index
        %swap3A_425 = arith.constant 80 : index
        %swap3A_426 = tpu.vector_load %arg14[%swap3A_424, %swap3A_425] {strides = array<i32>} : memref<64x128xf32, #tpu.memory_space<vmem>>, vector<1x16xf32>,
        %swap3A_427 = vector.shape_cast %swap3A_426 : vector<1x16xf32> to vector<16xf32>
        %swap3A_428 = vector.shape_cast %mul3A_423 : vector<16xf32> to vector<1x16xf32>
        tpu.vector_store %arg14[%swap3A_424, %swap3A_425], %swap3A_428 {strides = array<i32>} : memref<64x128xf32, #tpu.memory_space<vmem>>, vector<1x16xf32>,
        %get3A_429 = arith.index_cast %scan3A_344 : i32 to index
        %get3A_430 = arith.constant 96 : index
        %get3A_431 = tpu.vector_load %arg10[%get3A_429, %get3A_430] {strides = array<i32>} : memref<64x128xf32, #tpu.memory_space<vmem>>, vector<1x16xf32>,
        %get3A_432 = vector.shape_cast %get3A_431 : vector<1x16xf32> to vector<16xf32>
        %get3A_433 = arith.index_cast %scan3A_344 : i32 to index
        %get3A_434 = arith.constant 96 : index
        %get3A_435 = tpu.vector_load %arg12[%get3A_433, %get3A_434] {strides = array<i32>} : memref<64x128xf32, #tpu.memory_space<vmem>>, vector<1x16xf32>,
        %get3A_436 = vector.shape_cast %get3A_435 : vector<1x16xf32> to vector<16xf32>
        %mul3A_437 = arith.mulf %get3A_432, %get3A_436 : vector<16xf32>
        %swap3A_438 = arith.index_cast %scan3A_344 : i32 to index
        %swap3A_439 = arith.constant 96 : index
        %swap3A_440 = tpu.vector_load %arg14[%swap3A_438, %swap3A_439] {strides = array<i32>} : memref<64x128xf32, #tpu.memory_space<vmem>>, vector<1x16xf32>,
        %swap3A_441 = vector.shape_cast %swap3A_440 : vector<1x16xf32> to vector<16xf32>
        %swap3A_442 = vector.shape_cast %mul3A_437 : vector<16xf32> to vector<1x16xf32>
        tpu.vector_store %arg14[%swap3A_438, %swap3A_439], %swap3A_442 {strides = array<i32>} : memref<64x128xf32, #tpu.memory_space<vmem>>, vector<1x16xf32>,
        %get3A_443 = arith.index_cast %scan3A_344 : i32 to index
        %get3A_444 = arith.constant 112 : index
        %get3A_445 = tpu.vector_load %arg10[%get3A_443, %get3A_444] {strides = array<i32>} : memref<64x128xf32, #tpu.memory_space<vmem>>, vector<1x16xf32>,
        %get3A_446 = vector.shape_cast %get3A_445 : vector<1x16xf32> to vector<16xf32>
        %get3A_447 = arith.index_cast %scan3A_344 : i32 to index
        %get3A_448 = arith.constant 112 : index
        %get3A_449 = tpu.vector_load %arg12[%get3A_447, %get3A_448] {strides = array<i32>} : memref<64x128xf32, #tpu.memory_space<vmem>>, vector<1x16xf32>,
        %get3A_450 = vector.shape_cast %get3A_449 : vector<1x16xf32> to vector<16xf32>
        %mul3A_451 = arith.mulf %get3A_446, %get3A_450 : vector<16xf32>
        %swap3A_452 = arith.index_cast %scan3A_344 : i32 to index
        %swap3A_453 = arith.constant 112 : index
        %swap3A_454 = tpu.vector_load %arg14[%swap3A_452, %swap3A_453] {strides = array<i32>} : memref<64x128xf32, #tpu.memory_space<vmem>>, vector<1x16xf32>,
        %swap3A_455 = vector.shape_cast %swap3A_454 : vector<1x16xf32> to vector<16xf32>
        %swap3A_456 = vector.shape_cast %mul3A_451 : vector<16xf32> to vector<1x16xf32>
        tpu.vector_store %arg14[%swap3A_452, %swap3A_453], %swap3A_456 {strides = array<i32>} : memref<64x128xf32, #tpu.memory_space<vmem>>, vector<1x16xf32>,
      }
      %scan3A_261 = arith.constant 64 : i32
      %dma_start3A_262 = arith.constant 0 : i32
      %dma_start3A_263 = arith.constant 0 : i32
      %dma_start3A_264 = tpu.memref_slice %arg16[%dma_start3A_262, %dma_start3A_263] : memref<10112x128xf32, #tpu.memory_space<vmem_shared>> -> memref<10112x128xf32, #tpu.memory_space<vmem_shared>>
      tpu.enqueue_indirect_dma source(%arg14 : memref<64x128xf32, #tpu.memory_space<vmem>>) target(%dma_start3A_264 : memref<10112x128xf32, #tpu.memory_space<vmem_shared>>) offsets(%arg8 : memref<64xi32, #tpu.memory_space<vmem>>) semaphore(%arg23 : memref<!tpu.dma_semaphore, #tpu.memory_space<semaphore_mem>>) {add = true}
      %mul3A_265 = arith.constant 2 : i32
      %mul3A_266 = arith.muli %mul3A_265, %while3A_168 : i32
      %add3A_267 = arith.constant 1 : i32
      %add3A_268 = arith.addi %mul3A_266, %add3A_267 : i32
      %dma_wait3A_269 = arith.constant 0 : i32
      %dma_wait3A_270 = arith.constant 0 : i32
      %dma_wait3A_271 = tpu.memref_slice %arg7[%dma_wait3A_269, %dma_wait3A_270] : memref<2x64xi32, #tpu.memory_space<vmem>> -> memref<1x64xi32, #tpu.memory_space<vmem>>
      %dma_wait3A_272 = tpu.memref_squeeze %dma_wait3A_271 : memref<1x64xi32, #tpu.memory_space<vmem>> -> memref<64xi32, #tpu.memory_space<vmem>>
      %dma_wait3A_273 = arith.constant 0 : i32
      %dma_wait3A_274 = arith.constant 0 : i32
      %dma_wait3A_275 = tpu.memref_slice %arg2[%dma_wait3A_273, %dma_wait3A_274] : memref<10000x128xf32, #tpu.memory_space<hbm>> -> memref<10000x128xf32, #tpu.memory_space<hbm>>
      tpu.wait_indirect_dma semaphore(%arg20 : memref<!tpu.dma_semaphore, #tpu.memory_space<semaphore_mem>>) src(%dma_wait3A_275 : memref<10000x128xf32, #tpu.memory_space<hbm>>) dst(%arg11 : memref<64x128xf32, #tpu.memory_space<vmem>>)
      %dma_wait3A_276 = arith.constant 0 : i32
      %dma_wait3A_277 = arith.constant 0 : i32
      %dma_wait3A_278 = tpu.memref_slice %arg3[%dma_wait3A_276, %dma_wait3A_277] : memref<320000x128xf32, #tpu.memory_space<hbm>> -> memref<64x128xf32, #tpu.memory_space<hbm>>
      %dma_wait3A_279 = arith.constant 0 : i32
      %dma_wait3A_280 = arith.constant 0 : i32
      %dma_wait3A_281 = tpu.memref_slice %arg3[%dma_wait3A_279, %dma_wait3A_280] : memref<320000x128xf32, #tpu.memory_space<hbm>> -> memref<64x128xf32, #tpu.memory_space<hbm>>
      tpu.wait_dma2 semaphore(%arg22 : memref<!tpu.dma_semaphore, #tpu.memory_space<semaphore_mem>>) src(%dma_wait3A_281 : memref<64x128xf32, #tpu.memory_space<hbm>>) dst(%arg13 : memref<64x128xf32, #tpu.memory_space<vmem>>)
      %gt3A_282 = arith.constant 0 : i32
      %gt3A_283 = arith.cmpi sgt, %while3A_168, %gt3A_282 : i32
      %convert_element_type3A_284 = arith.extui %gt3A_283 : i1 to i32
      %cond3A_285 = arith.constant 0 : i32
      %cond3A_286 = arith.cmpi ne, %convert_element_type3A_284, %cond3A_285 : i32
      scf.if %cond3A_286 {
        %dma_wait3A_344 = arith.constant 0 : i32
        %dma_wait3A_345 = arith.constant 0 : i32
        %dma_wait3A_346 = tpu.memref_slice %arg16[%dma_wait3A_344, %dma_wait3A_345] : memref<10112x128xf32, #tpu.memory_space<vmem_shared>> -> memref<10112x128xf32, #tpu.memory_space<vmem_shared>>
        tpu.wait_indirect_dma semaphore(%arg24 : memref<!tpu.dma_semaphore, #tpu.memory_space<semaphore_mem>>) src(%arg15 : memref<64x128xf32, #tpu.memory_space<vmem>>) dst(%dma_wait3A_346 : memref<10112x128xf32, #tpu.memory_space<vmem_shared>>)
      } else {
      }
      %get3A_287 = arith.constant 1 : i32
      %get3A_288 = arith.index_cast %get3A_287 : i32 to index
      %get3A_289 = arith.constant 0 : index
      %get3A_290 = tpu.vector_load %arg7[%get3A_288, %get3A_289] {strides = array<i32>} : memref<2x64xi32, #tpu.memory_space<vmem>>, vector<1x16xi32>,
      %get3A_291 = vector.shape_cast %get3A_290 : vector<1x16xi32> to vector<16xi32>
      %swap3A_292 = arith.constant 0 : index
      %swap3A_293 = tpu.vector_load %arg9[%swap3A_292] {strides = array<i32>} : memref<64xi32, #tpu.memory_space<vmem>>, vector<16xi32>,
      %swap3A_294 = vector.shape_cast %swap3A_293 : vector<16xi32> to vector<16xi32>
      %swap3A_295 = vector.shape_cast %get3A_291 : vector<16xi32> to vector<16xi32>
      tpu.vector_store %arg9[%swap3A_292], %swap3A_295 {strides = array<i32>} : memref<64xi32, #tpu.memory_space<vmem>>, vector<16xi32>,
      %get3A_296 = arith.constant 1 : i32
      %get3A_297 = arith.index_cast %get3A_296 : i32 to index
      %get3A_298 = arith.constant 16 : index
      %get3A_299 = tpu.vector_load %arg7[%get3A_297, %get3A_298] {strides = array<i32>} : memref<2x64xi32, #tpu.memory_space<vmem>>, vector<1x16xi32>,
      %get3A_300 = vector.shape_cast %get3A_299 : vector<1x16xi32> to vector<16xi32>
      %swap3A_301 = arith.constant 16 : index
      %swap3A_302 = tpu.vector_load %arg9[%swap3A_301] {strides = array<i32>} : memref<64xi32, #tpu.memory_space<vmem>>, vector<16xi32>,
      %swap3A_303 = vector.shape_cast %swap3A_302 : vector<16xi32> to vector<16xi32>
      %swap3A_304 = vector.shape_cast %get3A_300 : vector<16xi32> to vector<16xi32>
      tpu.vector_store %arg9[%swap3A_301], %swap3A_304 {strides = array<i32>} : memref<64xi32, #tpu.memory_space<vmem>>, vector<16xi32>,
      %get3A_305 = arith.constant 1 : i32
      %get3A_306 = arith.index_cast %get3A_305 : i32 to index
      %get3A_307 = arith.constant 32 : index
      %get3A_308 = tpu.vector_load %arg7[%get3A_306, %get3A_307] {strides = array<i32>} : memref<2x64xi32, #tpu.memory_space<vmem>>, vector<1x16xi32>,
      %get3A_309 = vector.shape_cast %get3A_308 : vector<1x16xi32> to vector<16xi32>
      %swap3A_310 = arith.constant 32 : index
      %swap3A_311 = tpu.vector_load %arg9[%swap3A_310] {strides = array<i32>} : memref<64xi32, #tpu.memory_space<vmem>>, vector<16xi32>,
      %swap3A_312 = vector.shape_cast %swap3A_311 : vector<16xi32> to vector<16xi32>
      %swap3A_313 = vector.shape_cast %get3A_309 : vector<16xi32> to vector<16xi32>
      tpu.vector_store %arg9[%swap3A_310], %swap3A_313 {strides = array<i32>} : memref<64xi32, #tpu.memory_space<vmem>>, vector<16xi32>,
      %get3A_314 = arith.constant 1 : i32
      %get3A_315 = arith.index_cast %get3A_314 : i32 to index
      %get3A_316 = arith.constant 48 : index
      %get3A_317 = tpu.vector_load %arg7[%get3A_315, %get3A_316] {strides = array<i32>} : memref<2x64xi32, #tpu.memory_space<vmem>>, vector<1x16xi32>,
      %get3A_318 = vector.shape_cast %get3A_317 : vector<1x16xi32> to vector<16xi32>
      %swap3A_319 = arith.constant 48 : index
      %swap3A_320 = tpu.vector_load %arg9[%swap3A_319] {strides = array<i32>} : memref<64xi32, #tpu.memory_space<vmem>>, vector<16xi32>,
      %swap3A_321 = vector.shape_cast %swap3A_320 : vector<16xi32> to vector<16xi32>
      %swap3A_322 = vector.shape_cast %get3A_318 : vector<16xi32> to vector<16xi32>
      tpu.vector_store %arg9[%swap3A_319], %swap3A_322 {strides = array<i32>} : memref<64xi32, #tpu.memory_space<vmem>>, vector<16xi32>,
      %sub3A_323 = arith.constant 1 : i32
      %sub3A_324 = arith.subi %select_n3A_111, %sub3A_323 : i32
      %lt3A_325 = arith.cmpi slt, %while3A_168, %sub3A_324 : i32
      %convert_element_type3A_326 = arith.extui %lt3A_325 : i1 to i32
      %cond3A_327 = arith.constant 0 : i32
      %cond3A_328 = arith.cmpi ne, %convert_element_type3A_326, %cond3A_327 : i32
      scf.if %cond3A_328 {
        %add3A_344 = arith.constant 2 : i32
        %add3A_345 = arith.addi %add3A_268, %add3A_344 : i32
        %add3A_346 = arith.addi %add3A, %add3A_345 : i32
        %dma_start3A_347 = arith.constant 0 : i32
        %dma_start3A_348 = arith.constant 0 : i32
        %dma_start3A_349 = tpu.memref_slice %arg4[%add3A_346, %dma_start3A_347, %dma_start3A_348] : memref<5120x2x64xi32, #tpu.memory_space<hbm>> -> memref<1x2x64xi32, #tpu.memory_space<hbm>>
        %dma_start3A_350 = tpu.memref_squeeze %dma_start3A_349 : memref<1x2x64xi32, #tpu.memory_space<hbm>> -> memref<2x64xi32, #tpu.memory_space<hbm>>
        %dma_start3A_351 = arith.constant 0 : i32
        %dma_start3A_352 = arith.constant 0 : i32
        %dma_start3A_353 = tpu.memref_slice %arg4[%add3A_346, %dma_start3A_351, %dma_start3A_352] : memref<5120x2x64xi32, #tpu.memory_space<hbm>> -> memref<1x2x64xi32, #tpu.memory_space<hbm>>
        %dma_start3A_354 = tpu.memref_squeeze %dma_start3A_353 : memref<1x2x64xi32, #tpu.memory_space<hbm>> -> memref<2x64xi32, #tpu.memory_space<hbm>>
        tpu.enqueue_dma source(%dma_start3A_354 : memref<2x64xi32, #tpu.memory_space<hbm>>) target(%arg7 : memref<2x64xi32, #tpu.memory_space<vmem>>) target_semaphore(%arg18 : memref<!tpu.dma_semaphore, #tpu.memory_space<semaphore_mem>>)
      } else {
      }
      %sub3A_329 = arith.constant 1 : i32
      %sub3A_330 = arith.subi %select_n3A_111, %sub3A_329 : i32
      %lt3A_331 = arith.cmpi slt, %while3A_168, %sub3A_330 : i32
      %convert_element_type3A_332 = arith.extui %lt3A_331 : i1 to i32
      %cond3A_333 = arith.constant 0 : i32
      %cond3A_334 = arith.cmpi ne, %convert_element_type3A_332, %cond3A_333 : i32
      scf.if %cond3A_334 {
        %dma_wait3A_344 = arith.constant 0 : i32
        %dma_wait3A_345 = arith.constant 0 : i32
        %dma_wait3A_346 = tpu.memref_slice %arg4[%add3A, %dma_wait3A_344, %dma_wait3A_345] : memref<5120x2x64xi32, #tpu.memory_space<hbm>> -> memref<1x2x64xi32, #tpu.memory_space<hbm>>
        %dma_wait3A_347 = tpu.memref_squeeze %dma_wait3A_346 : memref<1x2x64xi32, #tpu.memory_space<hbm>> -> memref<2x64xi32, #tpu.memory_space<hbm>>
        %dma_wait3A_348 = arith.constant 0 : i32
        %dma_wait3A_349 = arith.constant 0 : i32
        %dma_wait3A_350 = tpu.memref_slice %arg4[%add3A, %dma_wait3A_348, %dma_wait3A_349] : memref<5120x2x64xi32, #tpu.memory_space<hbm>> -> memref<1x2x64xi32, #tpu.memory_space<hbm>>
        %dma_wait3A_351 = tpu.memref_squeeze %dma_wait3A_350 : memref<1x2x64xi32, #tpu.memory_space<hbm>> -> memref<2x64xi32, #tpu.memory_space<hbm>>
        tpu.wait_dma2 semaphore(%arg17 : memref<!tpu.dma_semaphore, #tpu.memory_space<semaphore_mem>>) src(%dma_wait3A_351 : memref<2x64xi32, #tpu.memory_space<hbm>>) dst(%arg6 : memref<2x64xi32, #tpu.memory_space<vmem>>)
        %add3A_352 = arith.constant 1 : i32
        %add3A_353 = arith.addi %add3A_268, %add3A_352 : i32
        %add3A_354 = arith.addi %add3A, %add3A_353 : i32
        %lt3A_355 = arith.constant 5000 : i32
        %lt3A_356 = arith.cmpi slt, %add3A_354, %lt3A_355 : i32
        %jit3A_357 = arith.constant 0 : i32
        %select_n3A_358 = arith.select %lt3A_356, %add3A_354, %jit3A_357 : i32
        %mul3A_359 = arith.constant 64 : i32
        %mul3A_360 = arith.muli %select_n3A_358, %mul3A_359 : i32
        %dma_start3A_361 = arith.constant 0 : i32
        %dma_start3A_362 = arith.constant 0 : i32
        %dma_start3A_363 = tpu.memref_slice %arg6[%dma_start3A_361, %dma_start3A_362] : memref<2x64xi32, #tpu.memory_space<vmem>> -> memref<1x64xi32, #tpu.memory_space<vmem>>
        %dma_start3A_364 = tpu.memref_squeeze %dma_start3A_363 : memref<1x64xi32, #tpu.memory_space<vmem>> -> memref<64xi32, #tpu.memory_space<vmem>>
        %dma_start3A_365 = arith.constant 0 : i32
        %dma_start3A_366 = arith.constant 0 : i32
        %dma_start3A_367 = tpu.memref_slice %arg2[%dma_start3A_365, %dma_start3A_366] : memref<10000x128xf32, #tpu.memory_space<hbm>> -> memref<10000x128xf32, #tpu.memory_space<hbm>>
        tpu.enqueue_indirect_dma source(%dma_start3A_367 : memref<10000x128xf32, #tpu.memory_space<hbm>>) target(%arg10 : memref<64x128xf32, #tpu.memory_space<vmem>>) offsets(%dma_start3A_364 : memref<64xi32, #tpu.memory_space<vmem>>) semaphore(%arg19 : memref<!tpu.dma_semaphore, #tpu.memory_space<semaphore_mem>>)
        %dma_start3A_368 = arith.constant 0 : i32
        %dma_start3A_369 = tpu.memref_slice %arg3[%mul3A_360, %dma_start3A_368] : memref<320000x128xf32, #tpu.memory_space<hbm>> -> memref<64x128xf32, #tpu.memory_space<hbm>>
        %dma_start3A_370 = arith.constant 0 : i32
        %dma_start3A_371 = tpu.memref_slice %arg3[%mul3A_360, %dma_start3A_370] : memref<320000x128xf32, #tpu.memory_space<hbm>> -> memref<64x128xf32, #tpu.memory_space<hbm>>
        tpu.enqueue_dma source(%dma_start3A_371 : memref<64x128xf32, #tpu.memory_space<hbm>>) target(%arg12 : memref<64x128xf32, #tpu.memory_space<vmem>>) target_semaphore(%arg21 : memref<!tpu.dma_semaphore, #tpu.memory_space<semaphore_mem>>)
      } else {
      }
      %scan3A_335 = arith.constant 0 : i32
      %scan3A_336 = arith.constant 0 : i32
      %scan3A_337 = arith.constant 64 : i32
      %scan3A_338 = arith.addi %scan3A_336, %scan3A_337 : i32
      %scan3A_339 = arith.constant 1 : i32
      scf.for %scan3A_344 = %scan3A_336 to %scan3A_338 step %scan3A_339  : i32 {
        %get3A_345 = arith.index_cast %scan3A_344 : i32 to index
        %get3A_346 = arith.constant 0 : index
        %get3A_347 = tpu.vector_load %arg11[%get3A_345, %get3A_346] {strides = array<i32>} : memref<64x128xf32, #tpu.memory_space<vmem>>, vector<1x16xf32>,
        %get3A_348 = vector.shape_cast %get3A_347 : vector<1x16xf32> to vector<16xf32>
        %get3A_349 = arith.index_cast %scan3A_344 : i32 to index
        %get3A_350 = arith.constant 0 : index
        %get3A_351 = tpu.vector_load %arg13[%get3A_349, %get3A_350] {strides = array<i32>} : memref<64x128xf32, #tpu.memory_space<vmem>>, vector<1x16xf32>,
        %get3A_352 = vector.shape_cast %get3A_351 : vector<1x16xf32> to vector<16xf32>
        %mul3A_353 = arith.mulf %get3A_348, %get3A_352 : vector<16xf32>
        %swap3A_354 = arith.index_cast %scan3A_344 : i32 to index
        %swap3A_355 = arith.constant 0 : index
        %swap3A_356 = tpu.vector_load %arg15[%swap3A_354, %swap3A_355] {strides = array<i32>} : memref<64x128xf32, #tpu.memory_space<vmem>>, vector<1x16xf32>,
        %swap3A_357 = vector.shape_cast %swap3A_356 : vector<1x16xf32> to vector<16xf32>
        %swap3A_358 = vector.shape_cast %mul3A_353 : vector<16xf32> to vector<1x16xf32>
        tpu.vector_store %arg15[%swap3A_354, %swap3A_355], %swap3A_358 {strides = array<i32>} : memref<64x128xf32, #tpu.memory_space<vmem>>, vector<1x16xf32>,
        %get3A_359 = arith.index_cast %scan3A_344 : i32 to index
        %get3A_360 = arith.constant 16 : index
        %get3A_361 = tpu.vector_load %arg11[%get3A_359, %get3A_360] {strides = array<i32>} : memref<64x128xf32, #tpu.memory_space<vmem>>, vector<1x16xf32>,
        %get3A_362 = vector.shape_cast %get3A_361 : vector<1x16xf32> to vector<16xf32>
        %get3A_363 = arith.index_cast %scan3A_344 : i32 to index
        %get3A_364 = arith.constant 16 : index
        %get3A_365 = tpu.vector_load %arg13[%get3A_363, %get3A_364] {strides = array<i32>} : memref<64x128xf32, #tpu.memory_space<vmem>>, vector<1x16xf32>,
        %get3A_366 = vector.shape_cast %get3A_365 : vector<1x16xf32> to vector<16xf32>
        %mul3A_367 = arith.mulf %get3A_362, %get3A_366 : vector<16xf32>
        %swap3A_368 = arith.index_cast %scan3A_344 : i32 to index
        %swap3A_369 = arith.constant 16 : index
        %swap3A_370 = tpu.vector_load %arg15[%swap3A_368, %swap3A_369] {strides = array<i32>} : memref<64x128xf32, #tpu.memory_space<vmem>>, vector<1x16xf32>,
        %swap3A_371 = vector.shape_cast %swap3A_370 : vector<1x16xf32> to vector<16xf32>
        %swap3A_372 = vector.shape_cast %mul3A_367 : vector<16xf32> to vector<1x16xf32>
        tpu.vector_store %arg15[%swap3A_368, %swap3A_369], %swap3A_372 {strides = array<i32>} : memref<64x128xf32, #tpu.memory_space<vmem>>, vector<1x16xf32>,
        %get3A_373 = arith.index_cast %scan3A_344 : i32 to index
        %get3A_374 = arith.constant 32 : index
        %get3A_375 = tpu.vector_load %arg11[%get3A_373, %get3A_374] {strides = array<i32>} : memref<64x128xf32, #tpu.memory_space<vmem>>, vector<1x16xf32>,
        %get3A_376 = vector.shape_cast %get3A_375 : vector<1x16xf32> to vector<16xf32>
        %get3A_377 = arith.index_cast %scan3A_344 : i32 to index
        %get3A_378 = arith.constant 32 : index
        %get3A_379 = tpu.vector_load %arg13[%get3A_377, %get3A_378] {strides = array<i32>} : memref<64x128xf32, #tpu.memory_space<vmem>>, vector<1x16xf32>,
        %get3A_380 = vector.shape_cast %get3A_379 : vector<1x16xf32> to vector<16xf32>
        %mul3A_381 = arith.mulf %get3A_376, %get3A_380 : vector<16xf32>
        %swap3A_382 = arith.index_cast %scan3A_344 : i32 to index
        %swap3A_383 = arith.constant 32 : index
        %swap3A_384 = tpu.vector_load %arg15[%swap3A_382, %swap3A_383] {strides = array<i32>} : memref<64x128xf32, #tpu.memory_space<vmem>>, vector<1x16xf32>,
        %swap3A_385 = vector.shape_cast %swap3A_384 : vector<1x16xf32> to vector<16xf32>
        %swap3A_386 = vector.shape_cast %mul3A_381 : vector<16xf32> to vector<1x16xf32>
        tpu.vector_store %arg15[%swap3A_382, %swap3A_383], %swap3A_386 {strides = array<i32>} : memref<64x128xf32, #tpu.memory_space<vmem>>, vector<1x16xf32>,
        %get3A_387 = arith.index_cast %scan3A_344 : i32 to index
        %get3A_388 = arith.constant 48 : index
        %get3A_389 = tpu.vector_load %arg11[%get3A_387, %get3A_388] {strides = array<i32>} : memref<64x128xf32, #tpu.memory_space<vmem>>, vector<1x16xf32>,
        %get3A_390 = vector.shape_cast %get3A_389 : vector<1x16xf32> to vector<16xf32>
        %get3A_391 = arith.index_cast %scan3A_344 : i32 to index
        %get3A_392 = arith.constant 48 : index
        %get3A_393 = tpu.vector_load %arg13[%get3A_391, %get3A_392] {strides = array<i32>} : memref<64x128xf32, #tpu.memory_space<vmem>>, vector<1x16xf32>,
        %get3A_394 = vector.shape_cast %get3A_393 : vector<1x16xf32> to vector<16xf32>
        %mul3A_395 = arith.mulf %get3A_390, %get3A_394 : vector<16xf32>
        %swap3A_396 = arith.index_cast %scan3A_344 : i32 to index
        %swap3A_397 = arith.constant 48 : index
        %swap3A_398 = tpu.vector_load %arg15[%swap3A_396, %swap3A_397] {strides = array<i32>} : memref<64x128xf32, #tpu.memory_space<vmem>>, vector<1x16xf32>,
        %swap3A_399 = vector.shape_cast %swap3A_398 : vector<1x16xf32> to vector<16xf32>
        %swap3A_400 = vector.shape_cast %mul3A_395 : vector<16xf32> to vector<1x16xf32>
        tpu.vector_store %arg15[%swap3A_396, %swap3A_397], %swap3A_400 {strides = array<i32>} : memref<64x128xf32, #tpu.memory_space<vmem>>, vector<1x16xf32>,
        %get3A_401 = arith.index_cast %scan3A_344 : i32 to index
        %get3A_402 = arith.constant 64 : index
        %get3A_403 = tpu.vector_load %arg11[%get3A_401, %get3A_402] {strides = array<i32>} : memref<64x128xf32, #tpu.memory_space<vmem>>, vector<1x16xf32>,
        %get3A_404 = vector.shape_cast %get3A_403 : vector<1x16xf32> to vector<16xf32>
        %get3A_405 = arith.index_cast %scan3A_344 : i32 to index
        %get3A_406 = arith.constant 64 : index
        %get3A_407 = tpu.vector_load %arg13[%get3A_405, %get3A_406] {strides = array<i32>} : memref<64x128xf32, #tpu.memory_space<vmem>>, vector<1x16xf32>,
        %get3A_408 = vector.shape_cast %get3A_407 : vector<1x16xf32> to vector<16xf32>
        %mul3A_409 = arith.mulf %get3A_404, %get3A_408 : vector<16xf32>
        %swap3A_410 = arith.index_cast %scan3A_344 : i32 to index
        %swap3A_411 = arith.constant 64 : index
        %swap3A_412 = tpu.vector_load %arg15[%swap3A_410, %swap3A_411] {strides = array<i32>} : memref<64x128xf32, #tpu.memory_space<vmem>>, vector<1x16xf32>,
        %swap3A_413 = vector.shape_cast %swap3A_412 : vector<1x16xf32> to vector<16xf32>
        %swap3A_414 = vector.shape_cast %mul3A_409 : vector<16xf32> to vector<1x16xf32>
        tpu.vector_store %arg15[%swap3A_410, %swap3A_411], %swap3A_414 {strides = array<i32>} : memref<64x128xf32, #tpu.memory_space<vmem>>, vector<1x16xf32>,
        %get3A_415 = arith.index_cast %scan3A_344 : i32 to index
        %get3A_416 = arith.constant 80 : index
        %get3A_417 = tpu.vector_load %arg11[%get3A_415, %get3A_416] {strides = array<i32>} : memref<64x128xf32, #tpu.memory_space<vmem>>, vector<1x16xf32>,
        %get3A_418 = vector.shape_cast %get3A_417 : vector<1x16xf32> to vector<16xf32>
        %get3A_419 = arith.index_cast %scan3A_344 : i32 to index
        %get3A_420 = arith.constant 80 : index
        %get3A_421 = tpu.vector_load %arg13[%get3A_419, %get3A_420] {strides = array<i32>} : memref<64x128xf32, #tpu.memory_space<vmem>>, vector<1x16xf32>,
        %get3A_422 = vector.shape_cast %get3A_421 : vector<1x16xf32> to vector<16xf32>
        %mul3A_423 = arith.mulf %get3A_418, %get3A_422 : vector<16xf32>
        %swap3A_424 = arith.index_cast %scan3A_344 : i32 to index
        %swap3A_425 = arith.constant 80 : index
        %swap3A_426 = tpu.vector_load %arg15[%swap3A_424, %swap3A_425] {strides = array<i32>} : memref<64x128xf32, #tpu.memory_space<vmem>>, vector<1x16xf32>,
        %swap3A_427 = vector.shape_cast %swap3A_426 : vector<1x16xf32> to vector<16xf32>
        %swap3A_428 = vector.shape_cast %mul3A_423 : vector<16xf32> to vector<1x16xf32>
        tpu.vector_store %arg15[%swap3A_424, %swap3A_425], %swap3A_428 {strides = array<i32>} : memref<64x128xf32, #tpu.memory_space<vmem>>, vector<1x16xf32>,
        %get3A_429 = arith.index_cast %scan3A_344 : i32 to index
        %get3A_430 = arith.constant 96 : index
        %get3A_431 = tpu.vector_load %arg11[%get3A_429, %get3A_430] {strides = array<i32>} : memref<64x128xf32, #tpu.memory_space<vmem>>, vector<1x16xf32>,
        %get3A_432 = vector.shape_cast %get3A_431 : vector<1x16xf32> to vector<16xf32>
        %get3A_433 = arith.index_cast %scan3A_344 : i32 to index
        %get3A_434 = arith.constant 96 : index
        %get3A_435 = tpu.vector_load %arg13[%get3A_433, %get3A_434] {strides = array<i32>} : memref<64x128xf32, #tpu.memory_space<vmem>>, vector<1x16xf32>,
        %get3A_436 = vector.shape_cast %get3A_435 : vector<1x16xf32> to vector<16xf32>
        %mul3A_437 = arith.mulf %get3A_432, %get3A_436 : vector<16xf32>
        %swap3A_438 = arith.index_cast %scan3A_344 : i32 to index
        %swap3A_439 = arith.constant 96 : index
        %swap3A_440 = tpu.vector_load %arg15[%swap3A_438, %swap3A_439] {strides = array<i32>} : memref<64x128xf32, #tpu.memory_space<vmem>>, vector<1x16xf32>,
        %swap3A_441 = vector.shape_cast %swap3A_440 : vector<1x16xf32> to vector<16xf32>
        %swap3A_442 = vector.shape_cast %mul3A_437 : vector<16xf32> to vector<1x16xf32>
        tpu.vector_store %arg15[%swap3A_438, %swap3A_439], %swap3A_442 {strides = array<i32>} : memref<64x128xf32, #tpu.memory_space<vmem>>, vector<1x16xf32>,
        %get3A_443 = arith.index_cast %scan3A_344 : i32 to index
        %get3A_444 = arith.constant 112 : index
        %get3A_445 = tpu.vector_load %arg11[%get3A_443, %get3A_444] {strides = array<i32>} : memref<64x128xf32, #tpu.memory_space<vmem>>, vector<1x16xf32>,
        %get3A_446 = vector.shape_cast %get3A_445 : vector<1x16xf32> to vector<16xf32>
        %get3A_447 = arith.index_cast %scan3A_344 : i32 to index
        %get3A_448 = arith.constant 112 : index
        %get3A_449 = tpu.vector_load %arg13[%get3A_447, %get3A_448] {strides = array<i32>} : memref<64x128xf32, #tpu.memory_space<vmem>>, vector<1x16xf32>,
        %get3A_450 = vector.shape_cast %get3A_449 : vector<1x16xf32> to vector<16xf32>
        %mul3A_451 = arith.mulf %get3A_446, %get3A_450 : vector<16xf32>
        %swap3A_452 = arith.index_cast %scan3A_344 : i32 to index
        %swap3A_453 = arith.constant 112 : index
        %swap3A_454 = tpu.vector_load %arg15[%swap3A_452, %swap3A_453] {strides = array<i32>} : memref<64x128xf32, #tpu.memory_space<vmem>>, vector<1x16xf32>,
        %swap3A_455 = vector.shape_cast %swap3A_454 : vector<1x16xf32> to vector<16xf32>
        %swap3A_456 = vector.shape_cast %mul3A_451 : vector<16xf32> to vector<1x16xf32>
        tpu.vector_store %arg15[%swap3A_452, %swap3A_453], %swap3A_456 {strides = array<i32>} : memref<64x128xf32, #tpu.memory_space<vmem>>, vector<1x16xf32>,
      }
      %scan3A_340 = arith.constant 64 : i32
      %dma_start3A_341 = arith.constant 0 : i32
      %dma_start3A_342 = arith.constant 0 : i32
      %dma_start3A_343 = tpu.memref_slice %arg16[%dma_start3A_341, %dma_start3A_342] : memref<10112x128xf32, #tpu.memory_space<vmem_shared>> -> memref<10112x128xf32, #tpu.memory_space<vmem_shared>>
      tpu.enqueue_indirect_dma source(%arg15 : memref<64x128xf32, #tpu.memory_space<vmem>>) target(%dma_start3A_343 : memref<10112x128xf32, #tpu.memory_space<vmem_shared>>) offsets(%arg9 : memref<64xi32, #tpu.memory_space<vmem>>) semaphore(%arg24 : memref<!tpu.dma_semaphore, #tpu.memory_space<semaphore_mem>>) {add = true}
    }
    %while3A_120 = arith.constant 1 : i32
    scf.for %while3A_168 = %while3A_118 to %while3A_114 step %while3A_120  : i32 {
      %mul3A_169 = arith.constant 2 : i32
      %mul3A_170 = arith.muli %mul3A_169, %while3A_168 : i32
      %add3A_171 = arith.constant 0 : i32
      %add3A_172 = arith.addi %mul3A_170, %add3A_171 : i32
      %dma_wait3A_173 = arith.constant 0 : i32
      %dma_wait3A_174 = arith.constant 0 : i32
      %dma_wait3A_175 = tpu.memref_slice %arg6[%dma_wait3A_173, %dma_wait3A_174] : memref<2x64xi32, #tpu.memory_space<vmem>> -> memref<1x64xi32, #tpu.memory_space<vmem>>
      %dma_wait3A_176 = tpu.memref_squeeze %dma_wait3A_175 : memref<1x64xi32, #tpu.memory_space<vmem>> -> memref<64xi32, #tpu.memory_space<vmem>>
      %dma_wait3A_177 = arith.constant 0 : i32
      %dma_wait3A_178 = arith.constant 0 : i32
      %dma_wait3A_179 = tpu.memref_slice %arg2[%dma_wait3A_177, %dma_wait3A_178] : memref<10000x128xf32, #tpu.memory_space<hbm>> -> memref<10000x128xf32, #tpu.memory_space<hbm>>
      tpu.wait_indirect_dma semaphore(%arg19 : memref<!tpu.dma_semaphore, #tpu.memory_space<semaphore_mem>>) src(%dma_wait3A_179 : memref<10000x128xf32, #tpu.memory_space<hbm>>) dst(%arg10 : memref<64x128xf32, #tpu.memory_space<vmem>>)
      %dma_wait3A_180 = arith.constant 0 : i32
      %dma_wait3A_181 = arith.constant 0 : i32
      %dma_wait3A_182 = tpu.memref_slice %arg3[%dma_wait3A_180, %dma_wait3A_181] : memref<320000x128xf32, #tpu.memory_space<hbm>> -> memref<64x128xf32, #tpu.memory_space<hbm>>
      %dma_wait3A_183 = arith.constant 0 : i32
      %dma_wait3A_184 = arith.constant 0 : i32
      %dma_wait3A_185 = tpu.memref_slice %arg3[%dma_wait3A_183, %dma_wait3A_184] : memref<320000x128xf32, #tpu.memory_space<hbm>> -> memref<64x128xf32, #tpu.memory_space<hbm>>
      tpu.wait_dma2 semaphore(%arg21 : memref<!tpu.dma_semaphore, #tpu.memory_space<semaphore_mem>>) src(%dma_wait3A_185 : memref<64x128xf32, #tpu.memory_space<hbm>>) dst(%arg12 : memref<64x128xf32, #tpu.memory_space<vmem>>)
      %gt3A = arith.constant 0 : i32
      %gt3A_186 = arith.cmpi sgt, %while3A_168, %gt3A : i32
      %convert_element_type3A = arith.extui %gt3A_186 : i1 to i32
      %cond3A = arith.constant 0 : i32
      %cond3A_187 = arith.cmpi ne, %convert_element_type3A, %cond3A : i32
      scf.if %cond3A_187 {
        %dma_wait3A_344 = arith.constant 0 : i32
        %dma_wait3A_345 = arith.constant 0 : i32
        %dma_wait3A_346 = tpu.memref_slice %arg16[%dma_wait3A_344, %dma_wait3A_345] : memref<10112x128xf32, #tpu.memory_space<vmem_shared>> -> memref<10112x128xf32, #tpu.memory_space<vmem_shared>>
        tpu.wait_indirect_dma semaphore(%arg23 : memref<!tpu.dma_semaphore, #tpu.memory_space<semaphore_mem>>) src(%arg14 : memref<64x128xf32, #tpu.memory_space<vmem>>) dst(%dma_wait3A_346 : memref<10112x128xf32, #tpu.memory_space<vmem_shared>>)
      } else {
      }
      %get3A = arith.constant 1 : i32
      %get3A_188 = arith.index_cast %get3A : i32 to index
      %get3A_189 = arith.constant 0 : index
      %get3A_190 = tpu.vector_load %arg6[%get3A_188, %get3A_189] {strides = array<i32>} : memref<2x64xi32, #tpu.memory_space<vmem>>, vector<1x16xi32>,
      %get3A_191 = vector.shape_cast %get3A_190 : vector<1x16xi32> to vector<16xi32>
      %swap3A = arith.constant 0 : index
      %swap3A_192 = tpu.vector_load %arg8[%swap3A] {strides = array<i32>} : memref<64xi32, #tpu.memory_space<vmem>>, vector<16xi32>,
      %swap3A_193 = vector.shape_cast %swap3A_192 : vector<16xi32> to vector<16xi32>
      %swap3A_194 = vector.shape_cast %get3A_191 : vector<16xi32> to vector<16xi32>
      tpu.vector_store %arg8[%swap3A], %swap3A_194 {strides = array<i32>} : memref<64xi32, #tpu.memory_space<vmem>>, vector<16xi32>,
      %get3A_195 = arith.constant 1 : i32
      %get3A_196 = arith.index_cast %get3A_195 : i32 to index
      %get3A_197 = arith.constant 16 : index
      %get3A_198 = tpu.vector_load %arg6[%get3A_196, %get3A_197] {strides = array<i32>} : memref<2x64xi32, #tpu.memory_space<vmem>>, vector<1x16xi32>,
      %get3A_199 = vector.shape_cast %get3A_198 : vector<1x16xi32> to vector<16xi32>
      %swap3A_200 = arith.constant 16 : index
      %swap3A_201 = tpu.vector_load %arg8[%swap3A_200] {strides = array<i32>} : memref<64xi32, #tpu.memory_space<vmem>>, vector<16xi32>,
      %swap3A_202 = vector.shape_cast %swap3A_201 : vector<16xi32> to vector<16xi32>
      %swap3A_203 = vector.shape_cast %get3A_199 : vector<16xi32> to vector<16xi32>
      tpu.vector_store %arg8[%swap3A_200], %swap3A_203 {strides = array<i32>} : memref<64xi32, #tpu.memory_space<vmem>>, vector<16xi32>,
      %get3A_204 = arith.constant 1 : i32
      %get3A_205 = arith.index_cast %get3A_204 : i32 to index
      %get3A_206 = arith.constant 32 : index
      %get3A_207 = tpu.vector_load %arg6[%get3A_205, %get3A_206] {strides = array<i32>} : memref<2x64xi32, #tpu.memory_space<vmem>>, vector<1x16xi32>,
      %get3A_208 = vector.shape_cast %get3A_207 : vector<1x16xi32> to vector<16xi32>
      %swap3A_209 = arith.constant 32 : index
      %swap3A_210 = tpu.vector_load %arg8[%swap3A_209] {strides = array<i32>} : memref<64xi32, #tpu.memory_space<vmem>>, vector<16xi32>,
      %swap3A_211 = vector.shape_cast %swap3A_210 : vector<16xi32> to vector<16xi32>
      %swap3A_212 = vector.shape_cast %get3A_208 : vector<16xi32> to vector<16xi32>
      tpu.vector_store %arg8[%swap3A_209], %swap3A_212 {strides = array<i32>} : memref<64xi32, #tpu.memory_space<vmem>>, vector<16xi32>,
      %get3A_213 = arith.constant 1 : i32
      %get3A_214 = arith.index_cast %get3A_213 : i32 to index
      %get3A_215 = arith.constant 48 : index
      %get3A_216 = tpu.vector_load %arg6[%get3A_214, %get3A_215] {strides = array<i32>} : memref<2x64xi32, #tpu.memory_space<vmem>>, vector<1x16xi32>,
      %get3A_217 = vector.shape_cast %get3A_216 : vector<1x16xi32> to vector<16xi32>
      %swap3A_218 = arith.constant 48 : index
      %swap3A_219 = tpu.vector_load %arg8[%swap3A_218] {strides = array<i32>} : memref<64xi32, #tpu.memory_space<vmem>>, vector<16xi32>,
      %swap3A_220 = vector.shape_cast %swap3A_219 : vector<16xi32> to vector<16xi32>
      %swap3A_221 = vector.shape_cast %get3A_217 : vector<16xi32> to vector<16xi32>
      tpu.vector_store %arg8[%swap3A_218], %swap3A_221 {strides = array<i32>} : memref<64xi32, #tpu.memory_space<vmem>>, vector<16xi32>,
      %sub3A_222 = arith.constant 1 : i32
      %sub3A_223 = arith.subi %select_n3A_111, %sub3A_222 : i32
      %lt3A_224 = arith.cmpi slt, %while3A_168, %sub3A_223 : i32
      %convert_element_type3A_225 = arith.extui %lt3A_224 : i1 to i32
      %cond3A_226 = arith.constant 0 : i32
      %cond3A_227 = arith.cmpi ne, %convert_element_type3A_225, %cond3A_226 : i32
      scf.if %cond3A_227 {
        %add3A_344 = arith.constant 2 : i32
        %add3A_345 = arith.addi %add3A_172, %add3A_344 : i32
        %add3A_346 = arith.addi %add3A, %add3A_345 : i32
        %dma_start3A_347 = arith.constant 0 : i32
        %dma_start3A_348 = arith.constant 0 : i32
        %dma_start3A_349 = tpu.memref_slice %arg4[%add3A_346, %dma_start3A_347, %dma_start3A_348] : memref<5120x2x64xi32, #tpu.memory_space<hbm>> -> memref<1x2x64xi32, #tpu.memory_space<hbm>>
        %dma_start3A_350 = tpu.memref_squeeze %dma_start3A_349 : memref<1x2x64xi32, #tpu.memory_space<hbm>> -> memref<2x64xi32, #tpu.memory_space<hbm>>
        %dma_start3A_351 = arith.constant 0 : i32
        %dma_start3A_352 = arith.constant 0 : i32
        %dma_start3A_353 = tpu.memref_slice %arg4[%add3A_346, %dma_start3A_351, %dma_start3A_352] : memref<5120x2x64xi32, #tpu.memory_space<hbm>> -> memref<1x2x64xi32, #tpu.memory_space<hbm>>
        %dma_start3A_354 = tpu.memref_squeeze %dma_start3A_353 : memref<1x2x64xi32, #tpu.memory_space<hbm>> -> memref<2x64xi32, #tpu.memory_space<hbm>>
        tpu.enqueue_dma source(%dma_start3A_354 : memref<2x64xi32, #tpu.memory_space<hbm>>) target(%arg6 : memref<2x64xi32, #tpu.memory_space<vmem>>) target_semaphore(%arg17 : memref<!tpu.dma_semaphore, #tpu.memory_space<semaphore_mem>>)
      } else {
      }
      %dma_wait3A_228 = arith.constant 0 : i32
      %dma_wait3A_229 = arith.constant 0 : i32
      %dma_wait3A_230 = tpu.memref_slice %arg4[%add3A, %dma_wait3A_228, %dma_wait3A_229] : memref<5120x2x64xi32, #tpu.memory_space<hbm>> -> memref<1x2x64xi32, #tpu.memory_space<hbm>>
      %dma_wait3A_231 = tpu.memref_squeeze %dma_wait3A_230 : memref<1x2x64xi32, #tpu.memory_space<hbm>> -> memref<2x64xi32, #tpu.memory_space<hbm>>
      %dma_wait3A_232 = arith.constant 0 : i32
      %dma_wait3A_233 = arith.constant 0 : i32
      %dma_wait3A_234 = tpu.memref_slice %arg4[%add3A, %dma_wait3A_232, %dma_wait3A_233] : memref<5120x2x64xi32, #tpu.memory_space<hbm>> -> memref<1x2x64xi32, #tpu.memory_space<hbm>>
      %dma_wait3A_235 = tpu.memref_squeeze %dma_wait3A_234 : memref<1x2x64xi32, #tpu.memory_space<hbm>> -> memref<2x64xi32, #tpu.memory_space<hbm>>
      tpu.wait_dma2 semaphore(%arg18 : memref<!tpu.dma_semaphore, #tpu.memory_space<semaphore_mem>>) src(%dma_wait3A_235 : memref<2x64xi32, #tpu.memory_space<hbm>>) dst(%arg7 : memref<2x64xi32, #tpu.memory_space<vmem>>)
      %add3A_236 = arith.constant 1 : i32
      %add3A_237 = arith.addi %add3A_172, %add3A_236 : i32
      %add3A_238 = arith.addi %add3A, %add3A_237 : i32
      %lt3A_239 = arith.constant 5000 : i32
      %lt3A_240 = arith.cmpi slt, %add3A_238, %lt3A_239 : i32
      %jit3A_241 = arith.constant 0 : i32
      %select_n3A_242 = arith.select %lt3A_240, %add3A_238, %jit3A_241 : i32
      %mul3A_243 = arith.constant 64 : i32
      %mul3A_244 = arith.muli %select_n3A_242, %mul3A_243 : i32
      %dma_start3A_245 = arith.constant 0 : i32
      %dma_start3A_246 = arith.constant 0 : i32
      %dma_start3A_247 = tpu.memref_slice %arg7[%dma_start3A_245, %dma_start3A_246] : memref<2x64xi32, #tpu.memory_space<vmem>> -> memref<1x64xi32, #tpu.memory_space<vmem>>
      %dma_start3A_248 = tpu.memref_squeeze %dma_start3A_247 : memref<1x64xi32, #tpu.memory_space<vmem>> -> memref<64xi32, #tpu.memory_space<vmem>>
      %dma_start3A_249 = arith.constant 0 : i32
      %dma_start3A_250 = arith.constant 0 : i32
      %dma_start3A_251 = tpu.memref_slice %arg2[%dma_start3A_249, %dma_start3A_250] : memref<10000x128xf32, #tpu.memory_space<hbm>> -> memref<10000x128xf32, #tpu.memory_space<hbm>>
      tpu.enqueue_indirect_dma source(%dma_start3A_251 : memref<10000x128xf32, #tpu.memory_space<hbm>>) target(%arg11 : memref<64x128xf32, #tpu.memory_space<vmem>>) offsets(%dma_start3A_248 : memref<64xi32, #tpu.memory_space<vmem>>) semaphore(%arg20 : memref<!tpu.dma_semaphore, #tpu.memory_space<semaphore_mem>>)
      %dma_start3A_252 = arith.constant 0 : i32
      %dma_start3A_253 = tpu.memref_slice %arg3[%mul3A_244, %dma_start3A_252] : memref<320000x128xf32, #tpu.memory_space<hbm>> -> memref<64x128xf32, #tpu.memory_space<hbm>>
      %dma_start3A_254 = arith.constant 0 : i32
      %dma_start3A_255 = tpu.memref_slice %arg3[%mul3A_244, %dma_start3A_254] : memref<320000x128xf32, #tpu.memory_space<hbm>> -> memref<64x128xf32, #tpu.memory_space<hbm>>
      tpu.enqueue_dma source(%dma_start3A_255 : memref<64x128xf32, #tpu.memory_space<hbm>>) target(%arg13 : memref<64x128xf32, #tpu.memory_space<vmem>>) target_semaphore(%arg22 : memref<!tpu.dma_semaphore, #tpu.memory_space<semaphore_mem>>)
      %scan3A_256 = arith.constant 0 : i32
      %scan3A_257 = arith.constant 0 : i32
      %scan3A_258 = arith.constant 64 : i32
      %scan3A_259 = arith.addi %scan3A_257, %scan3A_258 : i32
      %scan3A_260 = arith.constant 1 : i32
      scf.for %scan3A_344 = %scan3A_257 to %scan3A_259 step %scan3A_260  : i32 {
        %get3A_345 = arith.index_cast %scan3A_344 : i32 to index
        %get3A_346 = arith.constant 0 : index
        %get3A_347 = tpu.vector_load %arg10[%get3A_345, %get3A_346] {strides = array<i32>} : memref<64x128xf32, #tpu.memory_space<vmem>>, vector<1x16xf32>,
        %get3A_348 = vector.shape_cast %get3A_347 : vector<1x16xf32> to vector<16xf32>
        %get3A_349 = arith.index_cast %scan3A_344 : i32 to index
        %get3A_350 = arith.constant 0 : index
        %get3A_351 = tpu.vector_load %arg12[%get3A_349, %get3A_350] {strides = array<i32>} : memref<64x128xf32, #tpu.memory_space<vmem>>, vector<1x16xf32>,
        %get3A_352 = vector.shape_cast %get3A_351 : vector<1x16xf32> to vector<16xf32>
        %mul3A_353 = arith.mulf %get3A_348, %get3A_352 : vector<16xf32>
        %swap3A_354 = arith.index_cast %scan3A_344 : i32 to index
        %swap3A_355 = arith.constant 0 : index
        %swap3A_356 = tpu.vector_load %arg14[%swap3A_354, %swap3A_355] {strides = array<i32>} : memref<64x128xf32, #tpu.memory_space<vmem>>, vector<1x16xf32>,
        %swap3A_357 = vector.shape_cast %swap3A_356 : vector<1x16xf32> to vector<16xf32>
        %swap3A_358 = vector.shape_cast %mul3A_353 : vector<16xf32> to vector<1x16xf32>
        tpu.vector_store %arg14[%swap3A_354, %swap3A_355], %swap3A_358 {strides = array<i32>} : memref<64x128xf32, #tpu.memory_space<vmem>>, vector<1x16xf32>,
        %get3A_359 = arith.index_cast %scan3A_344 : i32 to index
        %get3A_360 = arith.constant 16 : index
        %get3A_361 = tpu.vector_load %arg10[%get3A_359, %get3A_360] {strides = array<i32>} : memref<64x128xf32, #tpu.memory_space<vmem>>, vector<1x16xf32>,
        %get3A_362 = vector.shape_cast %get3A_361 : vector<1x16xf32> to vector<16xf32>
        %get3A_363 = arith.index_cast %scan3A_344 : i32 to index
        %get3A_364 = arith.constant 16 : index
        %get3A_365 = tpu.vector_load %arg12[%get3A_363, %get3A_364] {strides = array<i32>} : memref<64x128xf32, #tpu.memory_space<vmem>>, vector<1x16xf32>,
        %get3A_366 = vector.shape_cast %get3A_365 : vector<1x16xf32> to vector<16xf32>
        %mul3A_367 = arith.mulf %get3A_362, %get3A_366 : vector<16xf32>
        %swap3A_368 = arith.index_cast %scan3A_344 : i32 to index
        %swap3A_369 = arith.constant 16 : index
        %swap3A_370 = tpu.vector_load %arg14[%swap3A_368, %swap3A_369] {strides = array<i32>} : memref<64x128xf32, #tpu.memory_space<vmem>>, vector<1x16xf32>,
        %swap3A_371 = vector.shape_cast %swap3A_370 : vector<1x16xf32> to vector<16xf32>
        %swap3A_372 = vector.shape_cast %mul3A_367 : vector<16xf32> to vector<1x16xf32>
        tpu.vector_store %arg14[%swap3A_368, %swap3A_369], %swap3A_372 {strides = array<i32>} : memref<64x128xf32, #tpu.memory_space<vmem>>, vector<1x16xf32>,
        %get3A_373 = arith.index_cast %scan3A_344 : i32 to index
        %get3A_374 = arith.constant 32 : index
        %get3A_375 = tpu.vector_load %arg10[%get3A_373, %get3A_374] {strides = array<i32>} : memref<64x128xf32, #tpu.memory_space<vmem>>, vector<1x16xf32>,
        %get3A_376 = vector.shape_cast %get3A_375 : vector<1x16xf32> to vector<16xf32>
        %get3A_377 = arith.index_cast %scan3A_344 : i32 to index
        %get3A_378 = arith.constant 32 : index
        %get3A_379 = tpu.vector_load %arg12[%get3A_377, %get3A_378] {strides = array<i32>} : memref<64x128xf32, #tpu.memory_space<vmem>>, vector<1x16xf32>,
        %get3A_380 = vector.shape_cast %get3A_379 : vector<1x16xf32> to vector<16xf32>
        %mul3A_381 = arith.mulf %get3A_376, %get3A_380 : vector<16xf32>
        %swap3A_382 = arith.index_cast %scan3A_344 : i32 to index
        %swap3A_383 = arith.constant 32 : index
        %swap3A_384 = tpu.vector_load %arg14[%swap3A_382, %swap3A_383] {strides = array<i32>} : memref<64x128xf32, #tpu.memory_space<vmem>>, vector<1x16xf32>,
        %swap3A_385 = vector.shape_cast %swap3A_384 : vector<1x16xf32> to vector<16xf32>
        %swap3A_386 = vector.shape_cast %mul3A_381 : vector<16xf32> to vector<1x16xf32>
        tpu.vector_store %arg14[%swap3A_382, %swap3A_383], %swap3A_386 {strides = array<i32>} : memref<64x128xf32, #tpu.memory_space<vmem>>, vector<1x16xf32>,
        %get3A_387 = arith.index_cast %scan3A_344 : i32 to index
        %get3A_388 = arith.constant 48 : index
        %get3A_389 = tpu.vector_load %arg10[%get3A_387, %get3A_388] {strides = array<i32>} : memref<64x128xf32, #tpu.memory_space<vmem>>, vector<1x16xf32>,
        %get3A_390 = vector.shape_cast %get3A_389 : vector<1x16xf32> to vector<16xf32>
        %get3A_391 = arith.index_cast %scan3A_344 : i32 to index
        %get3A_392 = arith.constant 48 : index
        %get3A_393 = tpu.vector_load %arg12[%get3A_391, %get3A_392] {strides = array<i32>} : memref<64x128xf32, #tpu.memory_space<vmem>>, vector<1x16xf32>,
        %get3A_394 = vector.shape_cast %get3A_393 : vector<1x16xf32> to vector<16xf32>
        %mul3A_395 = arith.mulf %get3A_390, %get3A_394 : vector<16xf32>
        %swap3A_396 = arith.index_cast %scan3A_344 : i32 to index
        %swap3A_397 = arith.constant 48 : index
        %swap3A_398 = tpu.vector_load %arg14[%swap3A_396, %swap3A_397] {strides = array<i32>} : memref<64x128xf32, #tpu.memory_space<vmem>>, vector<1x16xf32>,
        %swap3A_399 = vector.shape_cast %swap3A_398 : vector<1x16xf32> to vector<16xf32>
        %swap3A_400 = vector.shape_cast %mul3A_395 : vector<16xf32> to vector<1x16xf32>
        tpu.vector_store %arg14[%swap3A_396, %swap3A_397], %swap3A_400 {strides = array<i32>} : memref<64x128xf32, #tpu.memory_space<vmem>>, vector<1x16xf32>,
        %get3A_401 = arith.index_cast %scan3A_344 : i32 to index
        %get3A_402 = arith.constant 64 : index
        %get3A_403 = tpu.vector_load %arg10[%get3A_401, %get3A_402] {strides = array<i32>} : memref<64x128xf32, #tpu.memory_space<vmem>>, vector<1x16xf32>,
        %get3A_404 = vector.shape_cast %get3A_403 : vector<1x16xf32> to vector<16xf32>
        %get3A_405 = arith.index_cast %scan3A_344 : i32 to index
        %get3A_406 = arith.constant 64 : index
        %get3A_407 = tpu.vector_load %arg12[%get3A_405, %get3A_406] {strides = array<i32>} : memref<64x128xf32, #tpu.memory_space<vmem>>, vector<1x16xf32>,
        %get3A_408 = vector.shape_cast %get3A_407 : vector<1x16xf32> to vector<16xf32>
        %mul3A_409 = arith.mulf %get3A_404, %get3A_408 : vector<16xf32>
        %swap3A_410 = arith.index_cast %scan3A_344 : i32 to index
        %swap3A_411 = arith.constant 64 : index
        %swap3A_412 = tpu.vector_load %arg14[%swap3A_410, %swap3A_411] {strides = array<i32>} : memref<64x128xf32, #tpu.memory_space<vmem>>, vector<1x16xf32>,
        %swap3A_413 = vector.shape_cast %swap3A_412 : vector<1x16xf32> to vector<16xf32>
        %swap3A_414 = vector.shape_cast %mul3A_409 : vector<16xf32> to vector<1x16xf32>
        tpu.vector_store %arg14[%swap3A_410, %swap3A_411], %swap3A_414 {strides = array<i32>} : memref<64x128xf32, #tpu.memory_space<vmem>>, vector<1x16xf32>,
        %get3A_415 = arith.index_cast %scan3A_344 : i32 to index
        %get3A_416 = arith.constant 80 : index
        %get3A_417 = tpu.vector_load %arg10[%get3A_415, %get3A_416] {strides = array<i32>} : memref<64x128xf32, #tpu.memory_space<vmem>>, vector<1x16xf32>,
        %get3A_418 = vector.shape_cast %get3A_417 : vector<1x16xf32> to vector<16xf32>
        %get3A_419 = arith.index_cast %scan3A_344 : i32 to index
        %get3A_420 = arith.constant 80 : index
        %get3A_421 = tpu.vector_load %arg12[%get3A_419, %get3A_420] {strides = array<i32>} : memref<64x128xf32, #tpu.memory_space<vmem>>, vector<1x16xf32>,
        %get3A_422 = vector.shape_cast %get3A_421 : vector<1x16xf32> to vector<16xf32>
        %mul3A_423 = arith.mulf %get3A_418, %get3A_422 : vector<16xf32>
        %swap3A_424 = arith.index_cast %scan3A_344 : i32 to index
        %swap3A_425 = arith.constant 80 : index
        %swap3A_426 = tpu.vector_load %arg14[%swap3A_424, %swap3A_425] {strides = array<i32>} : memref<64x128xf32, #tpu.memory_space<vmem>>, vector<1x16xf32>,
        %swap3A_427 = vector.shape_cast %swap3A_426 : vector<1x16xf32> to vector<16xf32>
        %swap3A_428 = vector.shape_cast %mul3A_423 : vector<16xf32> to vector<1x16xf32>
        tpu.vector_store %arg14[%swap3A_424, %swap3A_425], %swap3A_428 {strides = array<i32>} : memref<64x128xf32, #tpu.memory_space<vmem>>, vector<1x16xf32>,
        %get3A_429 = arith.index_cast %scan3A_344 : i32 to index
        %get3A_430 = arith.constant 96 : index
        %get3A_431 = tpu.vector_load %arg10[%get3A_429, %get3A_430] {strides = array<i32>} : memref<64x128xf32, #tpu.memory_space<vmem>>, vector<1x16xf32>,
        %get3A_432 = vector.shape_cast %get3A_431 : vector<1x16xf32> to vector<16xf32>
        %get3A_433 = arith.index_cast %scan3A_344 : i32 to index
        %get3A_434 = arith.constant 96 : index
        %get3A_435 = tpu.vector_load %arg12[%get3A_433, %get3A_434] {strides = array<i32>} : memref<64x128xf32, #tpu.memory_space<vmem>>, vector<1x16xf32>,
        %get3A_436 = vector.shape_cast %get3A_435 : vector<1x16xf32> to vector<16xf32>
        %mul3A_437 = arith.mulf %get3A_432, %get3A_436 : vector<16xf32>
        %swap3A_438 = arith.index_cast %scan3A_344 : i32 to index
        %swap3A_439 = arith.constant 96 : index
        %swap3A_440 = tpu.vector_load %arg14[%swap3A_438, %swap3A_439] {strides = array<i32>} : memref<64x128xf32, #tpu.memory_space<vmem>>, vector<1x16xf32>,
        %swap3A_441 = vector.shape_cast %swap3A_440 : vector<1x16xf32> to vector<16xf32>
        %swap3A_442 = vector.shape_cast %mul3A_437 : vector<16xf32> to vector<1x16xf32>
        tpu.vector_store %arg14[%swap3A_438, %swap3A_439], %swap3A_442 {strides = array<i32>} : memref<64x128xf32, #tpu.memory_space<vmem>>, vector<1x16xf32>,
        %get3A_443 = arith.index_cast %scan3A_344 : i32 to index
        %get3A_444 = arith.constant 112 : index
        %get3A_445 = tpu.vector_load %arg10[%get3A_443, %get3A_444] {strides = array<i32>} : memref<64x128xf32, #tpu.memory_space<vmem>>, vector<1x16xf32>,
        %get3A_446 = vector.shape_cast %get3A_445 : vector<1x16xf32> to vector<16xf32>
        %get3A_447 = arith.index_cast %scan3A_344 : i32 to index
        %get3A_448 = arith.constant 112 : index
        %get3A_449 = tpu.vector_load %arg12[%get3A_447, %get3A_448] {strides = array<i32>} : memref<64x128xf32, #tpu.memory_space<vmem>>, vector<1x16xf32>,
        %get3A_450 = vector.shape_cast %get3A_449 : vector<1x16xf32> to vector<16xf32>
        %mul3A_451 = arith.mulf %get3A_446, %get3A_450 : vector<16xf32>
        %swap3A_452 = arith.index_cast %scan3A_344 : i32 to index
        %swap3A_453 = arith.constant 112 : index
        %swap3A_454 = tpu.vector_load %arg14[%swap3A_452, %swap3A_453] {strides = array<i32>} : memref<64x128xf32, #tpu.memory_space<vmem>>, vector<1x16xf32>,
        %swap3A_455 = vector.shape_cast %swap3A_454 : vector<1x16xf32> to vector<16xf32>
        %swap3A_456 = vector.shape_cast %mul3A_451 : vector<16xf32> to vector<1x16xf32>
        tpu.vector_store %arg14[%swap3A_452, %swap3A_453], %swap3A_456 {strides = array<i32>} : memref<64x128xf32, #tpu.memory_space<vmem>>, vector<1x16xf32>,
      }
      %scan3A_261 = arith.constant 64 : i32
      %dma_start3A_262 = arith.constant 0 : i32
      %dma_start3A_263 = arith.constant 0 : i32
      %dma_start3A_264 = tpu.memref_slice %arg16[%dma_start3A_262, %dma_start3A_263] : memref<10112x128xf32, #tpu.memory_space<vmem_shared>> -> memref<10112x128xf32, #tpu.memory_space<vmem_shared>>
      tpu.enqueue_indirect_dma source(%arg14 : memref<64x128xf32, #tpu.memory_space<vmem>>) target(%dma_start3A_264 : memref<10112x128xf32, #tpu.memory_space<vmem_shared>>) offsets(%arg8 : memref<64xi32, #tpu.memory_space<vmem>>) semaphore(%arg23 : memref<!tpu.dma_semaphore, #tpu.memory_space<semaphore_mem>>) {add = true}
      %mul3A_265 = arith.constant 2 : i32
      %mul3A_266 = arith.muli %mul3A_265, %while3A_168 : i32
      %add3A_267 = arith.constant 1 : i32
      %add3A_268 = arith.addi %mul3A_266, %add3A_267 : i32
      %dma_wait3A_269 = arith.constant 0 : i32
      %dma_wait3A_270 = arith.constant 0 : i32
      %dma_wait3A_271 = tpu.memref_slice %arg7[%dma_wait3A_269, %dma_wait3A_270] : memref<2x64xi32, #tpu.memory_space<vmem>> -> memref<1x64xi32, #tpu.memory_space<vmem>>
      %dma_wait3A_272 = tpu.memref_squeeze %dma_wait3A_271 : memref<1x64xi32, #tpu.memory_space<vmem>> -> memref<64xi32, #tpu.memory_space<vmem>>
      %dma_wait3A_273 = arith.constant 0 : i32
      %dma_wait3A_274 = arith.constant 0 : i32
      %dma_wait3A_275 = tpu.memref_slice %arg2[%dma_wait3A_273, %dma_wait3A_274] : memref<10000x128xf32, #tpu.memory_space<hbm>> -> memref<10000x128xf32, #tpu.memory_space<hbm>>
      tpu.wait_indirect_dma semaphore(%arg20 : memref<!tpu.dma_semaphore, #tpu.memory_space<semaphore_mem>>) src(%dma_wait3A_275 : memref<10000x128xf32, #tpu.memory_space<hbm>>) dst(%arg11 : memref<64x128xf32, #tpu.memory_space<vmem>>)
      %dma_wait3A_276 = arith.constant 0 : i32
      %dma_wait3A_277 = arith.constant 0 : i32
      %dma_wait3A_278 = tpu.memref_slice %arg3[%dma_wait3A_276, %dma_wait3A_277] : memref<320000x128xf32, #tpu.memory_space<hbm>> -> memref<64x128xf32, #tpu.memory_space<hbm>>
      %dma_wait3A_279 = arith.constant 0 : i32
      %dma_wait3A_280 = arith.constant 0 : i32
      %dma_wait3A_281 = tpu.memref_slice %arg3[%dma_wait3A_279, %dma_wait3A_280] : memref<320000x128xf32, #tpu.memory_space<hbm>> -> memref<64x128xf32, #tpu.memory_space<hbm>>
      tpu.wait_dma2 semaphore(%arg22 : memref<!tpu.dma_semaphore, #tpu.memory_space<semaphore_mem>>) src(%dma_wait3A_281 : memref<64x128xf32, #tpu.memory_space<hbm>>) dst(%arg13 : memref<64x128xf32, #tpu.memory_space<vmem>>)
      %gt3A_282 = arith.constant 0 : i32
      %gt3A_283 = arith.cmpi sgt, %while3A_168, %gt3A_282 : i32
      %convert_element_type3A_284 = arith.extui %gt3A_283 : i1 to i32
      %cond3A_285 = arith.constant 0 : i32
      %cond3A_286 = arith.cmpi ne, %convert_element_type3A_284, %cond3A_285 : i32
      scf.if %cond3A_286 {
        %dma_wait3A_344 = arith.constant 0 : i32
        %dma_wait3A_345 = arith.constant 0 : i32
        %dma_wait3A_346 = tpu.memref_slice %arg16[%dma_wait3A_344, %dma_wait3A_345] : memref<10112x128xf32, #tpu.memory_space<vmem_shared>> -> memref<10112x128xf32, #tpu.memory_space<vmem_shared>>
        tpu.wait_indirect_dma semaphore(%arg24 : memref<!tpu.dma_semaphore, #tpu.memory_space<semaphore_mem>>) src(%arg15 : memref<64x128xf32, #tpu.memory_space<vmem>>) dst(%dma_wait3A_346 : memref<10112x128xf32, #tpu.memory_space<vmem_shared>>)
      } else {
      }
      %get3A_287 = arith.constant 1 : i32
      %get3A_288 = arith.index_cast %get3A_287 : i32 to index
      %get3A_289 = arith.constant 0 : index
      %get3A_290 = tpu.vector_load %arg7[%get3A_288, %get3A_289] {strides = array<i32>} : memref<2x64xi32, #tpu.memory_space<vmem>>, vector<1x16xi32>,
      %get3A_291 = vector.shape_cast %get3A_290 : vector<1x16xi32> to vector<16xi32>
      %swap3A_292 = arith.constant 0 : index
      %swap3A_293 = tpu.vector_load %arg9[%swap3A_292] {strides = array<i32>} : memref<64xi32, #tpu.memory_space<vmem>>, vector<16xi32>,
      %swap3A_294 = vector.shape_cast %swap3A_293 : vector<16xi32> to vector<16xi32>
      %swap3A_295 = vector.shape_cast %get3A_291 : vector<16xi32> to vector<16xi32>
      tpu.vector_store %arg9[%swap3A_292], %swap3A_295 {strides = array<i32>} : memref<64xi32, #tpu.memory_space<vmem>>, vector<16xi32>,
      %get3A_296 = arith.constant 1 : i32
      %get3A_297 = arith.index_cast %get3A_296 : i32 to index
      %get3A_298 = arith.constant 16 : index
      %get3A_299 = tpu.vector_load %arg7[%get3A_297, %get3A_298] {strides = array<i32>} : memref<2x64xi32, #tpu.memory_space<vmem>>, vector<1x16xi32>,
      %get3A_300 = vector.shape_cast %get3A_299 : vector<1x16xi32> to vector<16xi32>
      %swap3A_301 = arith.constant 16 : index
      %swap3A_302 = tpu.vector_load %arg9[%swap3A_301] {strides = array<i32>} : memref<64xi32, #tpu.memory_space<vmem>>, vector<16xi32>,
      %swap3A_303 = vector.shape_cast %swap3A_302 : vector<16xi32> to vector<16xi32>
      %swap3A_304 = vector.shape_cast %get3A_300 : vector<16xi32> to vector<16xi32>
      tpu.vector_store %arg9[%swap3A_301], %swap3A_304 {strides = array<i32>} : memref<64xi32, #tpu.memory_space<vmem>>, vector<16xi32>,
      %get3A_305 = arith.constant 1 : i32
      %get3A_306 = arith.index_cast %get3A_305 : i32 to index
      %get3A_307 = arith.constant 32 : index
      %get3A_308 = tpu.vector_load %arg7[%get3A_306, %get3A_307] {strides = array<i32>} : memref<2x64xi32, #tpu.memory_space<vmem>>, vector<1x16xi32>,
      %get3A_309 = vector.shape_cast %get3A_308 : vector<1x16xi32> to vector<16xi32>
      %swap3A_310 = arith.constant 32 : index
      %swap3A_311 = tpu.vector_load %arg9[%swap3A_310] {strides = array<i32>} : memref<64xi32, #tpu.memory_space<vmem>>, vector<16xi32>,
      %swap3A_312 = vector.shape_cast %swap3A_311 : vector<16xi32> to vector<16xi32>
      %swap3A_313 = vector.shape_cast %get3A_309 : vector<16xi32> to vector<16xi32>
      tpu.vector_store %arg9[%swap3A_310], %swap3A_313 {strides = array<i32>} : memref<64xi32, #tpu.memory_space<vmem>>, vector<16xi32>,
      %get3A_314 = arith.constant 1 : i32
      %get3A_315 = arith.index_cast %get3A_314 : i32 to index
      %get3A_316 = arith.constant 48 : index
      %get3A_317 = tpu.vector_load %arg7[%get3A_315, %get3A_316] {strides = array<i32>} : memref<2x64xi32, #tpu.memory_space<vmem>>, vector<1x16xi32>,
      %get3A_318 = vector.shape_cast %get3A_317 : vector<1x16xi32> to vector<16xi32>
      %swap3A_319 = arith.constant 48 : index
      %swap3A_320 = tpu.vector_load %arg9[%swap3A_319] {strides = array<i32>} : memref<64xi32, #tpu.memory_space<vmem>>, vector<16xi32>,
      %swap3A_321 = vector.shape_cast %swap3A_320 : vector<16xi32> to vector<16xi32>
      %swap3A_322 = vector.shape_cast %get3A_318 : vector<16xi32> to vector<16xi32>
      tpu.vector_store %arg9[%swap3A_319], %swap3A_322 {strides = array<i32>} : memref<64xi32, #tpu.memory_space<vmem>>, vector<16xi32>,
      %sub3A_323 = arith.constant 1 : i32
      %sub3A_324 = arith.subi %select_n3A_111, %sub3A_323 : i32
      %lt3A_325 = arith.cmpi slt, %while3A_168, %sub3A_324 : i32
      %convert_element_type3A_326 = arith.extui %lt3A_325 : i1 to i32
      %cond3A_327 = arith.constant 0 : i32
      %cond3A_328 = arith.cmpi ne, %convert_element_type3A_326, %cond3A_327 : i32
      scf.if %cond3A_328 {
        %add3A_344 = arith.constant 2 : i32
        %add3A_345 = arith.addi %add3A_268, %add3A_344 : i32
        %add3A_346 = arith.addi %add3A, %add3A_345 : i32
        %dma_start3A_347 = arith.constant 0 : i32
        %dma_start3A_348 = arith.constant 0 : i32
        %dma_start3A_349 = tpu.memref_slice %arg4[%add3A_346, %dma_start3A_347, %dma_start3A_348] : memref<5120x2x64xi32, #tpu.memory_space<hbm>> -> memref<1x2x64xi32, #tpu.memory_space<hbm>>
        %dma_start3A_350 = tpu.memref_squeeze %dma_start3A_349 : memref<1x2x64xi32, #tpu.memory_space<hbm>> -> memref<2x64xi32, #tpu.memory_space<hbm>>
        %dma_start3A_351 = arith.constant 0 : i32
        %dma_start3A_352 = arith.constant 0 : i32
        %dma_start3A_353 = tpu.memref_slice %arg4[%add3A_346, %dma_start3A_351, %dma_start3A_352] : memref<5120x2x64xi32, #tpu.memory_space<hbm>> -> memref<1x2x64xi32, #tpu.memory_space<hbm>>
        %dma_start3A_354 = tpu.memref_squeeze %dma_start3A_353 : memref<1x2x64xi32, #tpu.memory_space<hbm>> -> memref<2x64xi32, #tpu.memory_space<hbm>>
        tpu.enqueue_dma source(%dma_start3A_354 : memref<2x64xi32, #tpu.memory_space<hbm>>) target(%arg7 : memref<2x64xi32, #tpu.memory_space<vmem>>) target_semaphore(%arg18 : memref<!tpu.dma_semaphore, #tpu.memory_space<semaphore_mem>>)
      } else {
      }
      %sub3A_329 = arith.constant 1 : i32
      %sub3A_330 = arith.subi %select_n3A_111, %sub3A_329 : i32
      %lt3A_331 = arith.cmpi slt, %while3A_168, %sub3A_330 : i32
      %convert_element_type3A_332 = arith.extui %lt3A_331 : i1 to i32
      %cond3A_333 = arith.constant 0 : i32
      %cond3A_334 = arith.cmpi ne, %convert_element_type3A_332, %cond3A_333 : i32
      scf.if %cond3A_334 {
        %dma_wait3A_344 = arith.constant 0 : i32
        %dma_wait3A_345 = arith.constant 0 : i32
        %dma_wait3A_346 = tpu.memref_slice %arg4[%add3A, %dma_wait3A_344, %dma_wait3A_345] : memref<5120x2x64xi32, #tpu.memory_space<hbm>> -> memref<1x2x64xi32, #tpu.memory_space<hbm>>
        %dma_wait3A_347 = tpu.memref_squeeze %dma_wait3A_346 : memref<1x2x64xi32, #tpu.memory_space<hbm>> -> memref<2x64xi32, #tpu.memory_space<hbm>>
        %dma_wait3A_348 = arith.constant 0 : i32
        %dma_wait3A_349 = arith.constant 0 : i32
        %dma_wait3A_350 = tpu.memref_slice %arg4[%add3A, %dma_wait3A_348, %dma_wait3A_349] : memref<5120x2x64xi32, #tpu.memory_space<hbm>> -> memref<1x2x64xi32, #tpu.memory_space<hbm>>
        %dma_wait3A_351 = tpu.memref_squeeze %dma_wait3A_350 : memref<1x2x64xi32, #tpu.memory_space<hbm>> -> memref<2x64xi32, #tpu.memory_space<hbm>>
        tpu.wait_dma2 semaphore(%arg17 : memref<!tpu.dma_semaphore, #tpu.memory_space<semaphore_mem>>) src(%dma_wait3A_351 : memref<2x64xi32, #tpu.memory_space<hbm>>) dst(%arg6 : memref<2x64xi32, #tpu.memory_space<vmem>>)
        %add3A_352 = arith.constant 1 : i32
        %add3A_353 = arith.addi %add3A_268, %add3A_352 : i32
        %add3A_354 = arith.addi %add3A, %add3A_353 : i32
        %lt3A_355 = arith.constant 5000 : i32
        %lt3A_356 = arith.cmpi slt, %add3A_354, %lt3A_355 : i32
        %jit3A_357 = arith.constant 0 : i32
        %select_n3A_358 = arith.select %lt3A_356, %add3A_354, %jit3A_357 : i32
        %mul3A_359 = arith.constant 64 : i32
        %mul3A_360 = arith.muli %select_n3A_358, %mul3A_359 : i32
        %dma_start3A_361 = arith.constant 0 : i32
        %dma_start3A_362 = arith.constant 0 : i32
        %dma_start3A_363 = tpu.memref_slice %arg6[%dma_start3A_361, %dma_start3A_362] : memref<2x64xi32, #tpu.memory_space<vmem>> -> memref<1x64xi32, #tpu.memory_space<vmem>>
        %dma_start3A_364 = tpu.memref_squeeze %dma_start3A_363 : memref<1x64xi32, #tpu.memory_space<vmem>> -> memref<64xi32, #tpu.memory_space<vmem>>
        %dma_start3A_365 = arith.constant 0 : i32
        %dma_start3A_366 = arith.constant 0 : i32
        %dma_start3A_367 = tpu.memref_slice %arg2[%dma_start3A_365, %dma_start3A_366] : memref<10000x128xf32, #tpu.memory_space<hbm>> -> memref<10000x128xf32, #tpu.memory_space<hbm>>
        tpu.enqueue_indirect_dma source(%dma_start3A_367 : memref<10000x128xf32, #tpu.memory_space<hbm>>) target(%arg10 : memref<64x128xf32, #tpu.memory_space<vmem>>) offsets(%dma_start3A_364 : memref<64xi32, #tpu.memory_space<vmem>>) semaphore(%arg19 : memref<!tpu.dma_semaphore, #tpu.memory_space<semaphore_mem>>)
        %dma_start3A_368 = arith.constant 0 : i32
        %dma_start3A_369 = tpu.memref_slice %arg3[%mul3A_360, %dma_start3A_368] : memref<320000x128xf32, #tpu.memory_space<hbm>> -> memref<64x128xf32, #tpu.memory_space<hbm>>
        %dma_start3A_370 = arith.constant 0 : i32
        %dma_start3A_371 = tpu.memref_slice %arg3[%mul3A_360, %dma_start3A_370] : memref<320000x128xf32, #tpu.memory_space<hbm>> -> memref<64x128xf32, #tpu.memory_space<hbm>>
        tpu.enqueue_dma source(%dma_start3A_371 : memref<64x128xf32, #tpu.memory_space<hbm>>) target(%arg12 : memref<64x128xf32, #tpu.memory_space<vmem>>) target_semaphore(%arg21 : memref<!tpu.dma_semaphore, #tpu.memory_space<semaphore_mem>>)
      } else {
      }
      %scan3A_335 = arith.constant 0 : i32
      %scan3A_336 = arith.constant 0 : i32
      %scan3A_337 = arith.constant 64 : i32
      %scan3A_338 = arith.addi %scan3A_336, %scan3A_337 : i32
      %scan3A_339 = arith.constant 1 : i32
      scf.for %scan3A_344 = %scan3A_336 to %scan3A_338 step %scan3A_339  : i32 {
        %get3A_345 = arith.index_cast %scan3A_344 : i32 to index
        %get3A_346 = arith.constant 0 : index
        %get3A_347 = tpu.vector_load %arg11[%get3A_345, %get3A_346] {strides = array<i32>} : memref<64x128xf32, #tpu.memory_space<vmem>>, vector<1x16xf32>,
        %get3A_348 = vector.shape_cast %get3A_347 : vector<1x16xf32> to vector<16xf32>
        %get3A_349 = arith.index_cast %scan3A_344 : i32 to index
        %get3A_350 = arith.constant 0 : index
        %get3A_351 = tpu.vector_load %arg13[%get3A_349, %get3A_350] {strides = array<i32>} : memref<64x128xf32, #tpu.memory_space<vmem>>, vector<1x16xf32>,
        %get3A_352 = vector.shape_cast %get3A_351 : vector<1x16xf32> to vector<16xf32>
        %mul3A_353 = arith.mulf %get3A_348, %get3A_352 : vector<16xf32>
        %swap3A_354 = arith.index_cast %scan3A_344 : i32 to index
        %swap3A_355 = arith.constant 0 : index
        %swap3A_356 = tpu.vector_load %arg15[%swap3A_354, %swap3A_355] {strides = array<i32>} : memref<64x128xf32, #tpu.memory_space<vmem>>, vector<1x16xf32>,
        %swap3A_357 = vector.shape_cast %swap3A_356 : vector<1x16xf32> to vector<16xf32>
        %swap3A_358 = vector.shape_cast %mul3A_353 : vector<16xf32> to vector<1x16xf32>
        tpu.vector_store %arg15[%swap3A_354, %swap3A_355], %swap3A_358 {strides = array<i32>} : memref<64x128xf32, #tpu.memory_space<vmem>>, vector<1x16xf32>,
        %get3A_359 = arith.index_cast %scan3A_344 : i32 to index
        %get3A_360 = arith.constant 16 : index
        %get3A_361 = tpu.vector_load %arg11[%get3A_359, %get3A_360] {strides = array<i32>} : memref<64x128xf32, #tpu.memory_space<vmem>>, vector<1x16xf32>,
        %get3A_362 = vector.shape_cast %get3A_361 : vector<1x16xf32> to vector<16xf32>
        %get3A_363 = arith.index_cast %scan3A_344 : i32 to index
        %get3A_364 = arith.constant 16 : index
        %get3A_365 = tpu.vector_load %arg13[%get3A_363, %get3A_364] {strides = array<i32>} : memref<64x128xf32, #tpu.memory_space<vmem>>, vector<1x16xf32>,
        %get3A_366 = vector.shape_cast %get3A_365 : vector<1x16xf32> to vector<16xf32>
        %mul3A_367 = arith.mulf %get3A_362, %get3A_366 : vector<16xf32>
        %swap3A_368 = arith.index_cast %scan3A_344 : i32 to index
        %swap3A_369 = arith.constant 16 : index
        %swap3A_370 = tpu.vector_load %arg15[%swap3A_368, %swap3A_369] {strides = array<i32>} : memref<64x128xf32, #tpu.memory_space<vmem>>, vector<1x16xf32>,
        %swap3A_371 = vector.shape_cast %swap3A_370 : vector<1x16xf32> to vector<16xf32>
        %swap3A_372 = vector.shape_cast %mul3A_367 : vector<16xf32> to vector<1x16xf32>
        tpu.vector_store %arg15[%swap3A_368, %swap3A_369], %swap3A_372 {strides = array<i32>} : memref<64x128xf32, #tpu.memory_space<vmem>>, vector<1x16xf32>,
        %get3A_373 = arith.index_cast %scan3A_344 : i32 to index
        %get3A_374 = arith.constant 32 : index
        %get3A_375 = tpu.vector_load %arg11[%get3A_373, %get3A_374] {strides = array<i32>} : memref<64x128xf32, #tpu.memory_space<vmem>>, vector<1x16xf32>,
        %get3A_376 = vector.shape_cast %get3A_375 : vector<1x16xf32> to vector<16xf32>
        %get3A_377 = arith.index_cast %scan3A_344 : i32 to index
        %get3A_378 = arith.constant 32 : index
        %get3A_379 = tpu.vector_load %arg13[%get3A_377, %get3A_378] {strides = array<i32>} : memref<64x128xf32, #tpu.memory_space<vmem>>, vector<1x16xf32>,
        %get3A_380 = vector.shape_cast %get3A_379 : vector<1x16xf32> to vector<16xf32>
        %mul3A_381 = arith.mulf %get3A_376, %get3A_380 : vector<16xf32>
        %swap3A_382 = arith.index_cast %scan3A_344 : i32 to index
        %swap3A_383 = arith.constant 32 : index
        %swap3A_384 = tpu.vector_load %arg15[%swap3A_382, %swap3A_383] {strides = array<i32>} : memref<64x128xf32, #tpu.memory_space<vmem>>, vector<1x16xf32>,
        %swap3A_385 = vector.shape_cast %swap3A_384 : vector<1x16xf32> to vector<16xf32>
        %swap3A_386 = vector.shape_cast %mul3A_381 : vector<16xf32> to vector<1x16xf32>
        tpu.vector_store %arg15[%swap3A_382, %swap3A_383], %swap3A_386 {strides = array<i32>} : memref<64x128xf32, #tpu.memory_space<vmem>>, vector<1x16xf32>,
        %get3A_387 = arith.index_cast %scan3A_344 : i32 to index
        %get3A_388 = arith.constant 48 : index
        %get3A_389 = tpu.vector_load %arg11[%get3A_387, %get3A_388] {strides = array<i32>} : memref<64x128xf32, #tpu.memory_space<vmem>>, vector<1x16xf32>,
        %get3A_390 = vector.shape_cast %get3A_389 : vector<1x16xf32> to vector<16xf32>
        %get3A_391 = arith.index_cast %scan3A_344 : i32 to index
        %get3A_392 = arith.constant 48 : index
        %get3A_393 = tpu.vector_load %arg13[%get3A_391, %get3A_392] {strides = array<i32>} : memref<64x128xf32, #tpu.memory_space<vmem>>, vector<1x16xf32>,
        %get3A_394 = vector.shape_cast %get3A_393 : vector<1x16xf32> to vector<16xf32>
        %mul3A_395 = arith.mulf %get3A_390, %get3A_394 : vector<16xf32>
        %swap3A_396 = arith.index_cast %scan3A_344 : i32 to index
        %swap3A_397 = arith.constant 48 : index
        %swap3A_398 = tpu.vector_load %arg15[%swap3A_396, %swap3A_397] {strides = array<i32>} : memref<64x128xf32, #tpu.memory_space<vmem>>, vector<1x16xf32>,
        %swap3A_399 = vector.shape_cast %swap3A_398 : vector<1x16xf32> to vector<16xf32>
        %swap3A_400 = vector.shape_cast %mul3A_395 : vector<16xf32> to vector<1x16xf32>
        tpu.vector_store %arg15[%swap3A_396, %swap3A_397], %swap3A_400 {strides = array<i32>} : memref<64x128xf32, #tpu.memory_space<vmem>>, vector<1x16xf32>,
        %get3A_401 = arith.index_cast %scan3A_344 : i32 to index
        %get3A_402 = arith.constant 64 : index
        %get3A_403 = tpu.vector_load %arg11[%get3A_401, %get3A_402] {strides = array<i32>} : memref<64x128xf32, #tpu.memory_space<vmem>>, vector<1x16xf32>,
        %get3A_404 = vector.shape_cast %get3A_403 : vector<1x16xf32> to vector<16xf32>
        %get3A_405 = arith.index_cast %scan3A_344 : i32 to index
        %get3A_406 = arith.constant 64 : index
        %get3A_407 = tpu.vector_load %arg13[%get3A_405, %get3A_406] {strides = array<i32>} : memref<64x128xf32, #tpu.memory_space<vmem>>, vector<1x16xf32>,
        %get3A_408 = vector.shape_cast %get3A_407 : vector<1x16xf32> to vector<16xf32>
        %mul3A_409 = arith.mulf %get3A_404, %get3A_408 : vector<16xf32>
        %swap3A_410 = arith.index_cast %scan3A_344 : i32 to index
        %swap3A_411 = arith.constant 64 : index
        %swap3A_412 = tpu.vector_load %arg15[%swap3A_410, %swap3A_411] {strides = array<i32>} : memref<64x128xf32, #tpu.memory_space<vmem>>, vector<1x16xf32>,
        %swap3A_413 = vector.shape_cast %swap3A_412 : vector<1x16xf32> to vector<16xf32>
        %swap3A_414 = vector.shape_cast %mul3A_409 : vector<16xf32> to vector<1x16xf32>
        tpu.vector_store %arg15[%swap3A_410, %swap3A_411], %swap3A_414 {strides = array<i32>} : memref<64x128xf32, #tpu.memory_space<vmem>>, vector<1x16xf32>,
        %get3A_415 = arith.index_cast %scan3A_344 : i32 to index
        %get3A_416 = arith.constant 80 : index
        %get3A_417 = tpu.vector_load %arg11[%get3A_415, %get3A_416] {strides = array<i32>} : memref<64x128xf32, #tpu.memory_space<vmem>>, vector<1x16xf32>,
        %get3A_418 = vector.shape_cast %get3A_417 : vector<1x16xf32> to vector<16xf32>
        %get3A_419 = arith.index_cast %scan3A_344 : i32 to index
        %get3A_420 = arith.constant 80 : index
        %get3A_421 = tpu.vector_load %arg13[%get3A_419, %get3A_420] {strides = array<i32>} : memref<64x128xf32, #tpu.memory_space<vmem>>, vector<1x16xf32>,
        %get3A_422 = vector.shape_cast %get3A_421 : vector<1x16xf32> to vector<16xf32>
        %mul3A_423 = arith.mulf %get3A_418, %get3A_422 : vector<16xf32>
        %swap3A_424 = arith.index_cast %scan3A_344 : i32 to index
        %swap3A_425 = arith.constant 80 : index
        %swap3A_426 = tpu.vector_load %arg15[%swap3A_424, %swap3A_425] {strides = array<i32>} : memref<64x128xf32, #tpu.memory_space<vmem>>, vector<1x16xf32>,
        %swap3A_427 = vector.shape_cast %swap3A_426 : vector<1x16xf32> to vector<16xf32>
        %swap3A_428 = vector.shape_cast %mul3A_423 : vector<16xf32> to vector<1x16xf32>
        tpu.vector_store %arg15[%swap3A_424, %swap3A_425], %swap3A_428 {strides = array<i32>} : memref<64x128xf32, #tpu.memory_space<vmem>>, vector<1x16xf32>,
        %get3A_429 = arith.index_cast %scan3A_344 : i32 to index
        %get3A_430 = arith.constant 96 : index
        %get3A_431 = tpu.vector_load %arg11[%get3A_429, %get3A_430] {strides = array<i32>} : memref<64x128xf32, #tpu.memory_space<vmem>>, vector<1x16xf32>,
        %get3A_432 = vector.shape_cast %get3A_431 : vector<1x16xf32> to vector<16xf32>
        %get3A_433 = arith.index_cast %scan3A_344 : i32 to index
        %get3A_434 = arith.constant 96 : index
        %get3A_435 = tpu.vector_load %arg13[%get3A_433, %get3A_434] {strides = array<i32>} : memref<64x128xf32, #tpu.memory_space<vmem>>, vector<1x16xf32>,
        %get3A_436 = vector.shape_cast %get3A_435 : vector<1x16xf32> to vector<16xf32>
        %mul3A_437 = arith.mulf %get3A_432, %get3A_436 : vector<16xf32>
        %swap3A_438 = arith.index_cast %scan3A_344 : i32 to index
        %swap3A_439 = arith.constant 96 : index
        %swap3A_440 = tpu.vector_load %arg15[%swap3A_438, %swap3A_439] {strides = array<i32>} : memref<64x128xf32, #tpu.memory_space<vmem>>, vector<1x16xf32>,
        %swap3A_441 = vector.shape_cast %swap3A_440 : vector<1x16xf32> to vector<16xf32>
        %swap3A_442 = vector.shape_cast %mul3A_437 : vector<16xf32> to vector<1x16xf32>
        tpu.vector_store %arg15[%swap3A_438, %swap3A_439], %swap3A_442 {strides = array<i32>} : memref<64x128xf32, #tpu.memory_space<vmem>>, vector<1x16xf32>,
        %get3A_443 = arith.index_cast %scan3A_344 : i32 to index
        %get3A_444 = arith.constant 112 : index
        %get3A_445 = tpu.vector_load %arg11[%get3A_443, %get3A_444] {strides = array<i32>} : memref<64x128xf32, #tpu.memory_space<vmem>>, vector<1x16xf32>,
        %get3A_446 = vector.shape_cast %get3A_445 : vector<1x16xf32> to vector<16xf32>
        %get3A_447 = arith.index_cast %scan3A_344 : i32 to index
        %get3A_448 = arith.constant 112 : index
        %get3A_449 = tpu.vector_load %arg13[%get3A_447, %get3A_448] {strides = array<i32>} : memref<64x128xf32, #tpu.memory_space<vmem>>, vector<1x16xf32>,
        %get3A_450 = vector.shape_cast %get3A_449 : vector<1x16xf32> to vector<16xf32>
        %mul3A_451 = arith.mulf %get3A_446, %get3A_450 : vector<16xf32>
        %swap3A_452 = arith.index_cast %scan3A_344 : i32 to index
        %swap3A_453 = arith.constant 112 : index
        %swap3A_454 = tpu.vector_load %arg15[%swap3A_452, %swap3A_453] {strides = array<i32>} : memref<64x128xf32, #tpu.memory_space<vmem>>, vector<1x16xf32>,
        %swap3A_455 = vector.shape_cast %swap3A_454 : vector<1x16xf32> to vector<16xf32>
        %swap3A_456 = vector.shape_cast %mul3A_451 : vector<16xf32> to vector<1x16xf32>
        tpu.vector_store %arg15[%swap3A_452, %swap3A_453], %swap3A_456 {strides = array<i32>} : memref<64x128xf32, #tpu.memory_space<vmem>>, vector<1x16xf32>,
      }
      %scan3A_340 = arith.constant 64 : i32
      %dma_start3A_341 = arith.constant 0 : i32
      %dma_start3A_342 = arith.constant 0 : i32
      %dma_start3A_343 = tpu.memref_slice %arg16[%dma_start3A_341, %dma_start3A_342] : memref<10112x128xf32, #tpu.memory_space<vmem_shared>> -> memref<10112x128xf32, #tpu.memory_space<vmem_shared>>
      tpu.enqueue_indirect_dma source(%arg15 : memref<64x128xf32, #tpu.memory_space<vmem>>) target(%dma_start3A_343 : memref<10112x128xf32, #tpu.memory_space<vmem_shared>>) offsets(%arg9 : memref<64xi32, #tpu.memory_space<vmem>>) semaphore(%arg24 : memref<!tpu.dma_semaphore, #tpu.memory_space<semaphore_mem>>) {add = true}
    }
    %dma_wait3A_121 = arith.constant 0 : i32
    %dma_wait3A_122 = arith.constant 0 : i32
    %dma_wait3A_123 = tpu.memref_slice %arg16[%dma_wait3A_121, %dma_wait3A_122] : memref<10112x128xf32, #tpu.memory_space<vmem_shared>> -> memref<10112x128xf32, #tpu.memory_space<vmem_shared>>
    tpu.wait_indirect_dma semaphore(%arg23 : memref<!tpu.dma_semaphore, #tpu.memory_space<semaphore_mem>>) src(%arg14 : memref<64x128xf32, #tpu.memory_space<vmem>>) dst(%dma_wait3A_123 : memref<10112x128xf32, #tpu.memory_space<vmem_shared>>)
    %dma_wait3A_124 = arith.constant 0 : i32
    %dma_wait3A_125 = arith.constant 0 : i32
    %dma_wait3A_126 = tpu.memref_slice %arg16[%dma_wait3A_124, %dma_wait3A_125] : memref<10112x128xf32, #tpu.memory_space<vmem_shared>> -> memref<10112x128xf32, #tpu.memory_space<vmem_shared>>
    tpu.wait_indirect_dma semaphore(%arg24 : memref<!tpu.dma_semaphore, #tpu.memory_space<semaphore_mem>>) src(%arg15 : memref<64x128xf32, #tpu.memory_space<vmem>>) dst(%dma_wait3A_126 : memref<10112x128xf32, #tpu.memory_space<vmem_shared>>)
    %barrier3A_127 = arith.constant 0 : index
    tpu.barrier barrier_id(%barrier3A_127)
    %mul3A_128 = arith.constant 632 : i32
    %mul3A_129 = arith.muli %arg1, %mul3A_128 : i32
    %add3A_130 = arith.constant 0 : i32
    %add3A_131 = arith.addi %mul3A_129, %add3A_130 : i32
    "tpu.region"() ({
      %run_scoped3A = tpu.sem_alloc : memref<!tpu.dma_semaphore, #tpu.memory_space<semaphore_mem>>
      %dma_start3A_168 = arith.constant 0 : i32
      %dma_start3A_169 = arith.constant 0 : i32
      %dma_start3A_170 = tpu.memref_slice %arg14[%dma_start3A_168, %dma_start3A_169] : memref<64x128xf32, #tpu.memory_space<vmem>> -> memref<64x128xf32, #tpu.memory_space<vmem>>
      %dma_start3A_171 = arith.constant 0 : i32
      %dma_start3A_172 = tpu.memref_slice %arg16[%add3A_131, %dma_start3A_171] : memref<10112x128xf32, #tpu.memory_space<vmem_shared>> -> memref<64x128xf32, #tpu.memory_space<vmem_shared>>
      %dma_start3A_173 = arith.constant 0 : i32
      %dma_start3A_174 = arith.constant 0 : i32
      %dma_start3A_175 = tpu.memref_slice %arg14[%dma_start3A_173, %dma_start3A_174] : memref<64x128xf32, #tpu.memory_space<vmem>> -> memref<64x128xf32, #tpu.memory_space<vmem>>
      %dma_start3A_176 = arith.constant 0 : i32
      %dma_start3A_177 = tpu.memref_slice %arg16[%add3A_131, %dma_start3A_176] : memref<10112x128xf32, #tpu.memory_space<vmem_shared>> -> memref<64x128xf32, #tpu.memory_space<vmem_shared>>
      tpu.enqueue_dma source(%dma_start3A_177 : memref<64x128xf32, #tpu.memory_space<vmem_shared>>) target(%dma_start3A_175 : memref<64x128xf32, #tpu.memory_space<vmem>>) target_semaphore(%run_scoped3A : memref<!tpu.dma_semaphore, #tpu.memory_space<semaphore_mem>>)
      %dma_wait3A_178 = arith.constant 0 : i32
      %dma_wait3A_179 = arith.constant 0 : i32
      %dma_wait3A_180 = tpu.memref_slice %arg14[%dma_wait3A_178, %dma_wait3A_179] : memref<64x128xf32, #tpu.memory_space<vmem>> -> memref<64x128xf32, #tpu.memory_space<vmem>>
      %dma_wait3A_181 = arith.constant 0 : i32
      %dma_wait3A_182 = tpu.memref_slice %arg16[%add3A_131, %dma_wait3A_181] : memref<10112x128xf32, #tpu.memory_space<vmem_shared>> -> memref<64x128xf32, #tpu.memory_space<vmem_shared>>
      %dma_wait3A_183 = arith.constant 0 : i32
      %dma_wait3A_184 = arith.constant 0 : i32
      %dma_wait3A_185 = tpu.memref_slice %arg14[%dma_wait3A_183, %dma_wait3A_184] : memref<64x128xf32, #tpu.memory_space<vmem>> -> memref<64x128xf32, #tpu.memory_space<vmem>>
      %dma_wait3A_186 = arith.constant 0 : i32
      %dma_wait3A_187 = tpu.memref_slice %arg16[%add3A_131, %dma_wait3A_186] : memref<10112x128xf32, #tpu.memory_space<vmem_shared>> -> memref<64x128xf32, #tpu.memory_space<vmem_shared>>
      tpu.wait_dma2 semaphore(%run_scoped3A : memref<!tpu.dma_semaphore, #tpu.memory_space<semaphore_mem>>) src(%dma_wait3A_187 : memref<64x128xf32, #tpu.memory_space<vmem_shared>>) dst(%dma_wait3A_185 : memref<64x128xf32, #tpu.memory_space<vmem>>)
      tpu.yield
    }) : () -> ()
    "tpu.region"() ({
      %run_scoped3A = tpu.sem_alloc : memref<!tpu.dma_semaphore, #tpu.memory_space<semaphore_mem>>
      %dma_start3A_168 = arith.constant 0 : i32
      %dma_start3A_169 = arith.constant 0 : i32
      %dma_start3A_170 = tpu.memref_slice %arg14[%dma_start3A_168, %dma_start3A_169] : memref<64x128xf32, #tpu.memory_space<vmem>> -> memref<64x128xf32, #tpu.memory_space<vmem>>
      %dma_start3A_171 = arith.constant 0 : i32
      %dma_start3A_172 = arith.constant 0 : i32
      %dma_start3A_173 = tpu.memref_slice %arg5[%arg0, %dma_start3A_171, %dma_start3A_172] : memref<2x10112x128xf32, #tpu.memory_space<hbm>> -> memref<1x10112x128xf32, #tpu.memory_space<hbm>>
      %dma_start3A_174 = tpu.memref_squeeze %dma_start3A_173 : memref<1x10112x128xf32, #tpu.memory_space<hbm>> -> memref<10112x128xf32, #tpu.memory_space<hbm>>
      %dma_start3A_175 = arith.constant 0 : i32
      %dma_start3A_176 = tpu.memref_slice %dma_start3A_174[%add3A_131, %dma_start3A_175] : memref<10112x128xf32, #tpu.memory_space<hbm>> -> memref<64x128xf32, #tpu.memory_space<hbm>>
      %dma_start3A_177 = arith.constant 0 : i32
      %dma_start3A_178 = arith.constant 0 : i32
      %dma_start3A_179 = tpu.memref_slice %arg5[%arg0, %dma_start3A_177, %dma_start3A_178] : memref<2x10112x128xf32, #tpu.memory_space<hbm>> -> memref<1x10112x128xf32, #tpu.memory_space<hbm>>
      %dma_start3A_180 = tpu.memref_squeeze %dma_start3A_179 : memref<1x10112x128xf32, #tpu.memory_space<hbm>> -> memref<10112x128xf32, #tpu.memory_space<hbm>>
      %dma_start3A_181 = arith.constant 0 : i32
      %dma_start3A_182 = tpu.memref_slice %dma_start3A_180[%add3A_131, %dma_start3A_181] : memref<10112x128xf32, #tpu.memory_space<hbm>> -> memref<64x128xf32, #tpu.memory_space<hbm>>
      %dma_start3A_183 = arith.constant 0 : i32
      %dma_start3A_184 = arith.constant 0 : i32
      %dma_start3A_185 = tpu.memref_slice %arg14[%dma_start3A_183, %dma_start3A_184] : memref<64x128xf32, #tpu.memory_space<vmem>> -> memref<64x128xf32, #tpu.memory_space<vmem>>
      tpu.enqueue_dma source(%dma_start3A_185 : memref<64x128xf32, #tpu.memory_space<vmem>>) target(%dma_start3A_182 : memref<64x128xf32, #tpu.memory_space<hbm>>) target_semaphore(%run_scoped3A : memref<!tpu.dma_semaphore, #tpu.memory_space<semaphore_mem>>)
      %dma_wait3A_186 = arith.constant 0 : i32
      %dma_wait3A_187 = arith.constant 0 : i32
      %dma_wait3A_188 = tpu.memref_slice %arg14[%dma_wait3A_186, %dma_wait3A_187] : memref<64x128xf32, #tpu.memory_space<vmem>> -> memref<64x128xf32, #tpu.memory_space<vmem>>
      %dma_wait3A_189 = arith.constant 0 : i32
      %dma_wait3A_190 = arith.constant 0 : i32
      %dma_wait3A_191 = tpu.memref_slice %arg5[%arg0, %dma_wait3A_189, %dma_wait3A_190] : memref<2x10112x128xf32, #tpu.memory_space<hbm>> -> memref<1x10112x128xf32, #tpu.memory_space<hbm>>
      %dma_wait3A_192 = tpu.memref_squeeze %dma_wait3A_191 : memref<1x10112x128xf32, #tpu.memory_space<hbm>> -> memref<10112x128xf32, #tpu.memory_space<hbm>>
      %dma_wait3A_193 = arith.constant 0 : i32
      %dma_wait3A_194 = tpu.memref_slice %dma_wait3A_192[%add3A_131, %dma_wait3A_193] : memref<10112x128xf32, #tpu.memory_space<hbm>> -> memref<64x128xf32, #tpu.memory_space<hbm>>
      %dma_wait3A_195 = arith.constant 0 : i32
      %dma_wait3A_196 = arith.constant 0 : i32
      %dma_wait3A_197 = tpu.memref_slice %arg5[%arg0, %dma_wait3A_195, %dma_wait3A_196] : memref<2x10112x128xf32, #tpu.memory_space<hbm>> -> memref<1x10112x128xf32, #tpu.memory_space<hbm>>
      %dma_wait3A_198 = tpu.memref_squeeze %dma_wait3A_197 : memref<1x10112x128xf32, #tpu.memory_space<hbm>> -> memref<10112x128xf32, #tpu.memory_space<hbm>>
      %dma_wait3A_199 = arith.constant 0 : i32
      %dma_wait3A_200 = tpu.memref_slice %dma_wait3A_198[%add3A_131, %dma_wait3A_199] : memref<10112x128xf32, #tpu.memory_space<hbm>> -> memref<64x128xf32, #tpu.memory_space<hbm>>
      %dma_wait3A_201 = arith.constant 0 : i32
      %dma_wait3A_202 = arith.constant 0 : i32
      %dma_wait3A_203 = tpu.memref_slice %arg14[%dma_wait3A_201, %dma_wait3A_202] : memref<64x128xf32, #tpu.memory_space<vmem>> -> memref<64x128xf32, #tpu.memory_space<vmem>>
      tpu.wait_dma2 semaphore(%run_scoped3A : memref<!tpu.dma_semaphore, #tpu.memory_space<semaphore_mem>>) src(%dma_wait3A_203 : memref<64x128xf32, #tpu.memory_space<vmem>>) dst(%dma_wait3A_200 : memref<64x128xf32, #tpu.memory_space<hbm>>)
      tpu.yield
    }) : () -> ()
    %mul3A_132 = arith.constant 632 : i32
    %mul3A_133 = arith.muli %arg1, %mul3A_132 : i32
    %add3A_134 = arith.constant 64 : i32
    %add3A_135 = arith.addi %mul3A_133, %add3A_134 : i32
    "tpu.region"() ({
      %run_scoped3A = tpu.sem_alloc : memref<!tpu.dma_semaphore, #tpu.memory_space<semaphore_mem>>
      %dma_start3A_168 = arith.constant 0 : i32
      %dma_start3A_169 = arith.constant 0 : i32
      %dma_start3A_170 = tpu.memref_slice %arg14[%dma_start3A_168, %dma_start3A_169] : memref<64x128xf32, #tpu.memory_space<vmem>> -> memref<64x128xf32, #tpu.memory_space<vmem>>
      %dma_start3A_171 = arith.constant 0 : i32
      %dma_start3A_172 = tpu.memref_slice %arg16[%add3A_135, %dma_start3A_171] : memref<10112x128xf32, #tpu.memory_space<vmem_shared>> -> memref<64x128xf32, #tpu.memory_space<vmem_shared>>
      %dma_start3A_173 = arith.constant 0 : i32
      %dma_start3A_174 = arith.constant 0 : i32
      %dma_start3A_175 = tpu.memref_slice %arg14[%dma_start3A_173, %dma_start3A_174] : memref<64x128xf32, #tpu.memory_space<vmem>> -> memref<64x128xf32, #tpu.memory_space<vmem>>
      %dma_start3A_176 = arith.constant 0 : i32
      %dma_start3A_177 = tpu.memref_slice %arg16[%add3A_135, %dma_start3A_176] : memref<10112x128xf32, #tpu.memory_space<vmem_shared>> -> memref<64x128xf32, #tpu.memory_space<vmem_shared>>
      tpu.enqueue_dma source(%dma_start3A_177 : memref<64x128xf32, #tpu.memory_space<vmem_shared>>) target(%dma_start3A_175 : memref<64x128xf32, #tpu.memory_space<vmem>>) target_semaphore(%run_scoped3A : memref<!tpu.dma_semaphore, #tpu.memory_space<semaphore_mem>>)
      %dma_wait3A_178 = arith.constant 0 : i32
      %dma_wait3A_179 = arith.constant 0 : i32
      %dma_wait3A_180 = tpu.memref_slice %arg14[%dma_wait3A_178, %dma_wait3A_179] : memref<64x128xf32, #tpu.memory_space<vmem>> -> memref<64x128xf32, #tpu.memory_space<vmem>>
      %dma_wait3A_181 = arith.constant 0 : i32
      %dma_wait3A_182 = tpu.memref_slice %arg16[%add3A_135, %dma_wait3A_181] : memref<10112x128xf32, #tpu.memory_space<vmem_shared>> -> memref<64x128xf32, #tpu.memory_space<vmem_shared>>
      %dma_wait3A_183 = arith.constant 0 : i32
      %dma_wait3A_184 = arith.constant 0 : i32
      %dma_wait3A_185 = tpu.memref_slice %arg14[%dma_wait3A_183, %dma_wait3A_184] : memref<64x128xf32, #tpu.memory_space<vmem>> -> memref<64x128xf32, #tpu.memory_space<vmem>>
      %dma_wait3A_186 = arith.constant 0 : i32
      %dma_wait3A_187 = tpu.memref_slice %arg16[%add3A_135, %dma_wait3A_186] : memref<10112x128xf32, #tpu.memory_space<vmem_shared>> -> memref<64x128xf32, #tpu.memory_space<vmem_shared>>
      tpu.wait_dma2 semaphore(%run_scoped3A : memref<!tpu.dma_semaphore, #tpu.memory_space<semaphore_mem>>) src(%dma_wait3A_187 : memref<64x128xf32, #tpu.memory_space<vmem_shared>>) dst(%dma_wait3A_185 : memref<64x128xf32, #tpu.memory_space<vmem>>)
      tpu.yield
    }) : () -> ()
    "tpu.region"() ({
      %run_scoped3A = tpu.sem_alloc : memref<!tpu.dma_semaphore, #tpu.memory_space<semaphore_mem>>
      %dma_start3A_168 = arith.constant 0 : i32
      %dma_start3A_169 = arith.constant 0 : i32
      %dma_start3A_170 = tpu.memref_slice %arg14[%dma_start3A_168, %dma_start3A_169] : memref<64x128xf32, #tpu.memory_space<vmem>> -> memref<64x128xf32, #tpu.memory_space<vmem>>
      %dma_start3A_171 = arith.constant 0 : i32
      %dma_start3A_172 = arith.constant 0 : i32
      %dma_start3A_173 = tpu.memref_slice %arg5[%arg0, %dma_start3A_171, %dma_start3A_172] : memref<2x10112x128xf32, #tpu.memory_space<hbm>> -> memref<1x10112x128xf32, #tpu.memory_space<hbm>>
      %dma_start3A_174 = tpu.memref_squeeze %dma_start3A_173 : memref<1x10112x128xf32, #tpu.memory_space<hbm>> -> memref<10112x128xf32, #tpu.memory_space<hbm>>
      %dma_start3A_175 = arith.constant 0 : i32
      %dma_start3A_176 = tpu.memref_slice %dma_start3A_174[%add3A_135, %dma_start3A_175] : memref<10112x128xf32, #tpu.memory_space<hbm>> -> memref<64x128xf32, #tpu.memory_space<hbm>>
      %dma_start3A_177 = arith.constant 0 : i32
      %dma_start3A_178 = arith.constant 0 : i32
      %dma_start3A_179 = tpu.memref_slice %arg5[%arg0, %dma_start3A_177, %dma_start3A_178] : memref<2x10112x128xf32, #tpu.memory_space<hbm>> -> memref<1x10112x128xf32, #tpu.memory_space<hbm>>
      %dma_start3A_180 = tpu.memref_squeeze %dma_start3A_179 : memref<1x10112x128xf32, #tpu.memory_space<hbm>> -> memref<10112x128xf32, #tpu.memory_space<hbm>>
      %dma_start3A_181 = arith.constant 0 : i32
      %dma_start3A_182 = tpu.memref_slice %dma_start3A_180[%add3A_135, %dma_start3A_181] : memref<10112x128xf32, #tpu.memory_space<hbm>> -> memref<64x128xf32, #tpu.memory_space<hbm>>
      %dma_start3A_183 = arith.constant 0 : i32
      %dma_start3A_184 = arith.constant 0 : i32
      %dma_start3A_185 = tpu.memref_slice %arg14[%dma_start3A_183, %dma_start3A_184] : memref<64x128xf32, #tpu.memory_space<vmem>> -> memref<64x128xf32, #tpu.memory_space<vmem>>
      tpu.enqueue_dma source(%dma_start3A_185 : memref<64x128xf32, #tpu.memory_space<vmem>>) target(%dma_start3A_182 : memref<64x128xf32, #tpu.memory_space<hbm>>) target_semaphore(%run_scoped3A : memref<!tpu.dma_semaphore, #tpu.memory_space<semaphore_mem>>)
      %dma_wait3A_186 = arith.constant 0 : i32
      %dma_wait3A_187 = arith.constant 0 : i32
      %dma_wait3A_188 = tpu.memref_slice %arg14[%dma_wait3A_186, %dma_wait3A_187] : memref<64x128xf32, #tpu.memory_space<vmem>> -> memref<64x128xf32, #tpu.memory_space<vmem>>
      %dma_wait3A_189 = arith.constant 0 : i32
      %dma_wait3A_190 = arith.constant 0 : i32
      %dma_wait3A_191 = tpu.memref_slice %arg5[%arg0, %dma_wait3A_189, %dma_wait3A_190] : memref<2x10112x128xf32, #tpu.memory_space<hbm>> -> memref<1x10112x128xf32, #tpu.memory_space<hbm>>
      %dma_wait3A_192 = tpu.memref_squeeze %dma_wait3A_191 : memref<1x10112x128xf32, #tpu.memory_space<hbm>> -> memref<10112x128xf32, #tpu.memory_space<hbm>>
      %dma_wait3A_193 = arith.constant 0 : i32
      %dma_wait3A_194 = tpu.memref_slice %dma_wait3A_192[%add3A_135, %dma_wait3A_193] : memref<10112x128xf32, #tpu.memory_space<hbm>> -> memref<64x128xf32, #tpu.memory_space<hbm>>
      %dma_wait3A_195 = arith.constant 0 : i32
      %dma_wait3A_196 = arith.constant 0 : i32
      %dma_wait3A_197 = tpu.memref_slice %arg5[%arg0, %dma_wait3A_195, %dma_wait3A_196] : memref<2x10112x128xf32, #tpu.memory_space<hbm>> -> memref<1x10112x128xf32, #tpu.memory_space<hbm>>
      %dma_wait3A_198 = tpu.memref_squeeze %dma_wait3A_197 : memref<1x10112x128xf32, #tpu.memory_space<hbm>> -> memref<10112x128xf32, #tpu.memory_space<hbm>>
      %dma_wait3A_199 = arith.constant 0 : i32
      %dma_wait3A_200 = tpu.memref_slice %dma_wait3A_198[%add3A_135, %dma_wait3A_199] : memref<10112x128xf32, #tpu.memory_space<hbm>> -> memref<64x128xf32, #tpu.memory_space<hbm>>
      %dma_wait3A_201 = arith.constant 0 : i32
      %dma_wait3A_202 = arith.constant 0 : i32
      %dma_wait3A_203 = tpu.memref_slice %arg14[%dma_wait3A_201, %dma_wait3A_202] : memref<64x128xf32, #tpu.memory_space<vmem>> -> memref<64x128xf32, #tpu.memory_space<vmem>>
      tpu.wait_dma2 semaphore(%run_scoped3A : memref<!tpu.dma_semaphore, #tpu.memory_space<semaphore_mem>>) src(%dma_wait3A_203 : memref<64x128xf32, #tpu.memory_space<vmem>>) dst(%dma_wait3A_200 : memref<64x128xf32, #tpu.memory_space<hbm>>)
      tpu.yield
    }) : () -> ()
    %mul3A_136 = arith.constant 632 : i32
    %mul3A_137 = arith.muli %arg1, %mul3A_136 : i32
    %add3A_138 = arith.constant 128 : i32
    %add3A_139 = arith.addi %mul3A_137, %add3A_138 : i32
    "tpu.region"() ({
      %run_scoped3A = tpu.sem_alloc : memref<!tpu.dma_semaphore, #tpu.memory_space<semaphore_mem>>
      %dma_start3A_168 = arith.constant 0 : i32
      %dma_start3A_169 = arith.constant 0 : i32
      %dma_start3A_170 = tpu.memref_slice %arg14[%dma_start3A_168, %dma_start3A_169] : memref<64x128xf32, #tpu.memory_space<vmem>> -> memref<64x128xf32, #tpu.memory_space<vmem>>
      %dma_start3A_171 = arith.constant 0 : i32
      %dma_start3A_172 = tpu.memref_slice %arg16[%add3A_139, %dma_start3A_171] : memref<10112x128xf32, #tpu.memory_space<vmem_shared>> -> memref<64x128xf32, #tpu.memory_space<vmem_shared>>
      %dma_start3A_173 = arith.constant 0 : i32
      %dma_start3A_174 = arith.constant 0 : i32
      %dma_start3A_175 = tpu.memref_slice %arg14[%dma_start3A_173, %dma_start3A_174] : memref<64x128xf32, #tpu.memory_space<vmem>> -> memref<64x128xf32, #tpu.memory_space<vmem>>
      %dma_start3A_176 = arith.constant 0 : i32
      %dma_start3A_177 = tpu.memref_slice %arg16[%add3A_139, %dma_start3A_176] : memref<10112x128xf32, #tpu.memory_space<vmem_shared>> -> memref<64x128xf32, #tpu.memory_space<vmem_shared>>
      tpu.enqueue_dma source(%dma_start3A_177 : memref<64x128xf32, #tpu.memory_space<vmem_shared>>) target(%dma_start3A_175 : memref<64x128xf32, #tpu.memory_space<vmem>>) target_semaphore(%run_scoped3A : memref<!tpu.dma_semaphore, #tpu.memory_space<semaphore_mem>>)
      %dma_wait3A_178 = arith.constant 0 : i32
      %dma_wait3A_179 = arith.constant 0 : i32
      %dma_wait3A_180 = tpu.memref_slice %arg14[%dma_wait3A_178, %dma_wait3A_179] : memref<64x128xf32, #tpu.memory_space<vmem>> -> memref<64x128xf32, #tpu.memory_space<vmem>>
      %dma_wait3A_181 = arith.constant 0 : i32
      %dma_wait3A_182 = tpu.memref_slice %arg16[%add3A_139, %dma_wait3A_181] : memref<10112x128xf32, #tpu.memory_space<vmem_shared>> -> memref<64x128xf32, #tpu.memory_space<vmem_shared>>
      %dma_wait3A_183 = arith.constant 0 : i32
      %dma_wait3A_184 = arith.constant 0 : i32
      %dma_wait3A_185 = tpu.memref_slice %arg14[%dma_wait3A_183, %dma_wait3A_184] : memref<64x128xf32, #tpu.memory_space<vmem>> -> memref<64x128xf32, #tpu.memory_space<vmem>>
      %dma_wait3A_186 = arith.constant 0 : i32
      %dma_wait3A_187 = tpu.memref_slice %arg16[%add3A_139, %dma_wait3A_186] : memref<10112x128xf32, #tpu.memory_space<vmem_shared>> -> memref<64x128xf32, #tpu.memory_space<vmem_shared>>
      tpu.wait_dma2 semaphore(%run_scoped3A : memref<!tpu.dma_semaphore, #tpu.memory_space<semaphore_mem>>) src(%dma_wait3A_187 : memref<64x128xf32, #tpu.memory_space<vmem_shared>>) dst(%dma_wait3A_185 : memref<64x128xf32, #tpu.memory_space<vmem>>)
      tpu.yield
    }) : () -> ()
    "tpu.region"() ({
      %run_scoped3A = tpu.sem_alloc : memref<!tpu.dma_semaphore, #tpu.memory_space<semaphore_mem>>
      %dma_start3A_168 = arith.constant 0 : i32
      %dma_start3A_169 = arith.constant 0 : i32
      %dma_start3A_170 = tpu.memref_slice %arg14[%dma_start3A_168, %dma_start3A_169] : memref<64x128xf32, #tpu.memory_space<vmem>> -> memref<64x128xf32, #tpu.memory_space<vmem>>
      %dma_start3A_171 = arith.constant 0 : i32
      %dma_start3A_172 = arith.constant 0 : i32
      %dma_start3A_173 = tpu.memref_slice %arg5[%arg0, %dma_start3A_171, %dma_start3A_172] : memref<2x10112x128xf32, #tpu.memory_space<hbm>> -> memref<1x10112x128xf32, #tpu.memory_space<hbm>>
      %dma_start3A_174 = tpu.memref_squeeze %dma_start3A_173 : memref<1x10112x128xf32, #tpu.memory_space<hbm>> -> memref<10112x128xf32, #tpu.memory_space<hbm>>
      %dma_start3A_175 = arith.constant 0 : i32
      %dma_start3A_176 = tpu.memref_slice %dma_start3A_174[%add3A_139, %dma_start3A_175] : memref<10112x128xf32, #tpu.memory_space<hbm>> -> memref<64x128xf32, #tpu.memory_space<hbm>>
      %dma_start3A_177 = arith.constant 0 : i32
      %dma_start3A_178 = arith.constant 0 : i32
      %dma_start3A_179 = tpu.memref_slice %arg5[%arg0, %dma_start3A_177, %dma_start3A_178] : memref<2x10112x128xf32, #tpu.memory_space<hbm>> -> memref<1x10112x128xf32, #tpu.memory_space<hbm>>
      %dma_start3A_180 = tpu.memref_squeeze %dma_start3A_179 : memref<1x10112x128xf32, #tpu.memory_space<hbm>> -> memref<10112x128xf32, #tpu.memory_space<hbm>>
      %dma_start3A_181 = arith.constant 0 : i32
      %dma_start3A_182 = tpu.memref_slice %dma_start3A_180[%add3A_139, %dma_start3A_181] : memref<10112x128xf32, #tpu.memory_space<hbm>> -> memref<64x128xf32, #tpu.memory_space<hbm>>
      %dma_start3A_183 = arith.constant 0 : i32
      %dma_start3A_184 = arith.constant 0 : i32
      %dma_start3A_185 = tpu.memref_slice %arg14[%dma_start3A_183, %dma_start3A_184] : memref<64x128xf32, #tpu.memory_space<vmem>> -> memref<64x128xf32, #tpu.memory_space<vmem>>
      tpu.enqueue_dma source(%dma_start3A_185 : memref<64x128xf32, #tpu.memory_space<vmem>>) target(%dma_start3A_182 : memref<64x128xf32, #tpu.memory_space<hbm>>) target_semaphore(%run_scoped3A : memref<!tpu.dma_semaphore, #tpu.memory_space<semaphore_mem>>)
      %dma_wait3A_186 = arith.constant 0 : i32
      %dma_wait3A_187 = arith.constant 0 : i32
      %dma_wait3A_188 = tpu.memref_slice %arg14[%dma_wait3A_186, %dma_wait3A_187] : memref<64x128xf32, #tpu.memory_space<vmem>> -> memref<64x128xf32, #tpu.memory_space<vmem>>
      %dma_wait3A_189 = arith.constant 0 : i32
      %dma_wait3A_190 = arith.constant 0 : i32
      %dma_wait3A_191 = tpu.memref_slice %arg5[%arg0, %dma_wait3A_189, %dma_wait3A_190] : memref<2x10112x128xf32, #tpu.memory_space<hbm>> -> memref<1x10112x128xf32, #tpu.memory_space<hbm>>
      %dma_wait3A_192 = tpu.memref_squeeze %dma_wait3A_191 : memref<1x10112x128xf32, #tpu.memory_space<hbm>> -> memref<10112x128xf32, #tpu.memory_space<hbm>>
      %dma_wait3A_193 = arith.constant 0 : i32
      %dma_wait3A_194 = tpu.memref_slice %dma_wait3A_192[%add3A_139, %dma_wait3A_193] : memref<10112x128xf32, #tpu.memory_space<hbm>> -> memref<64x128xf32, #tpu.memory_space<hbm>>
      %dma_wait3A_195 = arith.constant 0 : i32
      %dma_wait3A_196 = arith.constant 0 : i32
      %dma_wait3A_197 = tpu.memref_slice %arg5[%arg0, %dma_wait3A_195, %dma_wait3A_196] : memref<2x10112x128xf32, #tpu.memory_space<hbm>> -> memref<1x10112x128xf32, #tpu.memory_space<hbm>>
      %dma_wait3A_198 = tpu.memref_squeeze %dma_wait3A_197 : memref<1x10112x128xf32, #tpu.memory_space<hbm>> -> memref<10112x128xf32, #tpu.memory_space<hbm>>
      %dma_wait3A_199 = arith.constant 0 : i32
      %dma_wait3A_200 = tpu.memref_slice %dma_wait3A_198[%add3A_139, %dma_wait3A_199] : memref<10112x128xf32, #tpu.memory_space<hbm>> -> memref<64x128xf32, #tpu.memory_space<hbm>>
      %dma_wait3A_201 = arith.constant 0 : i32
      %dma_wait3A_202 = arith.constant 0 : i32
      %dma_wait3A_203 = tpu.memref_slice %arg14[%dma_wait3A_201, %dma_wait3A_202] : memref<64x128xf32, #tpu.memory_space<vmem>> -> memref<64x128xf32, #tpu.memory_space<vmem>>
      tpu.wait_dma2 semaphore(%run_scoped3A : memref<!tpu.dma_semaphore, #tpu.memory_space<semaphore_mem>>) src(%dma_wait3A_203 : memref<64x128xf32, #tpu.memory_space<vmem>>) dst(%dma_wait3A_200 : memref<64x128xf32, #tpu.memory_space<hbm>>)
      tpu.yield
    }) : () -> ()
    %mul3A_140 = arith.constant 632 : i32
    %mul3A_141 = arith.muli %arg1, %mul3A_140 : i32
    %add3A_142 = arith.constant 192 : i32
    %add3A_143 = arith.addi %mul3A_141, %add3A_142 : i32
    "tpu.region"() ({
      %run_scoped3A = tpu.sem_alloc : memref<!tpu.dma_semaphore, #tpu.memory_space<semaphore_mem>>
      %dma_start3A_168 = arith.constant 0 : i32
      %dma_start3A_169 = arith.constant 0 : i32
      %dma_start3A_170 = tpu.memref_slice %arg14[%dma_start3A_168, %dma_start3A_169] : memref<64x128xf32, #tpu.memory_space<vmem>> -> memref<64x128xf32, #tpu.memory_space<vmem>>
      %dma_start3A_171 = arith.constant 0 : i32
      %dma_start3A_172 = tpu.memref_slice %arg16[%add3A_143, %dma_start3A_171] : memref<10112x128xf32, #tpu.memory_space<vmem_shared>> -> memref<64x128xf32, #tpu.memory_space<vmem_shared>>
      %dma_start3A_173 = arith.constant 0 : i32
      %dma_start3A_174 = arith.constant 0 : i32
      %dma_start3A_175 = tpu.memref_slice %arg14[%dma_start3A_173, %dma_start3A_174] : memref<64x128xf32, #tpu.memory_space<vmem>> -> memref<64x128xf32, #tpu.memory_space<vmem>>
      %dma_start3A_176 = arith.constant 0 : i32
      %dma_start3A_177 = tpu.memref_slice %arg16[%add3A_143, %dma_start3A_176] : memref<10112x128xf32, #tpu.memory_space<vmem_shared>> -> memref<64x128xf32, #tpu.memory_space<vmem_shared>>
      tpu.enqueue_dma source(%dma_start3A_177 : memref<64x128xf32, #tpu.memory_space<vmem_shared>>) target(%dma_start3A_175 : memref<64x128xf32, #tpu.memory_space<vmem>>) target_semaphore(%run_scoped3A : memref<!tpu.dma_semaphore, #tpu.memory_space<semaphore_mem>>)
      %dma_wait3A_178 = arith.constant 0 : i32
      %dma_wait3A_179 = arith.constant 0 : i32
      %dma_wait3A_180 = tpu.memref_slice %arg14[%dma_wait3A_178, %dma_wait3A_179] : memref<64x128xf32, #tpu.memory_space<vmem>> -> memref<64x128xf32, #tpu.memory_space<vmem>>
      %dma_wait3A_181 = arith.constant 0 : i32
      %dma_wait3A_182 = tpu.memref_slice %arg16[%add3A_143, %dma_wait3A_181] : memref<10112x128xf32, #tpu.memory_space<vmem_shared>> -> memref<64x128xf32, #tpu.memory_space<vmem_shared>>
      %dma_wait3A_183 = arith.constant 0 : i32
      %dma_wait3A_184 = arith.constant 0 : i32
      %dma_wait3A_185 = tpu.memref_slice %arg14[%dma_wait3A_183, %dma_wait3A_184] : memref<64x128xf32, #tpu.memory_space<vmem>> -> memref<64x128xf32, #tpu.memory_space<vmem>>
      %dma_wait3A_186 = arith.constant 0 : i32
      %dma_wait3A_187 = tpu.memref_slice %arg16[%add3A_143, %dma_wait3A_186] : memref<10112x128xf32, #tpu.memory_space<vmem_shared>> -> memref<64x128xf32, #tpu.memory_space<vmem_shared>>
      tpu.wait_dma2 semaphore(%run_scoped3A : memref<!tpu.dma_semaphore, #tpu.memory_space<semaphore_mem>>) src(%dma_wait3A_187 : memref<64x128xf32, #tpu.memory_space<vmem_shared>>) dst(%dma_wait3A_185 : memref<64x128xf32, #tpu.memory_space<vmem>>)
      tpu.yield
    }) : () -> ()
    "tpu.region"() ({
      %run_scoped3A = tpu.sem_alloc : memref<!tpu.dma_semaphore, #tpu.memory_space<semaphore_mem>>
      %dma_start3A_168 = arith.constant 0 : i32
      %dma_start3A_169 = arith.constant 0 : i32
      %dma_start3A_170 = tpu.memref_slice %arg14[%dma_start3A_168, %dma_start3A_169] : memref<64x128xf32, #tpu.memory_space<vmem>> -> memref<64x128xf32, #tpu.memory_space<vmem>>
      %dma_start3A_171 = arith.constant 0 : i32
      %dma_start3A_172 = arith.constant 0 : i32
      %dma_start3A_173 = tpu.memref_slice %arg5[%arg0, %dma_start3A_171, %dma_start3A_172] : memref<2x10112x128xf32, #tpu.memory_space<hbm>> -> memref<1x10112x128xf32, #tpu.memory_space<hbm>>
      %dma_start3A_174 = tpu.memref_squeeze %dma_start3A_173 : memref<1x10112x128xf32, #tpu.memory_space<hbm>> -> memref<10112x128xf32, #tpu.memory_space<hbm>>
      %dma_start3A_175 = arith.constant 0 : i32
      %dma_start3A_176 = tpu.memref_slice %dma_start3A_174[%add3A_143, %dma_start3A_175] : memref<10112x128xf32, #tpu.memory_space<hbm>> -> memref<64x128xf32, #tpu.memory_space<hbm>>
      %dma_start3A_177 = arith.constant 0 : i32
      %dma_start3A_178 = arith.constant 0 : i32
      %dma_start3A_179 = tpu.memref_slice %arg5[%arg0, %dma_start3A_177, %dma_start3A_178] : memref<2x10112x128xf32, #tpu.memory_space<hbm>> -> memref<1x10112x128xf32, #tpu.memory_space<hbm>>
      %dma_start3A_180 = tpu.memref_squeeze %dma_start3A_179 : memref<1x10112x128xf32, #tpu.memory_space<hbm>> -> memref<10112x128xf32, #tpu.memory_space<hbm>>
      %dma_start3A_181 = arith.constant 0 : i32
      %dma_start3A_182 = tpu.memref_slice %dma_start3A_180[%add3A_143, %dma_start3A_181] : memref<10112x128xf32, #tpu.memory_space<hbm>> -> memref<64x128xf32, #tpu.memory_space<hbm>>
      %dma_start3A_183 = arith.constant 0 : i32
      %dma_start3A_184 = arith.constant 0 : i32
      %dma_start3A_185 = tpu.memref_slice %arg14[%dma_start3A_183, %dma_start3A_184] : memref<64x128xf32, #tpu.memory_space<vmem>> -> memref<64x128xf32, #tpu.memory_space<vmem>>
      tpu.enqueue_dma source(%dma_start3A_185 : memref<64x128xf32, #tpu.memory_space<vmem>>) target(%dma_start3A_182 : memref<64x128xf32, #tpu.memory_space<hbm>>) target_semaphore(%run_scoped3A : memref<!tpu.dma_semaphore, #tpu.memory_space<semaphore_mem>>)
      %dma_wait3A_186 = arith.constant 0 : i32
      %dma_wait3A_187 = arith.constant 0 : i32
      %dma_wait3A_188 = tpu.memref_slice %arg14[%dma_wait3A_186, %dma_wait3A_187] : memref<64x128xf32, #tpu.memory_space<vmem>> -> memref<64x128xf32, #tpu.memory_space<vmem>>
      %dma_wait3A_189 = arith.constant 0 : i32
      %dma_wait3A_190 = arith.constant 0 : i32
      %dma_wait3A_191 = tpu.memref_slice %arg5[%arg0, %dma_wait3A_189, %dma_wait3A_190] : memref<2x10112x128xf32, #tpu.memory_space<hbm>> -> memref<1x10112x128xf32, #tpu.memory_space<hbm>>
      %dma_wait3A_192 = tpu.memref_squeeze %dma_wait3A_191 : memref<1x10112x128xf32, #tpu.memory_space<hbm>> -> memref<10112x128xf32, #tpu.memory_space<hbm>>
      %dma_wait3A_193 = arith.constant 0 : i32
      %dma_wait3A_194 = tpu.memref_slice %dma_wait3A_192[%add3A_143, %dma_wait3A_193] : memref<10112x128xf32, #tpu.memory_space<hbm>> -> memref<64x128xf32, #tpu.memory_space<hbm>>
      %dma_wait3A_195 = arith.constant 0 : i32
      %dma_wait3A_196 = arith.constant 0 : i32
      %dma_wait3A_197 = tpu.memref_slice %arg5[%arg0, %dma_wait3A_195, %dma_wait3A_196] : memref<2x10112x128xf32, #tpu.memory_space<hbm>> -> memref<1x10112x128xf32, #tpu.memory_space<hbm>>
      %dma_wait3A_198 = tpu.memref_squeeze %dma_wait3A_197 : memref<1x10112x128xf32, #tpu.memory_space<hbm>> -> memref<10112x128xf32, #tpu.memory_space<hbm>>
      %dma_wait3A_199 = arith.constant 0 : i32
      %dma_wait3A_200 = tpu.memref_slice %dma_wait3A_198[%add3A_143, %dma_wait3A_199] : memref<10112x128xf32, #tpu.memory_space<hbm>> -> memref<64x128xf32, #tpu.memory_space<hbm>>
      %dma_wait3A_201 = arith.constant 0 : i32
      %dma_wait3A_202 = arith.constant 0 : i32
      %dma_wait3A_203 = tpu.memref_slice %arg14[%dma_wait3A_201, %dma_wait3A_202] : memref<64x128xf32, #tpu.memory_space<vmem>> -> memref<64x128xf32, #tpu.memory_space<vmem>>
      tpu.wait_dma2 semaphore(%run_scoped3A : memref<!tpu.dma_semaphore, #tpu.memory_space<semaphore_mem>>) src(%dma_wait3A_203 : memref<64x128xf32, #tpu.memory_space<vmem>>) dst(%dma_wait3A_200 : memref<64x128xf32, #tpu.memory_space<hbm>>)
      tpu.yield
    }) : () -> ()
    %mul3A_144 = arith.constant 632 : i32
    %mul3A_145 = arith.muli %arg1, %mul3A_144 : i32
    %add3A_146 = arith.constant 256 : i32
    %add3A_147 = arith.addi %mul3A_145, %add3A_146 : i32
    "tpu.region"() ({
      %run_scoped3A = tpu.sem_alloc : memref<!tpu.dma_semaphore, #tpu.memory_space<semaphore_mem>>
      %dma_start3A_168 = arith.constant 0 : i32
      %dma_start3A_169 = arith.constant 0 : i32
      %dma_start3A_170 = tpu.memref_slice %arg14[%dma_start3A_168, %dma_start3A_169] : memref<64x128xf32, #tpu.memory_space<vmem>> -> memref<64x128xf32, #tpu.memory_space<vmem>>
      %dma_start3A_171 = arith.constant 0 : i32
      %dma_start3A_172 = tpu.memref_slice %arg16[%add3A_147, %dma_start3A_171] : memref<10112x128xf32, #tpu.memory_space<vmem_shared>> -> memref<64x128xf32, #tpu.memory_space<vmem_shared>>
      %dma_start3A_173 = arith.constant 0 : i32
      %dma_start3A_174 = arith.constant 0 : i32
      %dma_start3A_175 = tpu.memref_slice %arg14[%dma_start3A_173, %dma_start3A_174] : memref<64x128xf32, #tpu.memory_space<vmem>> -> memref<64x128xf32, #tpu.memory_space<vmem>>
      %dma_start3A_176 = arith.constant 0 : i32
      %dma_start3A_177 = tpu.memref_slice %arg16[%add3A_147, %dma_start3A_176] : memref<10112x128xf32, #tpu.memory_space<vmem_shared>> -> memref<64x128xf32, #tpu.memory_space<vmem_shared>>
      tpu.enqueue_dma source(%dma_start3A_177 : memref<64x128xf32, #tpu.memory_space<vmem_shared>>) target(%dma_start3A_175 : memref<64x128xf32, #tpu.memory_space<vmem>>) target_semaphore(%run_scoped3A : memref<!tpu.dma_semaphore, #tpu.memory_space<semaphore_mem>>)
      %dma_wait3A_178 = arith.constant 0 : i32
      %dma_wait3A_179 = arith.constant 0 : i32
      %dma_wait3A_180 = tpu.memref_slice %arg14[%dma_wait3A_178, %dma_wait3A_179] : memref<64x128xf32, #tpu.memory_space<vmem>> -> memref<64x128xf32, #tpu.memory_space<vmem>>
      %dma_wait3A_181 = arith.constant 0 : i32
      %dma_wait3A_182 = tpu.memref_slice %arg16[%add3A_147, %dma_wait3A_181] : memref<10112x128xf32, #tpu.memory_space<vmem_shared>> -> memref<64x128xf32, #tpu.memory_space<vmem_shared>>
      %dma_wait3A_183 = arith.constant 0 : i32
      %dma_wait3A_184 = arith.constant 0 : i32
      %dma_wait3A_185 = tpu.memref_slice %arg14[%dma_wait3A_183, %dma_wait3A_184] : memref<64x128xf32, #tpu.memory_space<vmem>> -> memref<64x128xf32, #tpu.memory_space<vmem>>
      %dma_wait3A_186 = arith.constant 0 : i32
      %dma_wait3A_187 = tpu.memref_slice %arg16[%add3A_147, %dma_wait3A_186] : memref<10112x128xf32, #tpu.memory_space<vmem_shared>> -> memref<64x128xf32, #tpu.memory_space<vmem_shared>>
      tpu.wait_dma2 semaphore(%run_scoped3A : memref<!tpu.dma_semaphore, #tpu.memory_space<semaphore_mem>>) src(%dma_wait3A_187 : memref<64x128xf32, #tpu.memory_space<vmem_shared>>) dst(%dma_wait3A_185 : memref<64x128xf32, #tpu.memory_space<vmem>>)
      tpu.yield
    }) : () -> ()
    "tpu.region"() ({
      %run_scoped3A = tpu.sem_alloc : memref<!tpu.dma_semaphore, #tpu.memory_space<semaphore_mem>>
      %dma_start3A_168 = arith.constant 0 : i32
      %dma_start3A_169 = arith.constant 0 : i32
      %dma_start3A_170 = tpu.memref_slice %arg14[%dma_start3A_168, %dma_start3A_169] : memref<64x128xf32, #tpu.memory_space<vmem>> -> memref<64x128xf32, #tpu.memory_space<vmem>>
      %dma_start3A_171 = arith.constant 0 : i32
      %dma_start3A_172 = arith.constant 0 : i32
      %dma_start3A_173 = tpu.memref_slice %arg5[%arg0, %dma_start3A_171, %dma_start3A_172] : memref<2x10112x128xf32, #tpu.memory_space<hbm>> -> memref<1x10112x128xf32, #tpu.memory_space<hbm>>
      %dma_start3A_174 = tpu.memref_squeeze %dma_start3A_173 : memref<1x10112x128xf32, #tpu.memory_space<hbm>> -> memref<10112x128xf32, #tpu.memory_space<hbm>>
      %dma_start3A_175 = arith.constant 0 : i32
      %dma_start3A_176 = tpu.memref_slice %dma_start3A_174[%add3A_147, %dma_start3A_175] : memref<10112x128xf32, #tpu.memory_space<hbm>> -> memref<64x128xf32, #tpu.memory_space<hbm>>
      %dma_start3A_177 = arith.constant 0 : i32
      %dma_start3A_178 = arith.constant 0 : i32
      %dma_start3A_179 = tpu.memref_slice %arg5[%arg0, %dma_start3A_177, %dma_start3A_178] : memref<2x10112x128xf32, #tpu.memory_space<hbm>> -> memref<1x10112x128xf32, #tpu.memory_space<hbm>>
      %dma_start3A_180 = tpu.memref_squeeze %dma_start3A_179 : memref<1x10112x128xf32, #tpu.memory_space<hbm>> -> memref<10112x128xf32, #tpu.memory_space<hbm>>
      %dma_start3A_181 = arith.constant 0 : i32
      %dma_start3A_182 = tpu.memref_slice %dma_start3A_180[%add3A_147, %dma_start3A_181] : memref<10112x128xf32, #tpu.memory_space<hbm>> -> memref<64x128xf32, #tpu.memory_space<hbm>>
      %dma_start3A_183 = arith.constant 0 : i32
      %dma_start3A_184 = arith.constant 0 : i32
      %dma_start3A_185 = tpu.memref_slice %arg14[%dma_start3A_183, %dma_start3A_184] : memref<64x128xf32, #tpu.memory_space<vmem>> -> memref<64x128xf32, #tpu.memory_space<vmem>>
      tpu.enqueue_dma source(%dma_start3A_185 : memref<64x128xf32, #tpu.memory_space<vmem>>) target(%dma_start3A_182 : memref<64x128xf32, #tpu.memory_space<hbm>>) target_semaphore(%run_scoped3A : memref<!tpu.dma_semaphore, #tpu.memory_space<semaphore_mem>>)
      %dma_wait3A_186 = arith.constant 0 : i32
      %dma_wait3A_187 = arith.constant 0 : i32
      %dma_wait3A_188 = tpu.memref_slice %arg14[%dma_wait3A_186, %dma_wait3A_187] : memref<64x128xf32, #tpu.memory_space<vmem>> -> memref<64x128xf32, #tpu.memory_space<vmem>>
      %dma_wait3A_189 = arith.constant 0 : i32
      %dma_wait3A_190 = arith.constant 0 : i32
      %dma_wait3A_191 = tpu.memref_slice %arg5[%arg0, %dma_wait3A_189, %dma_wait3A_190] : memref<2x10112x128xf32, #tpu.memory_space<hbm>> -> memref<1x10112x128xf32, #tpu.memory_space<hbm>>
      %dma_wait3A_192 = tpu.memref_squeeze %dma_wait3A_191 : memref<1x10112x128xf32, #tpu.memory_space<hbm>> -> memref<10112x128xf32, #tpu.memory_space<hbm>>
      %dma_wait3A_193 = arith.constant 0 : i32
      %dma_wait3A_194 = tpu.memref_slice %dma_wait3A_192[%add3A_147, %dma_wait3A_193] : memref<10112x128xf32, #tpu.memory_space<hbm>> -> memref<64x128xf32, #tpu.memory_space<hbm>>
      %dma_wait3A_195 = arith.constant 0 : i32
      %dma_wait3A_196 = arith.constant 0 : i32
      %dma_wait3A_197 = tpu.memref_slice %arg5[%arg0, %dma_wait3A_195, %dma_wait3A_196] : memref<2x10112x128xf32, #tpu.memory_space<hbm>> -> memref<1x10112x128xf32, #tpu.memory_space<hbm>>
      %dma_wait3A_198 = tpu.memref_squeeze %dma_wait3A_197 : memref<1x10112x128xf32, #tpu.memory_space<hbm>> -> memref<10112x128xf32, #tpu.memory_space<hbm>>
      %dma_wait3A_199 = arith.constant 0 : i32
      %dma_wait3A_200 = tpu.memref_slice %dma_wait3A_198[%add3A_147, %dma_wait3A_199] : memref<10112x128xf32, #tpu.memory_space<hbm>> -> memref<64x128xf32, #tpu.memory_space<hbm>>
      %dma_wait3A_201 = arith.constant 0 : i32
      %dma_wait3A_202 = arith.constant 0 : i32
      %dma_wait3A_203 = tpu.memref_slice %arg14[%dma_wait3A_201, %dma_wait3A_202] : memref<64x128xf32, #tpu.memory_space<vmem>> -> memref<64x128xf32, #tpu.memory_space<vmem>>
      tpu.wait_dma2 semaphore(%run_scoped3A : memref<!tpu.dma_semaphore, #tpu.memory_space<semaphore_mem>>) src(%dma_wait3A_203 : memref<64x128xf32, #tpu.memory_space<vmem>>) dst(%dma_wait3A_200 : memref<64x128xf32, #tpu.memory_space<hbm>>)
      tpu.yield
    }) : () -> ()
    %mul3A_148 = arith.constant 632 : i32
    %mul3A_149 = arith.muli %arg1, %mul3A_148 : i32
    %add3A_150 = arith.constant 320 : i32
    %add3A_151 = arith.addi %mul3A_149, %add3A_150 : i32
    "tpu.region"() ({
      %run_scoped3A = tpu.sem_alloc : memref<!tpu.dma_semaphore, #tpu.memory_space<semaphore_mem>>
      %dma_start3A_168 = arith.constant 0 : i32
      %dma_start3A_169 = arith.constant 0 : i32
      %dma_start3A_170 = tpu.memref_slice %arg14[%dma_start3A_168, %dma_start3A_169] : memref<64x128xf32, #tpu.memory_space<vmem>> -> memref<64x128xf32, #tpu.memory_space<vmem>>
      %dma_start3A_171 = arith.constant 0 : i32
      %dma_start3A_172 = tpu.memref_slice %arg16[%add3A_151, %dma_start3A_171] : memref<10112x128xf32, #tpu.memory_space<vmem_shared>> -> memref<64x128xf32, #tpu.memory_space<vmem_shared>>
      %dma_start3A_173 = arith.constant 0 : i32
      %dma_start3A_174 = arith.constant 0 : i32
      %dma_start3A_175 = tpu.memref_slice %arg14[%dma_start3A_173, %dma_start3A_174] : memref<64x128xf32, #tpu.memory_space<vmem>> -> memref<64x128xf32, #tpu.memory_space<vmem>>
      %dma_start3A_176 = arith.constant 0 : i32
      %dma_start3A_177 = tpu.memref_slice %arg16[%add3A_151, %dma_start3A_176] : memref<10112x128xf32, #tpu.memory_space<vmem_shared>> -> memref<64x128xf32, #tpu.memory_space<vmem_shared>>
      tpu.enqueue_dma source(%dma_start3A_177 : memref<64x128xf32, #tpu.memory_space<vmem_shared>>) target(%dma_start3A_175 : memref<64x128xf32, #tpu.memory_space<vmem>>) target_semaphore(%run_scoped3A : memref<!tpu.dma_semaphore, #tpu.memory_space<semaphore_mem>>)
      %dma_wait3A_178 = arith.constant 0 : i32
      %dma_wait3A_179 = arith.constant 0 : i32
      %dma_wait3A_180 = tpu.memref_slice %arg14[%dma_wait3A_178, %dma_wait3A_179] : memref<64x128xf32, #tpu.memory_space<vmem>> -> memref<64x128xf32, #tpu.memory_space<vmem>>
      %dma_wait3A_181 = arith.constant 0 : i32
      %dma_wait3A_182 = tpu.memref_slice %arg16[%add3A_151, %dma_wait3A_181] : memref<10112x128xf32, #tpu.memory_space<vmem_shared>> -> memref<64x128xf32, #tpu.memory_space<vmem_shared>>
      %dma_wait3A_183 = arith.constant 0 : i32
      %dma_wait3A_184 = arith.constant 0 : i32
      %dma_wait3A_185 = tpu.memref_slice %arg14[%dma_wait3A_183, %dma_wait3A_184] : memref<64x128xf32, #tpu.memory_space<vmem>> -> memref<64x128xf32, #tpu.memory_space<vmem>>
      %dma_wait3A_186 = arith.constant 0 : i32
      %dma_wait3A_187 = tpu.memref_slice %arg16[%add3A_151, %dma_wait3A_186] : memref<10112x128xf32, #tpu.memory_space<vmem_shared>> -> memref<64x128xf32, #tpu.memory_space<vmem_shared>>
      tpu.wait_dma2 semaphore(%run_scoped3A : memref<!tpu.dma_semaphore, #tpu.memory_space<semaphore_mem>>) src(%dma_wait3A_187 : memref<64x128xf32, #tpu.memory_space<vmem_shared>>) dst(%dma_wait3A_185 : memref<64x128xf32, #tpu.memory_space<vmem>>)
      tpu.yield
    }) : () -> ()
    "tpu.region"() ({
      %run_scoped3A = tpu.sem_alloc : memref<!tpu.dma_semaphore, #tpu.memory_space<semaphore_mem>>
      %dma_start3A_168 = arith.constant 0 : i32
      %dma_start3A_169 = arith.constant 0 : i32
      %dma_start3A_170 = tpu.memref_slice %arg14[%dma_start3A_168, %dma_start3A_169] : memref<64x128xf32, #tpu.memory_space<vmem>> -> memref<64x128xf32, #tpu.memory_space<vmem>>
      %dma_start3A_171 = arith.constant 0 : i32
      %dma_start3A_172 = arith.constant 0 : i32
      %dma_start3A_173 = tpu.memref_slice %arg5[%arg0, %dma_start3A_171, %dma_start3A_172] : memref<2x10112x128xf32, #tpu.memory_space<hbm>> -> memref<1x10112x128xf32, #tpu.memory_space<hbm>>
      %dma_start3A_174 = tpu.memref_squeeze %dma_start3A_173 : memref<1x10112x128xf32, #tpu.memory_space<hbm>> -> memref<10112x128xf32, #tpu.memory_space<hbm>>
      %dma_start3A_175 = arith.constant 0 : i32
      %dma_start3A_176 = tpu.memref_slice %dma_start3A_174[%add3A_151, %dma_start3A_175] : memref<10112x128xf32, #tpu.memory_space<hbm>> -> memref<64x128xf32, #tpu.memory_space<hbm>>
      %dma_start3A_177 = arith.constant 0 : i32
      %dma_start3A_178 = arith.constant 0 : i32
      %dma_start3A_179 = tpu.memref_slice %arg5[%arg0, %dma_start3A_177, %dma_start3A_178] : memref<2x10112x128xf32, #tpu.memory_space<hbm>> -> memref<1x10112x128xf32, #tpu.memory_space<hbm>>
      %dma_start3A_180 = tpu.memref_squeeze %dma_start3A_179 : memref<1x10112x128xf32, #tpu.memory_space<hbm>> -> memref<10112x128xf32, #tpu.memory_space<hbm>>
      %dma_start3A_181 = arith.constant 0 : i32
      %dma_start3A_182 = tpu.memref_slice %dma_start3A_180[%add3A_151, %dma_start3A_181] : memref<10112x128xf32, #tpu.memory_space<hbm>> -> memref<64x128xf32, #tpu.memory_space<hbm>>
      %dma_start3A_183 = arith.constant 0 : i32
      %dma_start3A_184 = arith.constant 0 : i32
      %dma_start3A_185 = tpu.memref_slice %arg14[%dma_start3A_183, %dma_start3A_184] : memref<64x128xf32, #tpu.memory_space<vmem>> -> memref<64x128xf32, #tpu.memory_space<vmem>>
      tpu.enqueue_dma source(%dma_start3A_185 : memref<64x128xf32, #tpu.memory_space<vmem>>) target(%dma_start3A_182 : memref<64x128xf32, #tpu.memory_space<hbm>>) target_semaphore(%run_scoped3A : memref<!tpu.dma_semaphore, #tpu.memory_space<semaphore_mem>>)
      %dma_wait3A_186 = arith.constant 0 : i32
      %dma_wait3A_187 = arith.constant 0 : i32
      %dma_wait3A_188 = tpu.memref_slice %arg14[%dma_wait3A_186, %dma_wait3A_187] : memref<64x128xf32, #tpu.memory_space<vmem>> -> memref<64x128xf32, #tpu.memory_space<vmem>>
      %dma_wait3A_189 = arith.constant 0 : i32
      %dma_wait3A_190 = arith.constant 0 : i32
      %dma_wait3A_191 = tpu.memref_slice %arg5[%arg0, %dma_wait3A_189, %dma_wait3A_190] : memref<2x10112x128xf32, #tpu.memory_space<hbm>> -> memref<1x10112x128xf32, #tpu.memory_space<hbm>>
      %dma_wait3A_192 = tpu.memref_squeeze %dma_wait3A_191 : memref<1x10112x128xf32, #tpu.memory_space<hbm>> -> memref<10112x128xf32, #tpu.memory_space<hbm>>
      %dma_wait3A_193 = arith.constant 0 : i32
      %dma_wait3A_194 = tpu.memref_slice %dma_wait3A_192[%add3A_151, %dma_wait3A_193] : memref<10112x128xf32, #tpu.memory_space<hbm>> -> memref<64x128xf32, #tpu.memory_space<hbm>>
      %dma_wait3A_195 = arith.constant 0 : i32
      %dma_wait3A_196 = arith.constant 0 : i32
      %dma_wait3A_197 = tpu.memref_slice %arg5[%arg0, %dma_wait3A_195, %dma_wait3A_196] : memref<2x10112x128xf32, #tpu.memory_space<hbm>> -> memref<1x10112x128xf32, #tpu.memory_space<hbm>>
      %dma_wait3A_198 = tpu.memref_squeeze %dma_wait3A_197 : memref<1x10112x128xf32, #tpu.memory_space<hbm>> -> memref<10112x128xf32, #tpu.memory_space<hbm>>
      %dma_wait3A_199 = arith.constant 0 : i32
      %dma_wait3A_200 = tpu.memref_slice %dma_wait3A_198[%add3A_151, %dma_wait3A_199] : memref<10112x128xf32, #tpu.memory_space<hbm>> -> memref<64x128xf32, #tpu.memory_space<hbm>>
      %dma_wait3A_201 = arith.constant 0 : i32
      %dma_wait3A_202 = arith.constant 0 : i32
      %dma_wait3A_203 = tpu.memref_slice %arg14[%dma_wait3A_201, %dma_wait3A_202] : memref<64x128xf32, #tpu.memory_space<vmem>> -> memref<64x128xf32, #tpu.memory_space<vmem>>
      tpu.wait_dma2 semaphore(%run_scoped3A : memref<!tpu.dma_semaphore, #tpu.memory_space<semaphore_mem>>) src(%dma_wait3A_203 : memref<64x128xf32, #tpu.memory_space<vmem>>) dst(%dma_wait3A_200 : memref<64x128xf32, #tpu.memory_space<hbm>>)
      tpu.yield
    }) : () -> ()
    %mul3A_152 = arith.constant 632 : i32
    %mul3A_153 = arith.muli %arg1, %mul3A_152 : i32
    %add3A_154 = arith.constant 384 : i32
    %add3A_155 = arith.addi %mul3A_153, %add3A_154 : i32
    "tpu.region"() ({
      %run_scoped3A = tpu.sem_alloc : memref<!tpu.dma_semaphore, #tpu.memory_space<semaphore_mem>>
      %dma_start3A_168 = arith.constant 0 : i32
      %dma_start3A_169 = arith.constant 0 : i32
      %dma_start3A_170 = tpu.memref_slice %arg14[%dma_start3A_168, %dma_start3A_169] : memref<64x128xf32, #tpu.memory_space<vmem>> -> memref<64x128xf32, #tpu.memory_space<vmem>>
      %dma_start3A_171 = arith.constant 0 : i32
      %dma_start3A_172 = tpu.memref_slice %arg16[%add3A_155, %dma_start3A_171] : memref<10112x128xf32, #tpu.memory_space<vmem_shared>> -> memref<64x128xf32, #tpu.memory_space<vmem_shared>>
      %dma_start3A_173 = arith.constant 0 : i32
      %dma_start3A_174 = arith.constant 0 : i32
      %dma_start3A_175 = tpu.memref_slice %arg14[%dma_start3A_173, %dma_start3A_174] : memref<64x128xf32, #tpu.memory_space<vmem>> -> memref<64x128xf32, #tpu.memory_space<vmem>>
      %dma_start3A_176 = arith.constant 0 : i32
      %dma_start3A_177 = tpu.memref_slice %arg16[%add3A_155, %dma_start3A_176] : memref<10112x128xf32, #tpu.memory_space<vmem_shared>> -> memref<64x128xf32, #tpu.memory_space<vmem_shared>>
      tpu.enqueue_dma source(%dma_start3A_177 : memref<64x128xf32, #tpu.memory_space<vmem_shared>>) target(%dma_start3A_175 : memref<64x128xf32, #tpu.memory_space<vmem>>) target_semaphore(%run_scoped3A : memref<!tpu.dma_semaphore, #tpu.memory_space<semaphore_mem>>)
      %dma_wait3A_178 = arith.constant 0 : i32
      %dma_wait3A_179 = arith.constant 0 : i32
      %dma_wait3A_180 = tpu.memref_slice %arg14[%dma_wait3A_178, %dma_wait3A_179] : memref<64x128xf32, #tpu.memory_space<vmem>> -> memref<64x128xf32, #tpu.memory_space<vmem>>
      %dma_wait3A_181 = arith.constant 0 : i32
      %dma_wait3A_182 = tpu.memref_slice %arg16[%add3A_155, %dma_wait3A_181] : memref<10112x128xf32, #tpu.memory_space<vmem_shared>> -> memref<64x128xf32, #tpu.memory_space<vmem_shared>>
      %dma_wait3A_183 = arith.constant 0 : i32
      %dma_wait3A_184 = arith.constant 0 : i32
      %dma_wait3A_185 = tpu.memref_slice %arg14[%dma_wait3A_183, %dma_wait3A_184] : memref<64x128xf32, #tpu.memory_space<vmem>> -> memref<64x128xf32, #tpu.memory_space<vmem>>
      %dma_wait3A_186 = arith.constant 0 : i32
      %dma_wait3A_187 = tpu.memref_slice %arg16[%add3A_155, %dma_wait3A_186] : memref<10112x128xf32, #tpu.memory_space<vmem_shared>> -> memref<64x128xf32, #tpu.memory_space<vmem_shared>>
      tpu.wait_dma2 semaphore(%run_scoped3A : memref<!tpu.dma_semaphore, #tpu.memory_space<semaphore_mem>>) src(%dma_wait3A_187 : memref<64x128xf32, #tpu.memory_space<vmem_shared>>) dst(%dma_wait3A_185 : memref<64x128xf32, #tpu.memory_space<vmem>>)
      tpu.yield
    }) : () -> ()
    "tpu.region"() ({
      %run_scoped3A = tpu.sem_alloc : memref<!tpu.dma_semaphore, #tpu.memory_space<semaphore_mem>>
      %dma_start3A_168 = arith.constant 0 : i32
      %dma_start3A_169 = arith.constant 0 : i32
      %dma_start3A_170 = tpu.memref_slice %arg14[%dma_start3A_168, %dma_start3A_169] : memref<64x128xf32, #tpu.memory_space<vmem>> -> memref<64x128xf32, #tpu.memory_space<vmem>>
      %dma_start3A_171 = arith.constant 0 : i32
      %dma_start3A_172 = arith.constant 0 : i32
      %dma_start3A_173 = tpu.memref_slice %arg5[%arg0, %dma_start3A_171, %dma_start3A_172] : memref<2x10112x128xf32, #tpu.memory_space<hbm>> -> memref<1x10112x128xf32, #tpu.memory_space<hbm>>
      %dma_start3A_174 = tpu.memref_squeeze %dma_start3A_173 : memref<1x10112x128xf32, #tpu.memory_space<hbm>> -> memref<10112x128xf32, #tpu.memory_space<hbm>>
      %dma_start3A_175 = arith.constant 0 : i32
      %dma_start3A_176 = tpu.memref_slice %dma_start3A_174[%add3A_155, %dma_start3A_175] : memref<10112x128xf32, #tpu.memory_space<hbm>> -> memref<64x128xf32, #tpu.memory_space<hbm>>
      %dma_start3A_177 = arith.constant 0 : i32
      %dma_start3A_178 = arith.constant 0 : i32
      %dma_start3A_179 = tpu.memref_slice %arg5[%arg0, %dma_start3A_177, %dma_start3A_178] : memref<2x10112x128xf32, #tpu.memory_space<hbm>> -> memref<1x10112x128xf32, #tpu.memory_space<hbm>>
      %dma_start3A_180 = tpu.memref_squeeze %dma_start3A_179 : memref<1x10112x128xf32, #tpu.memory_space<hbm>> -> memref<10112x128xf32, #tpu.memory_space<hbm>>
      %dma_start3A_181 = arith.constant 0 : i32
      %dma_start3A_182 = tpu.memref_slice %dma_start3A_180[%add3A_155, %dma_start3A_181] : memref<10112x128xf32, #tpu.memory_space<hbm>> -> memref<64x128xf32, #tpu.memory_space<hbm>>
      %dma_start3A_183 = arith.constant 0 : i32
      %dma_start3A_184 = arith.constant 0 : i32
      %dma_start3A_185 = tpu.memref_slice %arg14[%dma_start3A_183, %dma_start3A_184] : memref<64x128xf32, #tpu.memory_space<vmem>> -> memref<64x128xf32, #tpu.memory_space<vmem>>
      tpu.enqueue_dma source(%dma_start3A_185 : memref<64x128xf32, #tpu.memory_space<vmem>>) target(%dma_start3A_182 : memref<64x128xf32, #tpu.memory_space<hbm>>) target_semaphore(%run_scoped3A : memref<!tpu.dma_semaphore, #tpu.memory_space<semaphore_mem>>)
      %dma_wait3A_186 = arith.constant 0 : i32
      %dma_wait3A_187 = arith.constant 0 : i32
      %dma_wait3A_188 = tpu.memref_slice %arg14[%dma_wait3A_186, %dma_wait3A_187] : memref<64x128xf32, #tpu.memory_space<vmem>> -> memref<64x128xf32, #tpu.memory_space<vmem>>
      %dma_wait3A_189 = arith.constant 0 : i32
      %dma_wait3A_190 = arith.constant 0 : i32
      %dma_wait3A_191 = tpu.memref_slice %arg5[%arg0, %dma_wait3A_189, %dma_wait3A_190] : memref<2x10112x128xf32, #tpu.memory_space<hbm>> -> memref<1x10112x128xf32, #tpu.memory_space<hbm>>
      %dma_wait3A_192 = tpu.memref_squeeze %dma_wait3A_191 : memref<1x10112x128xf32, #tpu.memory_space<hbm>> -> memref<10112x128xf32, #tpu.memory_space<hbm>>
      %dma_wait3A_193 = arith.constant 0 : i32
      %dma_wait3A_194 = tpu.memref_slice %dma_wait3A_192[%add3A_155, %dma_wait3A_193] : memref<10112x128xf32, #tpu.memory_space<hbm>> -> memref<64x128xf32, #tpu.memory_space<hbm>>
      %dma_wait3A_195 = arith.constant 0 : i32
      %dma_wait3A_196 = arith.constant 0 : i32
      %dma_wait3A_197 = tpu.memref_slice %arg5[%arg0, %dma_wait3A_195, %dma_wait3A_196] : memref<2x10112x128xf32, #tpu.memory_space<hbm>> -> memref<1x10112x128xf32, #tpu.memory_space<hbm>>
      %dma_wait3A_198 = tpu.memref_squeeze %dma_wait3A_197 : memref<1x10112x128xf32, #tpu.memory_space<hbm>> -> memref<10112x128xf32, #tpu.memory_space<hbm>>
      %dma_wait3A_199 = arith.constant 0 : i32
      %dma_wait3A_200 = tpu.memref_slice %dma_wait3A_198[%add3A_155, %dma_wait3A_199] : memref<10112x128xf32, #tpu.memory_space<hbm>> -> memref<64x128xf32, #tpu.memory_space<hbm>>
      %dma_wait3A_201 = arith.constant 0 : i32
      %dma_wait3A_202 = arith.constant 0 : i32
      %dma_wait3A_203 = tpu.memref_slice %arg14[%dma_wait3A_201, %dma_wait3A_202] : memref<64x128xf32, #tpu.memory_space<vmem>> -> memref<64x128xf32, #tpu.memory_space<vmem>>
      tpu.wait_dma2 semaphore(%run_scoped3A : memref<!tpu.dma_semaphore, #tpu.memory_space<semaphore_mem>>) src(%dma_wait3A_203 : memref<64x128xf32, #tpu.memory_space<vmem>>) dst(%dma_wait3A_200 : memref<64x128xf32, #tpu.memory_space<hbm>>)
      tpu.yield
    }) : () -> ()
    %mul3A_156 = arith.constant 632 : i32
    %mul3A_157 = arith.muli %arg1, %mul3A_156 : i32
    %add3A_158 = arith.constant 448 : i32
    %add3A_159 = arith.addi %mul3A_157, %add3A_158 : i32
    "tpu.region"() ({
      %run_scoped3A = tpu.sem_alloc : memref<!tpu.dma_semaphore, #tpu.memory_space<semaphore_mem>>
      %dma_start3A_168 = arith.constant 0 : i32
      %dma_start3A_169 = arith.constant 0 : i32
      %dma_start3A_170 = tpu.memref_slice %arg14[%dma_start3A_168, %dma_start3A_169] : memref<64x128xf32, #tpu.memory_space<vmem>> -> memref<64x128xf32, #tpu.memory_space<vmem>>
      %dma_start3A_171 = arith.constant 0 : i32
      %dma_start3A_172 = tpu.memref_slice %arg16[%add3A_159, %dma_start3A_171] : memref<10112x128xf32, #tpu.memory_space<vmem_shared>> -> memref<64x128xf32, #tpu.memory_space<vmem_shared>>
      %dma_start3A_173 = arith.constant 0 : i32
      %dma_start3A_174 = arith.constant 0 : i32
      %dma_start3A_175 = tpu.memref_slice %arg14[%dma_start3A_173, %dma_start3A_174] : memref<64x128xf32, #tpu.memory_space<vmem>> -> memref<64x128xf32, #tpu.memory_space<vmem>>
      %dma_start3A_176 = arith.constant 0 : i32
      %dma_start3A_177 = tpu.memref_slice %arg16[%add3A_159, %dma_start3A_176] : memref<10112x128xf32, #tpu.memory_space<vmem_shared>> -> memref<64x128xf32, #tpu.memory_space<vmem_shared>>
      tpu.enqueue_dma source(%dma_start3A_177 : memref<64x128xf32, #tpu.memory_space<vmem_shared>>) target(%dma_start3A_175 : memref<64x128xf32, #tpu.memory_space<vmem>>) target_semaphore(%run_scoped3A : memref<!tpu.dma_semaphore, #tpu.memory_space<semaphore_mem>>)
      %dma_wait3A_178 = arith.constant 0 : i32
      %dma_wait3A_179 = arith.constant 0 : i32
      %dma_wait3A_180 = tpu.memref_slice %arg14[%dma_wait3A_178, %dma_wait3A_179] : memref<64x128xf32, #tpu.memory_space<vmem>> -> memref<64x128xf32, #tpu.memory_space<vmem>>
      %dma_wait3A_181 = arith.constant 0 : i32
      %dma_wait3A_182 = tpu.memref_slice %arg16[%add3A_159, %dma_wait3A_181] : memref<10112x128xf32, #tpu.memory_space<vmem_shared>> -> memref<64x128xf32, #tpu.memory_space<vmem_shared>>
      %dma_wait3A_183 = arith.constant 0 : i32
      %dma_wait3A_184 = arith.constant 0 : i32
      %dma_wait3A_185 = tpu.memref_slice %arg14[%dma_wait3A_183, %dma_wait3A_184] : memref<64x128xf32, #tpu.memory_space<vmem>> -> memref<64x128xf32, #tpu.memory_space<vmem>>
      %dma_wait3A_186 = arith.constant 0 : i32
      %dma_wait3A_187 = tpu.memref_slice %arg16[%add3A_159, %dma_wait3A_186] : memref<10112x128xf32, #tpu.memory_space<vmem_shared>> -> memref<64x128xf32, #tpu.memory_space<vmem_shared>>
      tpu.wait_dma2 semaphore(%run_scoped3A : memref<!tpu.dma_semaphore, #tpu.memory_space<semaphore_mem>>) src(%dma_wait3A_187 : memref<64x128xf32, #tpu.memory_space<vmem_shared>>) dst(%dma_wait3A_185 : memref<64x128xf32, #tpu.memory_space<vmem>>)
      tpu.yield
    }) : () -> ()
    "tpu.region"() ({
      %run_scoped3A = tpu.sem_alloc : memref<!tpu.dma_semaphore, #tpu.memory_space<semaphore_mem>>
      %dma_start3A_168 = arith.constant 0 : i32
      %dma_start3A_169 = arith.constant 0 : i32
      %dma_start3A_170 = tpu.memref_slice %arg14[%dma_start3A_168, %dma_start3A_169] : memref<64x128xf32, #tpu.memory_space<vmem>> -> memref<64x128xf32, #tpu.memory_space<vmem>>
      %dma_start3A_171 = arith.constant 0 : i32
      %dma_start3A_172 = arith.constant 0 : i32
      %dma_start3A_173 = tpu.memref_slice %arg5[%arg0, %dma_start3A_171, %dma_start3A_172] : memref<2x10112x128xf32, #tpu.memory_space<hbm>> -> memref<1x10112x128xf32, #tpu.memory_space<hbm>>
      %dma_start3A_174 = tpu.memref_squeeze %dma_start3A_173 : memref<1x10112x128xf32, #tpu.memory_space<hbm>> -> memref<10112x128xf32, #tpu.memory_space<hbm>>
      %dma_start3A_175 = arith.constant 0 : i32
      %dma_start3A_176 = tpu.memref_slice %dma_start3A_174[%add3A_159, %dma_start3A_175] : memref<10112x128xf32, #tpu.memory_space<hbm>> -> memref<64x128xf32, #tpu.memory_space<hbm>>
      %dma_start3A_177 = arith.constant 0 : i32
      %dma_start3A_178 = arith.constant 0 : i32
      %dma_start3A_179 = tpu.memref_slice %arg5[%arg0, %dma_start3A_177, %dma_start3A_178] : memref<2x10112x128xf32, #tpu.memory_space<hbm>> -> memref<1x10112x128xf32, #tpu.memory_space<hbm>>
      %dma_start3A_180 = tpu.memref_squeeze %dma_start3A_179 : memref<1x10112x128xf32, #tpu.memory_space<hbm>> -> memref<10112x128xf32, #tpu.memory_space<hbm>>
      %dma_start3A_181 = arith.constant 0 : i32
      %dma_start3A_182 = tpu.memref_slice %dma_start3A_180[%add3A_159, %dma_start3A_181] : memref<10112x128xf32, #tpu.memory_space<hbm>> -> memref<64x128xf32, #tpu.memory_space<hbm>>
      %dma_start3A_183 = arith.constant 0 : i32
      %dma_start3A_184 = arith.constant 0 : i32
      %dma_start3A_185 = tpu.memref_slice %arg14[%dma_start3A_183, %dma_start3A_184] : memref<64x128xf32, #tpu.memory_space<vmem>> -> memref<64x128xf32, #tpu.memory_space<vmem>>
      tpu.enqueue_dma source(%dma_start3A_185 : memref<64x128xf32, #tpu.memory_space<vmem>>) target(%dma_start3A_182 : memref<64x128xf32, #tpu.memory_space<hbm>>) target_semaphore(%run_scoped3A : memref<!tpu.dma_semaphore, #tpu.memory_space<semaphore_mem>>)
      %dma_wait3A_186 = arith.constant 0 : i32
      %dma_wait3A_187 = arith.constant 0 : i32
      %dma_wait3A_188 = tpu.memref_slice %arg14[%dma_wait3A_186, %dma_wait3A_187] : memref<64x128xf32, #tpu.memory_space<vmem>> -> memref<64x128xf32, #tpu.memory_space<vmem>>
      %dma_wait3A_189 = arith.constant 0 : i32
      %dma_wait3A_190 = arith.constant 0 : i32
      %dma_wait3A_191 = tpu.memref_slice %arg5[%arg0, %dma_wait3A_189, %dma_wait3A_190] : memref<2x10112x128xf32, #tpu.memory_space<hbm>> -> memref<1x10112x128xf32, #tpu.memory_space<hbm>>
      %dma_wait3A_192 = tpu.memref_squeeze %dma_wait3A_191 : memref<1x10112x128xf32, #tpu.memory_space<hbm>> -> memref<10112x128xf32, #tpu.memory_space<hbm>>
      %dma_wait3A_193 = arith.constant 0 : i32
      %dma_wait3A_194 = tpu.memref_slice %dma_wait3A_192[%add3A_159, %dma_wait3A_193] : memref<10112x128xf32, #tpu.memory_space<hbm>> -> memref<64x128xf32, #tpu.memory_space<hbm>>
      %dma_wait3A_195 = arith.constant 0 : i32
      %dma_wait3A_196 = arith.constant 0 : i32
      %dma_wait3A_197 = tpu.memref_slice %arg5[%arg0, %dma_wait3A_195, %dma_wait3A_196] : memref<2x10112x128xf32, #tpu.memory_space<hbm>> -> memref<1x10112x128xf32, #tpu.memory_space<hbm>>
      %dma_wait3A_198 = tpu.memref_squeeze %dma_wait3A_197 : memref<1x10112x128xf32, #tpu.memory_space<hbm>> -> memref<10112x128xf32, #tpu.memory_space<hbm>>
      %dma_wait3A_199 = arith.constant 0 : i32
      %dma_wait3A_200 = tpu.memref_slice %dma_wait3A_198[%add3A_159, %dma_wait3A_199] : memref<10112x128xf32, #tpu.memory_space<hbm>> -> memref<64x128xf32, #tpu.memory_space<hbm>>
      %dma_wait3A_201 = arith.constant 0 : i32
      %dma_wait3A_202 = arith.constant 0 : i32
      %dma_wait3A_203 = tpu.memref_slice %arg14[%dma_wait3A_201, %dma_wait3A_202] : memref<64x128xf32, #tpu.memory_space<vmem>> -> memref<64x128xf32, #tpu.memory_space<vmem>>
      tpu.wait_dma2 semaphore(%run_scoped3A : memref<!tpu.dma_semaphore, #tpu.memory_space<semaphore_mem>>) src(%dma_wait3A_203 : memref<64x128xf32, #tpu.memory_space<vmem>>) dst(%dma_wait3A_200 : memref<64x128xf32, #tpu.memory_space<hbm>>)
      tpu.yield
    }) : () -> ()
    %mul3A_160 = arith.constant 632 : i32
    %mul3A_161 = arith.muli %arg1, %mul3A_160 : i32
    %add3A_162 = arith.constant 512 : i32
    %add3A_163 = arith.addi %mul3A_161, %add3A_162 : i32
    "tpu.region"() ({
      %run_scoped3A = tpu.sem_alloc : memref<!tpu.dma_semaphore, #tpu.memory_space<semaphore_mem>>
      %dma_start3A_168 = arith.constant 0 : i32
      %dma_start3A_169 = arith.constant 0 : i32
      %dma_start3A_170 = tpu.memref_slice %arg14[%dma_start3A_168, %dma_start3A_169] : memref<64x128xf32, #tpu.memory_space<vmem>> -> memref<64x128xf32, #tpu.memory_space<vmem>>
      %dma_start3A_171 = arith.constant 0 : i32
      %dma_start3A_172 = tpu.memref_slice %arg16[%add3A_163, %dma_start3A_171] : memref<10112x128xf32, #tpu.memory_space<vmem_shared>> -> memref<64x128xf32, #tpu.memory_space<vmem_shared>>
      %dma_start3A_173 = arith.constant 0 : i32
      %dma_start3A_174 = arith.constant 0 : i32
      %dma_start3A_175 = tpu.memref_slice %arg14[%dma_start3A_173, %dma_start3A_174] : memref<64x128xf32, #tpu.memory_space<vmem>> -> memref<64x128xf32, #tpu.memory_space<vmem>>
      %dma_start3A_176 = arith.constant 0 : i32
      %dma_start3A_177 = tpu.memref_slice %arg16[%add3A_163, %dma_start3A_176] : memref<10112x128xf32, #tpu.memory_space<vmem_shared>> -> memref<64x128xf32, #tpu.memory_space<vmem_shared>>
      tpu.enqueue_dma source(%dma_start3A_177 : memref<64x128xf32, #tpu.memory_space<vmem_shared>>) target(%dma_start3A_175 : memref<64x128xf32, #tpu.memory_space<vmem>>) target_semaphore(%run_scoped3A : memref<!tpu.dma_semaphore, #tpu.memory_space<semaphore_mem>>)
      %dma_wait3A_178 = arith.constant 0 : i32
      %dma_wait3A_179 = arith.constant 0 : i32
      %dma_wait3A_180 = tpu.memref_slice %arg14[%dma_wait3A_178, %dma_wait3A_179] : memref<64x128xf32, #tpu.memory_space<vmem>> -> memref<64x128xf32, #tpu.memory_space<vmem>>
      %dma_wait3A_181 = arith.constant 0 : i32
      %dma_wait3A_182 = tpu.memref_slice %arg16[%add3A_163, %dma_wait3A_181] : memref<10112x128xf32, #tpu.memory_space<vmem_shared>> -> memref<64x128xf32, #tpu.memory_space<vmem_shared>>
      %dma_wait3A_183 = arith.constant 0 : i32
      %dma_wait3A_184 = arith.constant 0 : i32
      %dma_wait3A_185 = tpu.memref_slice %arg14[%dma_wait3A_183, %dma_wait3A_184] : memref<64x128xf32, #tpu.memory_space<vmem>> -> memref<64x128xf32, #tpu.memory_space<vmem>>
      %dma_wait3A_186 = arith.constant 0 : i32
      %dma_wait3A_187 = tpu.memref_slice %arg16[%add3A_163, %dma_wait3A_186] : memref<10112x128xf32, #tpu.memory_space<vmem_shared>> -> memref<64x128xf32, #tpu.memory_space<vmem_shared>>
      tpu.wait_dma2 semaphore(%run_scoped3A : memref<!tpu.dma_semaphore, #tpu.memory_space<semaphore_mem>>) src(%dma_wait3A_187 : memref<64x128xf32, #tpu.memory_space<vmem_shared>>) dst(%dma_wait3A_185 : memref<64x128xf32, #tpu.memory_space<vmem>>)
      tpu.yield
    }) : () -> ()
    "tpu.region"() ({
      %run_scoped3A = tpu.sem_alloc : memref<!tpu.dma_semaphore, #tpu.memory_space<semaphore_mem>>
      %dma_start3A_168 = arith.constant 0 : i32
      %dma_start3A_169 = arith.constant 0 : i32
      %dma_start3A_170 = tpu.memref_slice %arg14[%dma_start3A_168, %dma_start3A_169] : memref<64x128xf32, #tpu.memory_space<vmem>> -> memref<64x128xf32, #tpu.memory_space<vmem>>
      %dma_start3A_171 = arith.constant 0 : i32
      %dma_start3A_172 = arith.constant 0 : i32
      %dma_start3A_173 = tpu.memref_slice %arg5[%arg0, %dma_start3A_171, %dma_start3A_172] : memref<2x10112x128xf32, #tpu.memory_space<hbm>> -> memref<1x10112x128xf32, #tpu.memory_space<hbm>>
      %dma_start3A_174 = tpu.memref_squeeze %dma_start3A_173 : memref<1x10112x128xf32, #tpu.memory_space<hbm>> -> memref<10112x128xf32, #tpu.memory_space<hbm>>
      %dma_start3A_175 = arith.constant 0 : i32
      %dma_start3A_176 = tpu.memref_slice %dma_start3A_174[%add3A_163, %dma_start3A_175] : memref<10112x128xf32, #tpu.memory_space<hbm>> -> memref<64x128xf32, #tpu.memory_space<hbm>>
      %dma_start3A_177 = arith.constant 0 : i32
      %dma_start3A_178 = arith.constant 0 : i32
      %dma_start3A_179 = tpu.memref_slice %arg5[%arg0, %dma_start3A_177, %dma_start3A_178] : memref<2x10112x128xf32, #tpu.memory_space<hbm>> -> memref<1x10112x128xf32, #tpu.memory_space<hbm>>
      %dma_start3A_180 = tpu.memref_squeeze %dma_start3A_179 : memref<1x10112x128xf32, #tpu.memory_space<hbm>> -> memref<10112x128xf32, #tpu.memory_space<hbm>>
      %dma_start3A_181 = arith.constant 0 : i32
      %dma_start3A_182 = tpu.memref_slice %dma_start3A_180[%add3A_163, %dma_start3A_181] : memref<10112x128xf32, #tpu.memory_space<hbm>> -> memref<64x128xf32, #tpu.memory_space<hbm>>
      %dma_start3A_183 = arith.constant 0 : i32
      %dma_start3A_184 = arith.constant 0 : i32
      %dma_start3A_185 = tpu.memref_slice %arg14[%dma_start3A_183, %dma_start3A_184] : memref<64x128xf32, #tpu.memory_space<vmem>> -> memref<64x128xf32, #tpu.memory_space<vmem>>
      tpu.enqueue_dma source(%dma_start3A_185 : memref<64x128xf32, #tpu.memory_space<vmem>>) target(%dma_start3A_182 : memref<64x128xf32, #tpu.memory_space<hbm>>) target_semaphore(%run_scoped3A : memref<!tpu.dma_semaphore, #tpu.memory_space<semaphore_mem>>)
      %dma_wait3A_186 = arith.constant 0 : i32
      %dma_wait3A_187 = arith.constant 0 : i32
      %dma_wait3A_188 = tpu.memref_slice %arg14[%dma_wait3A_186, %dma_wait3A_187] : memref<64x128xf32, #tpu.memory_space<vmem>> -> memref<64x128xf32, #tpu.memory_space<vmem>>
      %dma_wait3A_189 = arith.constant 0 : i32
      %dma_wait3A_190 = arith.constant 0 : i32
      %dma_wait3A_191 = tpu.memref_slice %arg5[%arg0, %dma_wait3A_189, %dma_wait3A_190] : memref<2x10112x128xf32, #tpu.memory_space<hbm>> -> memref<1x10112x128xf32, #tpu.memory_space<hbm>>
      %dma_wait3A_192 = tpu.memref_squeeze %dma_wait3A_191 : memref<1x10112x128xf32, #tpu.memory_space<hbm>> -> memref<10112x128xf32, #tpu.memory_space<hbm>>
      %dma_wait3A_193 = arith.constant 0 : i32
      %dma_wait3A_194 = tpu.memref_slice %dma_wait3A_192[%add3A_163, %dma_wait3A_193] : memref<10112x128xf32, #tpu.memory_space<hbm>> -> memref<64x128xf32, #tpu.memory_space<hbm>>
      %dma_wait3A_195 = arith.constant 0 : i32
      %dma_wait3A_196 = arith.constant 0 : i32
      %dma_wait3A_197 = tpu.memref_slice %arg5[%arg0, %dma_wait3A_195, %dma_wait3A_196] : memref<2x10112x128xf32, #tpu.memory_space<hbm>> -> memref<1x10112x128xf32, #tpu.memory_space<hbm>>
      %dma_wait3A_198 = tpu.memref_squeeze %dma_wait3A_197 : memref<1x10112x128xf32, #tpu.memory_space<hbm>> -> memref<10112x128xf32, #tpu.memory_space<hbm>>
      %dma_wait3A_199 = arith.constant 0 : i32
      %dma_wait3A_200 = tpu.memref_slice %dma_wait3A_198[%add3A_163, %dma_wait3A_199] : memref<10112x128xf32, #tpu.memory_space<hbm>> -> memref<64x128xf32, #tpu.memory_space<hbm>>
      %dma_wait3A_201 = arith.constant 0 : i32
      %dma_wait3A_202 = arith.constant 0 : i32
      %dma_wait3A_203 = tpu.memref_slice %arg14[%dma_wait3A_201, %dma_wait3A_202] : memref<64x128xf32, #tpu.memory_space<vmem>> -> memref<64x128xf32, #tpu.memory_space<vmem>>
      tpu.wait_dma2 semaphore(%run_scoped3A : memref<!tpu.dma_semaphore, #tpu.memory_space<semaphore_mem>>) src(%dma_wait3A_203 : memref<64x128xf32, #tpu.memory_space<vmem>>) dst(%dma_wait3A_200 : memref<64x128xf32, #tpu.memory_space<hbm>>)
      tpu.yield
    }) : () -> ()
    %mul3A_164 = arith.constant 632 : i32
    %mul3A_165 = arith.muli %arg1, %mul3A_164 : i32
    %add3A_166 = arith.constant 576 : i32
    %add3A_167 = arith.addi %mul3A_165, %add3A_166 : i32
    "tpu.region"() ({
      %run_scoped3A = tpu.sem_alloc : memref<!tpu.dma_semaphore, #tpu.memory_space<semaphore_mem>>
      %dma_start3A_168 = arith.constant 0 : i32
      %dma_start3A_169 = arith.constant 0 : i32
      %dma_start3A_170 = tpu.memref_slice %arg14[%dma_start3A_168, %dma_start3A_169] : memref<64x128xf32, #tpu.memory_space<vmem>> -> memref<56x128xf32, #tpu.memory_space<vmem>>
      %dma_start3A_171 = arith.constant 0 : i32
      %dma_start3A_172 = tpu.memref_slice %arg16[%add3A_167, %dma_start3A_171] : memref<10112x128xf32, #tpu.memory_space<vmem_shared>> -> memref<56x128xf32, #tpu.memory_space<vmem_shared>>
      %dma_start3A_173 = arith.constant 0 : i32
      %dma_start3A_174 = arith.constant 0 : i32
      %dma_start3A_175 = tpu.memref_slice %arg14[%dma_start3A_173, %dma_start3A_174] : memref<64x128xf32, #tpu.memory_space<vmem>> -> memref<56x128xf32, #tpu.memory_space<vmem>>
      %dma_start3A_176 = arith.constant 0 : i32
      %dma_start3A_177 = tpu.memref_slice %arg16[%add3A_167, %dma_start3A_176] : memref<10112x128xf32, #tpu.memory_space<vmem_shared>> -> memref<56x128xf32, #tpu.memory_space<vmem_shared>>
      tpu.enqueue_dma source(%dma_start3A_177 : memref<56x128xf32, #tpu.memory_space<vmem_shared>>) target(%dma_start3A_175 : memref<56x128xf32, #tpu.memory_space<vmem>>) target_semaphore(%run_scoped3A : memref<!tpu.dma_semaphore, #tpu.memory_space<semaphore_mem>>)
      %dma_wait3A_178 = arith.constant 0 : i32
      %dma_wait3A_179 = arith.constant 0 : i32
      %dma_wait3A_180 = tpu.memref_slice %arg14[%dma_wait3A_178, %dma_wait3A_179] : memref<64x128xf32, #tpu.memory_space<vmem>> -> memref<56x128xf32, #tpu.memory_space<vmem>>
      %dma_wait3A_181 = arith.constant 0 : i32
      %dma_wait3A_182 = tpu.memref_slice %arg16[%add3A_167, %dma_wait3A_181] : memref<10112x128xf32, #tpu.memory_space<vmem_shared>> -> memref<56x128xf32, #tpu.memory_space<vmem_shared>>
      %dma_wait3A_183 = arith.constant 0 : i32
      %dma_wait3A_184 = arith.constant 0 : i32
      %dma_wait3A_185 = tpu.memref_slice %arg14[%dma_wait3A_183, %dma_wait3A_184] : memref<64x128xf32, #tpu.memory_space<vmem>> -> memref<56x128xf32, #tpu.memory_space<vmem>>
      %dma_wait3A_186 = arith.constant 0 : i32
      %dma_wait3A_187 = tpu.memref_slice %arg16[%add3A_167, %dma_wait3A_186] : memref<10112x128xf32, #tpu.memory_space<vmem_shared>> -> memref<56x128xf32, #tpu.memory_space<vmem_shared>>
      tpu.wait_dma2 semaphore(%run_scoped3A : memref<!tpu.dma_semaphore, #tpu.memory_space<semaphore_mem>>) src(%dma_wait3A_187 : memref<56x128xf32, #tpu.memory_space<vmem_shared>>) dst(%dma_wait3A_185 : memref<56x128xf32, #tpu.memory_space<vmem>>)
      tpu.yield
    }) : () -> ()
    "tpu.region"() ({
      %run_scoped3A = tpu.sem_alloc : memref<!tpu.dma_semaphore, #tpu.memory_space<semaphore_mem>>
      %dma_start3A_168 = arith.constant 0 : i32
      %dma_start3A_169 = arith.constant 0 : i32
      %dma_start3A_170 = tpu.memref_slice %arg14[%dma_start3A_168, %dma_start3A_169] : memref<64x128xf32, #tpu.memory_space<vmem>> -> memref<56x128xf32, #tpu.memory_space<vmem>>
      %dma_start3A_171 = arith.constant 0 : i32
      %dma_start3A_172 = arith.constant 0 : i32
      %dma_start3A_173 = tpu.memref_slice %arg5[%arg0, %dma_start3A_171, %dma_start3A_172] : memref<2x10112x128xf32, #tpu.memory_space<hbm>> -> memref<1x10112x128xf32, #tpu.memory_space<hbm>>
      %dma_start3A_174 = tpu.memref_squeeze %dma_start3A_173 : memref<1x10112x128xf32, #tpu.memory_space<hbm>> -> memref<10112x128xf32, #tpu.memory_space<hbm>>
      %dma_start3A_175 = arith.constant 0 : i32
      %dma_start3A_176 = tpu.memref_slice %dma_start3A_174[%add3A_167, %dma_start3A_175] : memref<10112x128xf32, #tpu.memory_space<hbm>> -> memref<56x128xf32, #tpu.memory_space<hbm>>
      %dma_start3A_177 = arith.constant 0 : i32
      %dma_start3A_178 = arith.constant 0 : i32
      %dma_start3A_179 = tpu.memref_slice %arg5[%arg0, %dma_start3A_177, %dma_start3A_178] : memref<2x10112x128xf32, #tpu.memory_space<hbm>> -> memref<1x10112x128xf32, #tpu.memory_space<hbm>>
      %dma_start3A_180 = tpu.memref_squeeze %dma_start3A_179 : memref<1x10112x128xf32, #tpu.memory_space<hbm>> -> memref<10112x128xf32, #tpu.memory_space<hbm>>
      %dma_start3A_181 = arith.constant 0 : i32
      %dma_start3A_182 = tpu.memref_slice %dma_start3A_180[%add3A_167, %dma_start3A_181] : memref<10112x128xf32, #tpu.memory_space<hbm>> -> memref<56x128xf32, #tpu.memory_space<hbm>>
      %dma_start3A_183 = arith.constant 0 : i32
      %dma_start3A_184 = arith.constant 0 : i32
      %dma_start3A_185 = tpu.memref_slice %arg14[%dma_start3A_183, %dma_start3A_184] : memref<64x128xf32, #tpu.memory_space<vmem>> -> memref<56x128xf32, #tpu.memory_space<vmem>>
      tpu.enqueue_dma source(%dma_start3A_185 : memref<56x128xf32, #tpu.memory_space<vmem>>) target(%dma_start3A_182 : memref<56x128xf32, #tpu.memory_space<hbm>>) target_semaphore(%run_scoped3A : memref<!tpu.dma_semaphore, #tpu.memory_space<semaphore_mem>>)
      %dma_wait3A_186 = arith.constant 0 : i32
      %dma_wait3A_187 = arith.constant 0 : i32
      %dma_wait3A_188 = tpu.memref_slice %arg14[%dma_wait3A_186, %dma_wait3A_187] : memref<64x128xf32, #tpu.memory_space<vmem>> -> memref<56x128xf32, #tpu.memory_space<vmem>>
      %dma_wait3A_189 = arith.constant 0 : i32
      %dma_wait3A_190 = arith.constant 0 : i32
      %dma_wait3A_191 = tpu.memref_slice %arg5[%arg0, %dma_wait3A_189, %dma_wait3A_190] : memref<2x10112x128xf32, #tpu.memory_space<hbm>> -> memref<1x10112x128xf32, #tpu.memory_space<hbm>>
      %dma_wait3A_192 = tpu.memref_squeeze %dma_wait3A_191 : memref<1x10112x128xf32, #tpu.memory_space<hbm>> -> memref<10112x128xf32, #tpu.memory_space<hbm>>
      %dma_wait3A_193 = arith.constant 0 : i32
      %dma_wait3A_194 = tpu.memref_slice %dma_wait3A_192[%add3A_167, %dma_wait3A_193] : memref<10112x128xf32, #tpu.memory_space<hbm>> -> memref<56x128xf32, #tpu.memory_space<hbm>>
      %dma_wait3A_195 = arith.constant 0 : i32
      %dma_wait3A_196 = arith.constant 0 : i32
      %dma_wait3A_197 = tpu.memref_slice %arg5[%arg0, %dma_wait3A_195, %dma_wait3A_196] : memref<2x10112x128xf32, #tpu.memory_space<hbm>> -> memref<1x10112x128xf32, #tpu.memory_space<hbm>>
      %dma_wait3A_198 = tpu.memref_squeeze %dma_wait3A_197 : memref<1x10112x128xf32, #tpu.memory_space<hbm>> -> memref<10112x128xf32, #tpu.memory_space<hbm>>
      %dma_wait3A_199 = arith.constant 0 : i32
      %dma_wait3A_200 = tpu.memref_slice %dma_wait3A_198[%add3A_167, %dma_wait3A_199] : memref<10112x128xf32, #tpu.memory_space<hbm>> -> memref<56x128xf32, #tpu.memory_space<hbm>>
      %dma_wait3A_201 = arith.constant 0 : i32
      %dma_wait3A_202 = arith.constant 0 : i32
      %dma_wait3A_203 = tpu.memref_slice %arg14[%dma_wait3A_201, %dma_wait3A_202] : memref<64x128xf32, #tpu.memory_space<vmem>> -> memref<56x128xf32, #tpu.memory_space<vmem>>
      tpu.wait_dma2 semaphore(%run_scoped3A : memref<!tpu.dma_semaphore, #tpu.memory_space<semaphore_mem>>) src(%dma_wait3A_203 : memref<56x128xf32, #tpu.memory_space<vmem>>) dst(%dma_wait3A_200 : memref<56x128xf32, #tpu.memory_space<hbm>>)
      tpu.yield
    }) : () -> ()
    return
  }
}

module attributes {stable_mosaic.version = 14 : i64} {
  func.func @_edge_mlp_body(%arg0: i32, %arg1: memref<2000x16xbf16, #tpu.memory_space<vmem>>, %arg2: memref<16x128xbf16, #tpu.memory_space<vmem>>, %arg3: memref<1x128xf32, #tpu.memory_space<vmem>>, %arg4: memref<128x128xbf16, #tpu.memory_space<vmem>>, %arg5: memref<1x128xf32, #tpu.memory_space<vmem>>, %arg6: memref<2000x128xf32, #tpu.memory_space<vmem>>) attributes {dimension_semantics = [#tpu.dimension_semantics<arbitrary>], iteration_bounds = array<i64: 160>, scalar_prefetch = 0 : i64, scratch_operands = 0 : i64, tpu.core_type = #tpu.core_type<tc>, window_params = [{transform_indices = @transform_0, window_bounds = array<i64: 2000, 16>}, {pipeline_mode = #tpu.pipeline_mode<synchronous>, transform_indices = @transform_1, window_bounds = array<i64: 16, 128>}, {pipeline_mode = #tpu.pipeline_mode<synchronous>, transform_indices = @transform_2, window_bounds = array<i64: 1, 128>}, {pipeline_mode = #tpu.pipeline_mode<synchronous>, transform_indices = @transform_3, window_bounds = array<i64: 128, 128>}, {pipeline_mode = #tpu.pipeline_mode<synchronous>, transform_indices = @transform_4, window_bounds = array<i64: 1, 128>}, {transform_indices = @transform_5, window_bounds = array<i64: 2000, 128>}]} {
    %get3A = arith.constant 0 : index
    %get3A_0 = arith.constant 0 : index
    %get3A_1 = vector.load %arg1[%get3A, %get3A_0] : memref<2000x16xbf16, #tpu.memory_space<vmem>>, vector<2000x16xbf16>
    %get3A_2 = arith.constant 0 : index
    %get3A_3 = arith.constant 0 : index
    %get3A_4 = vector.load %arg2[%get3A_2, %get3A_3] : memref<16x128xbf16, #tpu.memory_space<vmem>>, vector<16x128xbf16>
    %dot_general3A = arith.constant dense<0.000000e+00> : vector<2000x128xf32>
    %dot_general3A_5 = tpu.matmul %get3A_1, %get3A_4, %dot_general3A {dimension_numbers = #tpu.dot_dimension_numbers<[1], [0], [0], [1], [0, 0, 1, 1], [], []>, transpose_lhs_hint = false} : vector<2000x16xbf16>, vector<16x128xbf16>, vector<2000x128xf32> -> vector<2000x128xf32>
    %get3A_6 = arith.constant 0 : index
    %get3A_7 = arith.constant 0 : index
    %get3A_8 = vector.load %arg3[%get3A_6, %get3A_7] : memref<1x128xf32, #tpu.memory_space<vmem>>, vector<1x128xf32>
    %add3A = vector.broadcast %get3A_8 : vector<1x128xf32> to vector<2000x128xf32>
    %add3A_9 = arith.addf %dot_general3A_5, %add3A : vector<2000x128xf32>
    %mul3A = arith.constant 5.000000e-01 : f32
    %mul3A_10 = vector.broadcast %mul3A : f32 to vector<2000x128xf32>
    %mul3A_11 = arith.mulf %mul3A_10, %add3A_9 : vector<2000x128xf32>
    %gt3A = arith.constant 1.400000e+01 : f32
    %gt3A_12 = vector.broadcast %gt3A : f32 to vector<2000x128xf32>
    %gt3A_13 = arith.cmpf ogt, %mul3A_11, %gt3A_12 : vector<2000x128xf32>
    %mul3A_14 = arith.constant 5.000000e-01 : f32
    %mul3A_15 = vector.broadcast %mul3A_14 : f32 to vector<2000x128xf32>
    %mul3A_16 = arith.mulf %mul3A_15, %add3A_9 : vector<2000x128xf32>
    %exp3A = math.exp %mul3A_16 : vector<2000x128xf32>
    %log1p3A = math.log1p %exp3A : vector<2000x128xf32>
    %mul3A_17 = arith.constant 2.000000e+00 : f32
    %mul3A_18 = vector.broadcast %mul3A_17 : f32 to vector<2000x128xf32>
    %mul3A_19 = arith.mulf %mul3A_18, %log1p3A : vector<2000x128xf32>
    %select_n3A = arith.select %gt3A_13, %add3A_9, %mul3A_19 : vector<2000x128xi1>, vector<2000x128xf32>
    %convert_element_type3A = arith.truncf %select_n3A : vector<2000x128xf32> to vector<2000x128xbf16>
    %get3A_20 = arith.constant 0 : index
    %get3A_21 = arith.constant 0 : index
    %get3A_22 = vector.load %arg4[%get3A_20, %get3A_21] : memref<128x128xbf16, #tpu.memory_space<vmem>>, vector<128x128xbf16>
    %dot_general3A_23 = arith.constant dense<0.000000e+00> : vector<2000x128xf32>
    %dot_general3A_24 = tpu.matmul %convert_element_type3A, %get3A_22, %dot_general3A_23 {dimension_numbers = #tpu.dot_dimension_numbers<[1], [0], [0], [1], [0, 0, 1, 1], [], []>, transpose_lhs_hint = false} : vector<2000x128xbf16>, vector<128x128xbf16>, vector<2000x128xf32> -> vector<2000x128xf32>
    %get3A_25 = arith.constant 0 : index
    %get3A_26 = arith.constant 0 : index
    %get3A_27 = vector.load %arg5[%get3A_25, %get3A_26] : memref<1x128xf32, #tpu.memory_space<vmem>>, vector<1x128xf32>
    %add3A_28 = vector.broadcast %get3A_27 : vector<1x128xf32> to vector<2000x128xf32>
    %add3A_29 = arith.addf %dot_general3A_24, %add3A_28 : vector<2000x128xf32>
    %swap3A = arith.constant 0 : index
    %swap3A_30 = arith.constant 0 : index
    %swap3A_31 = vector.load %arg6[%swap3A, %swap3A_30] : memref<2000x128xf32, #tpu.memory_space<vmem>>, vector<2000x128xf32>
    tpu.vector_store %arg6[%swap3A, %swap3A_30], %add3A_29 {strides = array<i32>} : memref<2000x128xf32, #tpu.memory_space<vmem>>, vector<2000x128xf32>,
    return
  }
  func.func @transform_0(%arg0: i32) -> (i32, i32) {
    %c0_i32 = arith.constant 0 : i32
    %c0_i32_0 = arith.constant 0 : i32
    return %arg0, %c0_i32 : i32, i32
  }
  func.func @transform_1(%arg0: i32) -> (i32, i32) {
    %c0_i32 = arith.constant 0 : i32
    %c0_i32_0 = arith.constant 0 : i32
    %c0_i32_1 = arith.constant 0 : i32
    return %c0_i32, %c0_i32_0 : i32, i32
  }
  func.func @transform_2(%arg0: i32) -> (i32, i32) {
    %c0_i32 = arith.constant 0 : i32
    %c0_i32_0 = arith.constant 0 : i32
    %c0_i32_1 = arith.constant 0 : i32
    return %c0_i32, %c0_i32_0 : i32, i32
  }
  func.func @transform_3(%arg0: i32) -> (i32, i32) {
    %c0_i32 = arith.constant 0 : i32
    %c0_i32_0 = arith.constant 0 : i32
    %c0_i32_1 = arith.constant 0 : i32
    return %c0_i32, %c0_i32_0 : i32, i32
  }
  func.func @transform_4(%arg0: i32) -> (i32, i32) {
    %c0_i32 = arith.constant 0 : i32
    %c0_i32_0 = arith.constant 0 : i32
    %c0_i32_1 = arith.constant 0 : i32
    return %c0_i32, %c0_i32_0 : i32, i32
  }
  func.func @transform_5(%arg0: i32) -> (i32, i32) {
    %c0_i32 = arith.constant 0 : i32
    %c0_i32_0 = arith.constant 0 : i32
    return %arg0, %c0_i32 : i32, i32
  }
}

module attributes {stable_mosaic.version = 14 : i64} {
  func.func @_combine_body(%arg0: i32, %arg1: memref<2x2000x128xf32, #tpu.memory_space<vmem>>, %arg2: memref<2000x128xf32, #tpu.memory_space<vmem>>) attributes {dimension_semantics = [#tpu.dimension_semantics<arbitrary>], iteration_bounds = array<i64: 5>, scalar_prefetch = 0 : i64, scratch_operands = 0 : i64, tpu.core_type = #tpu.core_type<tc>, window_params = [{transform_indices = @transform_0, window_bounds = array<i64: 2, 2000, 128>}, {transform_indices = @transform_1, window_bounds = array<i64: 2000, 128>}]} {
    %get3A = arith.constant 0 : index
    %get3A_0 = arith.constant 0 : index
    %get3A_1 = arith.constant 0 : index
    %get3A_2 = vector.load %arg1[%get3A, %get3A_0, %get3A_1] : memref<2x2000x128xf32, #tpu.memory_space<vmem>>, vector<1x2000x128xf32>
    %get3A_3 = vector.shape_cast %get3A_2 : vector<1x2000x128xf32> to vector<2000x128xf32>
    %get3A_4 = arith.constant 1 : index
    %get3A_5 = arith.constant 0 : index
    %get3A_6 = arith.constant 0 : index
    %get3A_7 = vector.load %arg1[%get3A_4, %get3A_5, %get3A_6] : memref<2x2000x128xf32, #tpu.memory_space<vmem>>, vector<1x2000x128xf32>
    %get3A_8 = vector.shape_cast %get3A_7 : vector<1x2000x128xf32> to vector<2000x128xf32>
    %add3A = arith.addf %get3A_3, %get3A_8 : vector<2000x128xf32>
    %swap3A = arith.constant 0 : index
    %swap3A_9 = arith.constant 0 : index
    %swap3A_10 = vector.load %arg2[%swap3A, %swap3A_9] : memref<2000x128xf32, #tpu.memory_space<vmem>>, vector<2000x128xf32>
    tpu.vector_store %arg2[%swap3A, %swap3A_9], %add3A {strides = array<i32>} : memref<2000x128xf32, #tpu.memory_space<vmem>>, vector<2000x128xf32>,
    return
  }
  func.func @transform_0(%arg0: i32) -> (i32, i32, i32) {
    %c0_i32 = arith.constant 0 : i32
    %c0_i32_0 = arith.constant 0 : i32
    %c0_i32_1 = arith.constant 0 : i32
    return %c0_i32, %arg0, %c0_i32_0 : i32, i32, i32
  }
  func.func @transform_1(%arg0: i32) -> (i32, i32) {
    %c0_i32 = arith.constant 0 : i32
    %c0_i32_0 = arith.constant 0 : i32
    return %arg0, %c0_i32 : i32, i32
  }
}

</mosaic_0001>

<sc_bundles>
// kernel: kernel.5.cloned.1.call-start
scs
__scs_entry_jumppad:
0x0: {  	(pc) =	sbr.rel $0x88, $3  }
0x1: {  	(tag) =	ssettag $0x0;
	lr =	simm.s32 $0x1  }
0x2: {  	[smem:$0x3F9A] =	sst lr;
	_ =	strace $0xD0000000  }
0x3: {  	_ = 	snop  }
0x4: {  	_ = 	snop  }
0x5: {  	_ = 	snop  }
0x6: {  	_ = 	snop  }
0x7: {  	_ = 	snop  }
__scs_overlays_trampoline_lowered:
0x8: {  	[smem:$0x3FA9] =	sst s0  }
0x9: {  	[smem:$0x3FAA] =	sst s1  }
0xa: {  	[smem:$0x3FAB] =	sst s2  }
0xb: {  	[smem:$0x3FAC] =	sst s3  }
0xc: {  	[smem:$0x3FAD] =	sst s4  }
0xd: {  	[smem:$0x3FAE] =	sst s5  }
0xe: {  	[smem:$0x3FAF] =	sst s6  }
0xf: {  	[smem:$0x3FB0] =	sst s7  }
0x10: {  	[smem:$0x3FB1] =	sst s8  }
0x11: {  	[smem:$0x3FB2] =	sst s9;
	s0 =	simm.s32 @!p0 $0x0  }
0x12: {  	s1 =	sld [smem:$0x3F98];
	s0 =	simm.s32 @p0 $0x1  }
0x13: {  	[smem:$0x3FB3] =	sst s0;
	s0 =	simm.s32 @!p1 $0x0  }
0x14: {  	s2 =	sld [smem:$0x3F97];
	s0 =	simm.s32 @p1 $0x1  }
0x15: {  	[smem:$0x3FB4] =	sst s0;
	s0 =	simm.s32 @!p2 $0x0  }
0x16: {  	s3 =	sld [smem:$0x3FDB];
	s0 =	simm.s32 @p2 $0x1  }
0x17: {  	s4 =	simm.s32 $0x1BF5;
	[smem:$0x3FB6] =	sst s0  }
0x18: {  	s0 =	sld [smem:$0x3F99];
	_ =	swait.ge [sflag:s4], $0x0  }
0x19: {  	s7 =	sld [smem:$0x3F9A]  }
0x1a: {  	s8 =	sadd.s32 $0xFFFFE003, lr  }
0x1b: {  	s9 =	sadd.s32 $0xFFFFFEF7, lr;
	s5 =	simm.s32 $0xFFFFFFFF;
	p2 =	slt.u32 s8, $0xFFFFF086  }
0x1c: {  	p1 =	slt.u32 s9, $0xF7A;
	s5 =	simm.s32 @!p2 $0x0  }
0x1d: {  	s5 =	simm.s32 @p1 $0x1;
	p0 =	seq.s32 s7, s2  }
0x1e: {  	s7 =	smul.u32 @!p0 $0xF7A, s2;
	p2 =	seq.s32 @!p0 s5, $0x0  }
0x1f: {  	s9 =	smul.u32 $0xF7A, s1;
	s8 =	simm.s32 @!p0 $0x1BF5;
	p2 =	por !p2, p0  }
0x20: {  	[sflag:s8] =	ssyncset.s32 @!p0 $0xFFFFF086;
	s6 =	sadd.s32 @!p0 s3, s7;
	s7 =	simm.s32 @!p0 $0x108  }
0x21: {  	s3 =	sadd.s32 s3, s9;
	s6 =	sadd.s32 @!p0 $0x88, s6;
	s7 =	simm.s32 @p2 $0x1082  }
0x22: {  	[simem:s7], [sflag:s8] =	dma.local @!p0 [hbm:s6], $0xF7A  }
0x23: {  	s9 =	sor.u32 $0xD0000000, s2;
	s6 =	simm.s32 $0x108;
	_ =	swait.ge @!p0 [sflag:s8], $0x0  }
0x24: {  	s3 =	sadd.s32 $0x88, s3;
	s6 =	simm.s32 @!p1 $0x1082;
	[sflag:s4] =	ssyncset.s32 $0xFFFFF086  }
0x25: {  	[simem:s6], [sflag:s4] =	dma.local [hbm:s3], $0xF7A  }
0x26: {  	[smem:$0x3F9A] =	sst s1;
	(tag) =	ssettag s2;
	_ =	strace s9  }
0x27: {  	s1 =	sld [smem:$0x3FAA]  }
0x28: {  	s2 =	sld [smem:$0x3FAB]  }
0x29: {  	s4 =	sld [smem:$0x3FAD]  }
0x2a: {  	p0 =	seq.s32 s5, $0x0;
	s5 =	sld [smem:$0x3FAE]  }
0x2b: {  	s6 =	sld [smem:$0x3FAF]  }
0x2c: {  	s7 =	sld [smem:$0x3FB0]  }
0x2d: {  	s3 =	simm.s32 $0x108;
	s8 =	sld [smem:$0x3FB1]  }
0x2e: {  	s3 =	simm.s32 @!p0 $0x1082;
	s9 =	sld [smem:$0x3FB2]  }
0x2f: {  	lr =	sadd.s32 s0, s3;
	s0 =	sld [smem:$0x3FA9]  }
0x30: {  	s3 =	sld [smem:$0x3FAC]  }
0x31: {  	[smem:$0x3FB5] =	sst s10  }
0x32: {  	s10 =	sld [smem:$0x3FB3];
	_ =	sdelay $0x3  }
0x33: {  	p0 =	seq.s32 s10, $0x1;
	s10 =	sld [smem:$0x3FB5];
	_ =	sdelay $0x3  }
0x34: {  	[smem:$0x3FB5] =	sst s10  }
0x35: {  	s10 =	sld [smem:$0x3FB4];
	_ =	sdelay $0x3  }
0x36: {  	p1 =	seq.s32 s10, $0x1;
	s10 =	sld [smem:$0x3FB5];
	_ =	sdelay $0x3  }
0x37: {  	[smem:$0x3FB5] =	sst s10  }
0x38: {  	s10 =	sld [smem:$0x3FB6]  }
0x39: {  	_ = 	snop;
	(pc) =	sbr.ind lr, $3  }
0x3a: {  	_ = 	snop  }
0x3b: {  	_ = 	snop  }
0x3c: {  	p2 =	seq.s32 s10, $0x1;
	s10 =	sld [smem:$0x3FB5]  }
0x3d: {  	_ =	shalt  }
0x3e: {  	_ =	shalt  }
0x3f: {  	_ =	shalt  }
0x40: {  	_ =	shalt  }
0x41: {  	_ =	shalt  }
0x42: {  	_ =	shalt  }
0x43: {  	_ =	shalt  }
0x44: {  	_ =	shalt  }
0x45: {  	_ =	shalt  }
0x46: {  	_ =	shalt  }
0x47: {  	_ =	shalt  }
0x48: {  	_ =	shalt  }
0x49: {  	_ =	shalt  }
0x4a: {  	_ =	shalt  }
0x4b: {  	_ =	shalt  }
0x4c: {  	_ =	shalt  }
0x4d: {  	_ =	shalt  }
0x4e: {  	_ =	shalt  }
0x4f: {  	_ =	shalt  }
0x50: {  	_ =	shalt  }
0x51: {  	_ =	shalt  }
0x52: {  	_ =	shalt  }
0x53: {  	_ =	shalt  }
0x54: {  	_ =	shalt  }
0x55: {  	_ =	shalt  }
0x56: {  	_ =	shalt  }
0x57: {  	_ =	shalt  }
0x58: {  	_ =	shalt  }
0x59: {  	_ =	shalt  }
0x5a: {  	_ =	shalt  }
0x5b: {  	_ =	shalt  }
0x5c: {  	_ =	shalt  }
0x5d: {  	_ =	shalt  }
0x5e: {  	_ =	shalt  }
0x5f: {  	_ =	shalt  }
0x60: {  	_ =	shalt  }
0x61: {  	_ =	shalt  }
0x62: {  	_ =	shalt  }
0x63: {  	_ =	shalt  }
0x64: {  	_ =	shalt  }
0x65: {  	_ =	shalt  }
0x66: {  	_ =	shalt  }
0x67: {  	_ =	shalt  }
0x68: {  	_ =	shalt  }
0x69: {  	_ =	shalt  }
0x6a: {  	_ =	shalt  }
0x6b: {  	_ =	shalt  }
0x6c: {  	_ =	shalt  }
0x6d: {  	_ =	shalt  }
0x6e: {  	_ =	shalt  }
0x6f: {  	_ =	shalt  }
0x70: {  	_ =	shalt  }
0x71: {  	_ =	shalt  }
0x72: {  	_ =	shalt  }
0x73: {  	_ =	shalt  }
0x74: {  	_ =	shalt  }
0x75: {  	_ =	shalt  }
0x76: {  	_ =	shalt  }
0x77: {  	_ =	shalt  }
0x78: {  	_ =	shalt  }
0x79: {  	_ =	shalt  }
0x7a: {  	_ =	shalt  }
0x7b: {  	_ =	shalt  }
0x7c: {  	_ =	shalt  }
0x7d: {  	_ =	shalt  }
0x7e: {  	_ =	shalt  }
0x7f: {  	_ =	shalt  }
0x80: {  	_ =	shalt  }
0x81: {  	_ =	shalt  }
0x82: {  	_ =	shalt  }
0x83: {  	_ =	shalt  }
0x84: {  	_ =	shalt  }
0x85: {  	_ =	shalt  }
0x86: {  	_ =	shalt  }
0x87: {  	_ =	shalt  }
.Lfunc_end0:
.L_simem_size_0:
called_computation_lowered:
.L_overlay_start_0:
0x88: {  	s2 =	sld [smem:$0x3FD9]  }
0x89: {  	s3 =	sld [smem:$0x3FFE];
	_ =	sdelay $0x1  }
0x8a: {  	s1 =	srdreg.scid  }
0x8b: {  	s0 =	sand.u32 $0x1, s1  }
0x8c: {  	s17 =	sshll.u32 s0, $0xA;
	s2 =	sadd.s32 s3, s2  }
0x8d: {  	s2 =	sadd.s32 s2, s17  }
0x8e: {  	[smem:$0x3FC1] =	sst s2  }
0x8f: {  	_ = 	snop  }
0x90: {  	s2 =	sld [smem:$0x3FC9];
	(tm) =	ssettm $0x1  }
0x91: {  	s18 =	sld [smem:$0x3FFB];
	_ =	sdelay $0x3  }
0x92: {  	_ =	strace s18  }
0x93: {  	s3 =	sld [smem:$0x3FFC];
	_ =	sdelay $0x3  }
0x94: {  	_ =	strace s3  }
0x95: {  	s3 =	sld [smem:$0x3FFD];
	_ =	sdelay $0x3  }
0x96: {  	_ =	strace s3  }
0x97: {  	_ =	strace $0x8FFFFFFF  }
0x98: {  	s19 =	sld [smem:$0x3FDB];
	_ =	sdelay $0x1  }
0x99: {  	s4 =	simm.s32 $_scs_section_size  }
0x9a: {  	s5 =	simm.s32 $_size__tile_overlayer_lowered;
	s6 =	simm.s32 $_tile_overlayer_lowered  }
0x9b: {  	s22 =	simm.s32 $0x1BFF;
	s21 =	sshll.u32 s6, $0x1;
	s3 =	sadd.s32 s4, s19  }
0x9c: {  	s7 =	simm.s32 $0x0;
	s20 =	sshll.u32 s5, $0x1;
	s5 =	sadd.s32 s21, s3  }
0x9d: {  	[timem:s7], [sflag:s22] =	dma.local [hbm:s5], s20  }
0x9e: {  	_ =	swait.ge [sflag:s22], s20  }
0x9f: {  	s4 =	ssub.s32 $0x0, s20;
	[sflag:s22] =	ssyncset.done $0x0  }
0xa0: {  	[sflag:s22] =	ssyncadd.s32 s4;
	_ =	sdelay $0x1  }
0xa1: {  	s23 =	simm.s32 $0x1B8B  }
0xa2: {  	_ =	swait.ge [sflag:s23], $0x1  }
0xa3: {  	[sflag:s23] =	ssyncset.done $0x0  }
0xa4: {  	s25 =	simm.s32 $0x1B8E;
	s24 =	sld [smem:$0x3FFE];
	[sflag:s23] =	ssyncadd.s32 $0xFFFFFFFF  }
0xa5: {  	s26 =	simm.s32 $execute0_lowered;
	[smem:$0x3FD2] =	sst s25  }
0xa6: {  	s5 =	sshll.u32 s26, $0x1;
	_ =	strace $0x80000046;
	[dreg:$0x1] =	wrdreg $0xFFFFFFFF  }
0xa7: {  	s28 =	simm.s32 $_size_execute0_lowered;
	s3 =	sadd.s32 s3, s5;
	[dreg:$0x0] =	wrdreg $0x0  }
0xa8: {  	s5 =	sshll.u32 s28, $0x1;
	[dreg:$0x2] =	wrdreg s3  }
0xa9: {  	[dreg:$0x3] =	wrdreg s5  }
0xaa: {  	[dreg:$0x4] =	wrdreg $0xC0  }
0xab: {  	_ =	task [dreg:s7], $0x5FFFF  }
0xac: {  	[dreg:$0x1] =	wrdreg $0xFFFFFFFF  }
0xad: {  	[dreg:$0x0] =	wrdreg $0x60  }
0xae: {  	[dreg:$0x2] =	wrdreg s2  }
0xaf: {  	[dreg:$0x3] =	wrdreg s24  }
0xb0: {  	[dreg:$0x4] =	wrdreg $0xC3000  }
0xb1: {  	[dreg:$0x5] =	wrdreg $0x9  }
0xb2: {  	_ =	task.clear_ibuf [dreg:s7], $0x6FFFF;
	_ =	strace $0x90000046  }
0xb3: {  	s29 =	simm.s32 $0x9;
	_ =	strace $0x80000048  }
0xb4: {  	_ =	swait.ge [sflag:s29], $0x1  }
0xb5: {  	[sflag:s29] =	ssyncadd.s32 $0xFFFFFFFF  }
0xb6: {  	_ =	strace $0x90000048  }
0xb7: {  	_ =	sfence  }
0xb8: {  	s30 =	sld [smem:$0x0];
	_ =	sdelay $0x2  }
0xb9: {  	s31 =	sshll.u32 s1, $0xD;
	s1 =	sshrl.u32 s1, $0x2  }
0xba: {  	s3 =	sand.u32 $0x4000, s31;
	s1 =	sadd.s32 s1, s30  }
0xbb: {  	s0 =	sor.u32 s3, s0;
	s1 =	sshll.u32 s1, $0x11  }
0xbc: {  	s0 =	sor.u32 s1, s0  }
0xbd: {  	s0 =	sadd.s32 $0x8F2B, s0  }
0xbe: {  	[sflag:s0] =	ssyncadd.remote.s32 $0x1  }
0xbf: {  	_ =	sfence.sel $0xFFFF  }
0xc0: {  	[dreg:$0x0] =	wrdreg $0xFFFFFFFF;
	(pc) =	sbr.abs _section_cstart, $3  }
0xc1: {  	[dreg:$0x1] =	wrdreg $0xFFFFFFFF  }
0xc2: {  	_ =	task.clear_ibuf [dreg:s7], $0x2FFFF;
	_ =	strace $0x9FFFFFFF  }
0xc3: {  	(tm) =	ssettm $0x7FFFFFFF  }
tec
execute0_lowered:
.L_overlay_start_1:
0x0: {  	(tag) =	ssettag $0x1  }
0x1: {  	s0 =	rddreg [dreg:$0x0]  }
0x2: {  	s1 =	srdreg.scid;
	s5 =	rddreg [dreg:$0x1]  }
0x3: {  	s4 =	simm.s32 $0x0;
	s16 =	stileid.u32;
	s30 =	simm.s32 $0x80  }
0x4: {  	s31 =	simm.s32 $0x5;
	s2 =	sand.u32 $0x1, s1;
	s1 =	rddreg [dreg:$0x2]  }
0x5: {  	s29 =	simm.s32 $0x6300;
	[smem:$0x7FF] =	sst s4;
	s8 =	smul.u32 $0x278, s16  }
0x6: {  	s4 =	simm.s32 $0x8;
	s3 =	smul.u32 $0x27800, s2;
	s15 =	ssub.s32 $0x2, s2  }
0x7: {  	p0 =	seq.s32 s2, $0x0;
	s2 =	sshll.u32 s2, $0xC;
	s7 =	sshrl.u32 s15, $0x1  }
0x8: {  	s4 =	simm.s32 @!p0 $0x6;
	s9 =	sadd.s32 $0x80, s8;
	s10 =	sadd.s32 $0xC0, s8  }
0x9: {  	s11 =	sadd.s32 $0x100, s8;
	s12 =	sadd.s32 $0x140, s8;
	s13 =	sadd.s32 $0x180, s8  }
0xa: {  	s14 =	sadd.s32 $0x1C0, s8;
	s30 =	simm.s32 @!p0 $0x20;
	s6 =	sadd.s32 s3, s5  }
0xb: {  	s4 =	sshll.u32 s16, s4;
	s3 =	ssub.s32 s15, s7;
	s7 =	sadd.s32 $0x40, s8  }
0xc: {  	s15 =	sadd.s32 $0x200, s8;
	s8 =	sadd.s32 $0x240, s8;
	s18 =	sshll.u32 s9, $0x4  }
0xd: {  	s19 =	sshll.u32 s10, $0x4;
	s20 =	sshll.u32 s11, $0x4;
	s21 =	sshll.u32 s12, $0x4  }
0xe: {  	s22 =	sshll.u32 s13, $0x4;
	s6 =	sadd.s32 $0x800, s6;
	s17 =	sshll.u32 s7, $0x4  }
0xf: {  	s23 =	sshll.u32 s14, $0x4;
	s14 =	sshll.u32 s14, $0x7;
	s17 =	sadd.s32 s17, s6  }
0x10: {  	s4 =	sadd.s32 s2, s4;
	s18 =	sadd.s32 s18, s6;
	[dreg:$0x5] =	wrdreg s17  }
0x11: {  	s2 =	smul.u32 $0x4F000, s16;
	s19 =	sadd.s32 s19, s6;
	[dreg:$0x6] =	wrdreg s18  }
0x12: {  	s16 =	smul.u32 $0x2780, s16;
	s20 =	sadd.s32 s20, s6;
	[dreg:$0x7] =	wrdreg s19  }
0x13: {  	s25 =	sshll.u32 s15, $0x4;
	s21 =	sadd.s32 s21, s6;
	[dreg:$0x8] =	wrdreg s20  }
0x14: {  	s26 =	sshll.u32 s8, $0x4;
	s22 =	sadd.s32 s22, s6;
	[dreg:$0x9] =	wrdreg s21  }
0x15: {  	s3 =	smax.u32 s3, $0x1;
	s24 =	sadd.s32 s23, s6;
	[dreg:$0xa] =	wrdreg s22  }
0x16: {  	p1 =	slt.u32 s4, $0x1388;
	s16 =	sadd.s32 s16, s6;
	[dreg:$0xb] =	wrdreg s24  }
0x17: {  	s2 =	sshrl.u32 s2, $0x2;
	s17 =	sadd.s32 $0x271800, s5;
	s18 =	sshll.u32 s15, $0x7  }
0x18: {  	s19 =	sshll.u32 s8, $0x7;
	s22 =	sshll.u32 s4, $0x5;
	s8 =	sor.u32 $0x3, s4  }
0x19: {  	s15 =	simm.s32 $0x3;
	[dreg:$0x4] =	wrdreg s16;
	s16 =	sadd.s32 s25, s6  }
0x1a: {  	s6 =	sadd.s32 s26, s6;
	s23 =	sadd.s32 s2, s1;
	s2 =	sadd.s32 s14, s1  }
0x1b: {  	s20 =	sadd.s32 s18, s1;
	s21 =	sadd.s32 s19, s1;
	s14 =	simm.s32 $0x40  }
0x1c: {  	s18 =	simm.s32 $0x6;
	s19 =	simm.s32 $0x280;
	[dreg:$0xc] =	wrdreg s16  }
0x1d: {  	[dreg:$0xd] =	wrdreg s6;
	s16 =	sadd.s32 $0x299800, s5;
	s5 =	sshll.u32 s7, $0x7  }
0x1e: {  	s6 =	sshll.u32 s9, $0x7;
	_ =	strace $0x80000047;
	[dreg:$0x15] =	wrdreg s2  }
0x1f: {  	s7 =	sshll.u32 s10, $0x7;
	s9 =	sshll.u32 s11, $0x7;
	[dreg:$0x16] =	wrdreg s20  }
0x20: {  	s10 =	sshll.u32 s12, $0x7;
	s11 =	sshll.u32 s13, $0x7;
	[dreg:$0x17] =	wrdreg s21  }
0x21: {  	s24 =	sadd.s32 s5, s1;
	s25 =	sadd.s32 s6, s1;
	[dreg:$0x1a] =	wrdreg s3  }
0x22: {  	s26 =	sadd.s32 s7, s1;
	s12 =	sadd.s32 s10, s1;
	[dreg:$0xe] =	wrdreg s23  }
0x23: {  	s28 =	sadd.s32 s9, s1;
	s13 =	sadd.s32 s11, s1;
	[dreg:$0x13] =	wrdreg s12  }
0x24: {  	s5 =	sshll.u32 s4, $0xA;
	s2 =	sadd.s32 s17, s22;
	[dreg:$0x14] =	wrdreg s13  }
0x25: {  	s6 =	sadd.s32 $0xFFFFFFFF, s30;
	s7 =	sor.u32 $0x2, s4;
	[dreg:$0x18] =	wrdreg s2  }
0x26: {  	s10 =	simm.s32 $0x8300;
	s11 =	simm.s32 $0x9;
	[dreg:$0xf] =	wrdreg s24  }
0x27: {  	s9 =	simm.s32 $0x2;
	s3 =	simm.s32 $0x200;
	[dreg:$0x10] =	wrdreg s25  }
0x28: {  	s20 =	simm.s32 $0xA300;
	s21 =	simm.s32 $0x0;
	[dreg:$0x11] =	wrdreg s26  }
0x29: {  	s5 =	simm.s32 @!p1 $0x0;
	s2 =	sadd.s32 $0x20, s2;
	[dreg:$0x12] =	wrdreg s28  }
0x2a: {  	s12 =	simm.s32 $0x100;
	s5 =	sadd.s32 s16, s5;
	[dreg:$0x1b] =	wrdreg s2  }
0x2b: {  	v0 =	vimm.f32 $0.0e+00;
	s13 =	simm.s32 $0x4;
	[dreg:$0x19] =	wrdreg s5;
	s5 =	simm.s32 $0x2300  }
.LBB2_1:
0x2c: {  	s2 =	simm.s32 $0x0;
	s22 =	simm.s32 $0x200  }
.LBB2_2:
0x2d: {  	p0 =	sne.s32 s22, $0x7E00;
	[tilespmem:s2+$0x8370] =	vst v0  }
0x2e: {  	[tilespmem:s2+$0x8300] =	vst v0  }
0x2f: {  	[tilespmem:s2+$0x8310] =	vst v0  }
.Ltmp0:
0x30: {  	[tilespmem:s2+$0x8320] =	vst v0;
	(pc) =	sbr.rel @p0 .LBB2_2-.Ltmp0, $4  }
0x31: {  	[tilespmem:s2+$0x8330] =	vst v0  }
0x32: {  	[tilespmem:s2+$0x8340] =	vst v0  }
0x33: {  	[tilespmem:s2+$0x8350] =	vst v0  }
0x34: {  	[tilespmem:s2+$0x8360] =	vst v0;
	s2 =	sshra.s32 s22, $0x2;
	s22 =	sadd.s32 $0x200, s22  }
0x35: {  	[tilespmem:s2+$0x8370] =	vst v0  }
0x36: {  	[tilespmem:s2+$0x8300] =	vst v0  }
0x37: {  	[tilespmem:s2+$0x8310] =	vst v0  }
0x38: {  	[tilespmem:s2+$0x8320] =	vst v0  }
0x39: {  	[tilespmem:s2+$0x8330] =	vst v0  }
0x3a: {  	[tilespmem:s2+$0x8340] =	vst v0  }
0x3b: {  	[tilespmem:s2+$0x8350] =	vst v0  }
0x3c: {  	[tilespmem:s2+$0x8360] =	vst v0  }
0x3d: {  	[spmem:s23] =	stream.linear.scatter [tilespmem:s10], [sflag:$0x9], $0x2000, $0x38;
	[tilespmem:$0x1FF00] =	vst v63  }
0x3e: {  	_ =	swait.ge [sflag:s11], $0x2000  }
0x3f: {  	[sflag:s11] =	ssyncset.done $0x0  }
0x40: {  	[sflag:s11] =	ssyncadd.s32 $0xFFFFE000  }
0x41: {  	[spmem:s24] =	stream.linear.scatter [tilespmem:s10], [sflag:$0x9], $0x2000, $0x38;
	[tilespmem:$0x1FF00] =	vst v63  }
0x42: {  	_ =	swait.ge [sflag:s11], $0x2000  }
0x43: {  	[sflag:s11] =	ssyncset.done $0x0  }
0x44: {  	[sflag:s11] =	ssyncadd.s32 $0xFFFFE000  }
0x45: {  	[spmem:s25] =	stream.linear.scatter [tilespmem:s10], [sflag:$0x9], $0x2000, $0x38;
	[tilespmem:$0x1FF00] =	vst v63  }
0x46: {  	_ =	swait.ge [sflag:s11], $0x2000  }
0x47: {  	[sflag:s11] =	ssyncset.done $0x0  }
0x48: {  	[sflag:s11] =	ssyncadd.s32 $0xFFFFE000  }
0x49: {  	[spmem:s26] =	stream.linear.scatter [tilespmem:s10], [sflag:$0x9], $0x2000, $0x38;
	[tilespmem:$0x1FF00] =	vst v63  }
0x4a: {  	_ =	swait.ge [sflag:s11], $0x2000  }
0x4b: {  	[sflag:s11] =	ssyncset.done $0x0  }
0x4c: {  	[sflag:s11] =	ssyncadd.s32 $0xFFFFE000  }
0x4d: {  	[spmem:s28] =	stream.linear.scatter [tilespmem:s10], [sflag:$0x9], $0x2000, $0x38;
	[tilespmem:$0x1FF00] =	vst v63  }
0x4e: {  	_ =	swait.ge [sflag:s11], $0x2000  }
0x4f: {  	[sflag:s11] =	ssyncset.done $0x0  }
0x50: {  	s22 =	rddreg [dreg:$0x13];
	[sflag:s11] =	ssyncadd.s32 $0xFFFFE000  }
0x51: {  	[spmem:s22] =	stream.linear.scatter [tilespmem:s10], [sflag:$0x9], $0x2000, $0x38;
	[tilespmem:$0x1FF00] =	vst v63  }
0x52: {  	_ =	swait.ge [sflag:s11], $0x2000  }
0x53: {  	[sflag:s11] =	ssyncset.done $0x0  }
0x54: {  	s23 =	rddreg [dreg:$0x14];
	[sflag:s11] =	ssyncadd.s32 $0xFFFFE000  }
0x55: {  	[spmem:s23] =	stream.linear.scatter [tilespmem:s10], [sflag:$0x9], $0x2000, $0x38;
	[tilespmem:$0x1FF00] =	vst v63  }
0x56: {  	_ =	swait.ge [sflag:s11], $0x2000  }
0x57: {  	[sflag:s11] =	ssyncset.done $0x0  }
0x58: {  	s24 =	rddreg [dreg:$0x15];
	[sflag:s11] =	ssyncadd.s32 $0xFFFFE000  }
0x59: {  	[spmem:s24] =	stream.linear.scatter [tilespmem:s10], [sflag:$0x9], $0x2000, $0x38;
	[tilespmem:$0x1FF00] =	vst v63  }
0x5a: {  	_ =	swait.ge [sflag:s11], $0x2000  }
0x5b: {  	[sflag:s11] =	ssyncset.done $0x0  }
0x5c: {  	s25 =	rddreg [dreg:$0x16];
	[sflag:s11] =	ssyncadd.s32 $0xFFFFE000  }
0x5d: {  	[spmem:s25] =	stream.linear.scatter [tilespmem:s10], [sflag:$0x9], $0x2000, $0x38;
	[tilespmem:$0x1FF00] =	vst v63  }
0x5e: {  	_ =	swait.ge [sflag:s11], $0x2000  }
0x5f: {  	[sflag:s11] =	ssyncset.done $0x0  }
0x60: {  	s26 =	rddreg [dreg:$0x17];
	[sflag:s11] =	ssyncadd.s32 $0xFFFFE000  }
0x61: {  	[spmem:s26] =	stream.linear.scatter [tilespmem:s10], [sflag:$0x9], $0x1C00, $0x38;
	[tilespmem:$0x1FF00] =	vst v63  }
0x62: {  	_ =	swait.ge [sflag:s11], $0x1C00  }
0x63: {  	[sflag:s11] =	ssyncset.done $0x0  }
0x64: {  	[sflag:s11] =	ssyncadd.s32 $0xFFFFE400  }
0x65: {  	[bflag:$0x0] =	sbarrier.arrive $0xFFFF  }
0x66: {  	s22 =	simm.s32 $0x0;
	s28 =	rddreg [dreg:$0x18]  }
0x67: {  	[tilespmem:s22], [sflag:$0x1] =	stream.linear.gather [hbm4b:s28+s22], $0x100, $0x38;
	[tilespmem:$0x1FF00] =	vst v63  }
0x68: {  	s24 =	simm.s32 $0x1;
	s23 =	rddreg [dreg:$0x1b]  }
0x69: {  	[tilespmem:s12], [sflag:$0x2] =	stream.linear.gather [hbm4b:s23+s22], $0x100, $0x38;
	[tilespmem:$0x1FF00] =	vst v63  }
0x6a: {  	_ =	swait.ge [sflag:s24], $0x100  }
0x6b: {  	[sflag:s24] =	ssyncset.done $0x0  }
0x6c: {  	s25 =	simm.s32 $0x300;
	[sflag:s24] =	ssyncadd.s32 $0xFFFFFF00  }
0x6d: {  	[tilespmem:s25], [sflag:$0x3] =	stream.indirect.gather [hbm4b:s0+s14], $0x80, s22, s14, $0xb8;
	[tilespmem:$0x1FF00] =	vst v63  }
0x6e: {  	s28 =	simm.s32 $0x4300;
	s23 =	simm.s32 $0x0;
	s26 =	rddreg [dreg:$0x19]  }
0x6f: {  	[tilespmem:s28], [sflag:$0x5] =	stream.linear.gather [hbm4b:s26+s22], $0x2000, $0x38;
	[tilespmem:$0x1FF00] =	vst v63  }
.LBB2_4:
0x70: {  	_ =	swait.ge [sflag:s15], $0x2000  }
0x71: {  	[sflag:s15] =	ssyncset.done $0x0  }
0x72: {  	[sflag:s15] =	ssyncadd.s32 $0xFFFFE000  }
0x73: {  	_ =	swait.ge [sflag:s31], $0x2000  }
0x74: {  	p1 =	seq.s32 s23, $0x0;
	[sflag:s31] =	ssyncset.done $0x0  }
0x75: {  	s2 =	simm.s32 @!p1 $0x7;
	[sflag:s31] =	ssyncadd.s32 $0xFFFFE000  }
0x76: {  	_ =	swait.ge @!p1 [sflag:s2], $0x2000  }
0x77: {  	[sflag:s2] =	ssyncset.done @!p1 $0x0  }
0x78: {  	[sflag:s2] =	ssyncadd.s32 @!p1 $0xFFFFE000  }
0x79: {  	v1 =	vld [tilespmem:$0x80]  }
0x7a: {  	v2 =	vld [tilespmem:$0x90]  }
0x7b: {  	v3 =	vld [tilespmem:$0xA0]  }
0x7c: {  	v4 =	vld [tilespmem:$0xB0]  }
0x7d: {  	s25 =	sshll.u32 s23, $0x1;
	p0 =	sge.s32 s23, s6  }
0x7e: {  	s24 =	sadd.s32 @!p0 s25, s7;
	[tilespmem:$0x200] =	vst v1  }
0x7f: {  	s2 =	sshll.u32 @!p0 s24, $0x5;
	[tilespmem:$0x210] =	vst v2  }
0x80: {  	s2 =	sand.u32 @!p0 $0x1FFFFFC0, s2;
	[tilespmem:$0x220] =	vst v3  }
0x81: {  	s26 =	simm.s32 @!p0 $0x0;
	s2 =	sadd.s32 @!p0 s17, s2;
	[tilespmem:$0x230] =	vst v4  }
0x82: {  	[tilespmem:s26], [sflag:$0x1] =	stream.linear.gather @!p0 [hbm4b:s2+s26], $0x100, $0x38;
	[tilespmem:$0x1FF00] =	vst v63  }
0x83: {  	s26 =	sadd.s32 s25, s4  }
0x84: {  	_ =	swait.ge [sflag:s9], $0x100;
	s2 =	sadd.s32 $0x1, s26  }
0x85: {  	[sflag:s9] =	ssyncset.done $0x0;
	s26 =	sshll.u32 s2, $0xA  }
0x86: {  	p2 =	slt.u32 s2, $0x1388;
	[sflag:s9] =	ssyncadd.s32 $0xFFFFFF00;
	s2 =	sand.u32 $0x1FFFFC00, s26  }
0x87: {  	[tilespmem:s5], [sflag:$0x4] =	stream.indirect.gather [hbm4b:s0+s14], $0x80, s12, s14, $0xb8;
	[tilespmem:$0x1FF00] =	vst v63  }
0x88: {  	s2 =	simm.s32 @!p2 $0x0  }
0x89: {  	s26 =	simm.s32 $0x0;
	s2 =	sadd.s32 s16, s2  }
0x8a: {  	[tilespmem:s29], [sflag:$0x6] =	stream.linear.gather [hbm4b:s2+s22], $0x2000, $0x38;
	[tilespmem:$0x1FF00] =	vst v63  }
0x8b: {  	v1 =	vld [tilespmem:s26+$0x370]  }
0x8c: {  	v2 =	vld [tilespmem:s26+$0x4370]  }
0x8d: {  	v3 =	vld [tilespmem:s26+$0x300]  }
0x8e: {  	v4 =	vld [tilespmem:s26+$0x4300]  }
0x8f: {  	v5 =	vld [tilespmem:s26+$0x310]  }
0x90: {  	v6 =	vld [tilespmem:s26+$0x4310]  }
0x91: {  	v7 =	vld [tilespmem:s26+$0x320]  }
0x92: {  	v8 =	vld [tilespmem:s26+$0x330]  }
0x93: {  	v1 =	vmul.f32 v2, v1;
	v2 =	vld [tilespmem:s26+$0x4320]  }
0x94: {  	v9 =	vld [tilespmem:s26+$0x4330]  }
0x95: {  	v10 =	vld [tilespmem:s26+$0x4340];
	v3 =	vmul.f32 v4, v3  }
0x96: {  	[tilespmem:s26+$0x8370] =	vst v1;
	v1 =	vmul.f32 v6, v5;
	v6 =	vld [tilespmem:s26+$0x340]  }
0x97: {  	v4 =	vld [tilespmem:s26+$0x4350];
	[tilespmem:s26+$0x8300] =	vst v3  }
0x98: {  	v3 =	vld [tilespmem:s26+$0x350];
	[tilespmem:s26+$0x8310] =	vst v1;
	v1 =	vmul.f32 v2, v7  }
0x99: {  	v5 =	vld [tilespmem:s26+$0x4360];
	v7 =	vmul.f32 v9, v8  }
0x9a: {  	s28 =	simm.s32 $0x80;
	[tilespmem:s26+$0x8320] =	vst v1;
	v1 =	vld [tilespmem:s26+$0x360]  }
0x9b: {  	s2 =	simm.s32 $0x400;
	v6 =	vmul.f32 v10, v6;
	v2 =	vld [tilespmem:s28+$0x370];
	[tilespmem:s26+$0x8330] =	vst v7  }
.LBB2_5:
0x9c: {  	p2 =	sne.s32 s2, $0x7E00;
	v7 =	vld [tilespmem:s28+$0x4370]  }
0x9d: {  	v8 =	vld [tilespmem:s28+$0x300];
	[tilespmem:s26+$0x8340] =	vst v6;
	v3 =	vmul.f32 v4, v3  }
0x9e: {  	v4 =	vld [tilespmem:s28+$0x4300]  }
0x9f: {  	v6 =	vld [tilespmem:s28+$0x310];
	[tilespmem:s26+$0x8350] =	vst v3;
	v1 =	vmul.f32 v5, v1  }
0xa0: {  	v3 =	vld [tilespmem:s28+$0x4310]  }
0xa1: {  	v5 =	vld [tilespmem:s28+$0x320];
	v2 =	vmul.f32 v7, v2;
	[tilespmem:s26+$0x8360] =	vst v1;
	s26 =	smov.u32 s28  }
0xa2: {  	v1 =	vld [tilespmem:s26+$0x4320]  }
0xa3: {  	v4 =	vmul.f32 v4, v8;
	v7 =	vld [tilespmem:s26+$0x330];
	[tilespmem:s26+$0x8370] =	vst v2  }
0xa4: {  	v2 =	vld [tilespmem:s26+$0x4330]  }
0xa5: {  	[tilespmem:s26+$0x8300] =	vst v4;
	v3 =	vmul.f32 v3, v6;
	v6 =	vld [tilespmem:s26+$0x340]  }
0xa6: {  	v8 =	vld [tilespmem:s26+$0x4340]  }
.Ltmp1:
0xa7: {  	[tilespmem:s26+$0x8310] =	vst v3;
	v1 =	vmul.f32 v1, v5;
	v3 =	vld [tilespmem:s26+$0x350];
	(pc) =	sbr.rel @p2 .LBB2_5-.Ltmp1, $4  }
0xa8: {  	v4 =	vld [tilespmem:s26+$0x4350]  }
0xa9: {  	[tilespmem:s26+$0x8320] =	vst v1;
	v7 =	vmul.f32 v2, v7;
	v1 =	vld [tilespmem:s26+$0x360]  }
0xaa: {  	s28 =	sshra.s32 s2, $0x2;
	v5 =	vld [tilespmem:s26+$0x4360]  }
0xab: {  	s2 =	sadd.s32 $0x200, s2;
	v2 =	vld [tilespmem:s28+$0x370];
	[tilespmem:s26+$0x8330] =	vst v7;
	v6 =	vmul.f32 v8, v6  }
0xac: {  	v7 =	vld [tilespmem:s28+$0x4370]  }
0xad: {  	v8 =	vld [tilespmem:s28+$0x300];
	[tilespmem:s26+$0x8340] =	vst v6;
	v3 =	vmul.f32 v4, v3  }
0xae: {  	v4 =	vld [tilespmem:s28+$0x4300]  }
0xaf: {  	v6 =	vld [tilespmem:s28+$0x310];
	[tilespmem:s26+$0x8350] =	vst v3;
	v1 =	vmul.f32 v5, v1  }
0xb0: {  	v3 =	vld [tilespmem:s28+$0x4310]  }
0xb1: {  	v5 =	vld [tilespmem:s28+$0x320];
	[tilespmem:s26+$0x8360] =	vst v1  }
0xb2: {  	v1 =	vmul.f32 v7, v2;
	v2 =	vld [tilespmem:s28+$0x4320]  }
0xb3: {  	v7 =	vld [tilespmem:s28+$0x330]  }
0xb4: {  	v4 =	vmul.f32 v4, v8;
	[tilespmem:s28+$0x8370] =	vst v1;
	v1 =	vld [tilespmem:s28+$0x4330]  }
0xb5: {  	v8 =	vld [tilespmem:s28+$0x4360]  }
0xb6: {  	[tilespmem:s28+$0x8300] =	vst v4;
	v3 =	vmul.f32 v3, v6;
	v4 =	vld [tilespmem:s28+$0x340]  }
0xb7: {  	v6 =	vld [tilespmem:s28+$0x4340]  }
0xb8: {  	[tilespmem:s28+$0x8310] =	vst v3;
	v2 =	vmul.f32 v2, v5;
	v3 =	vld [tilespmem:s28+$0x350]  }
0xb9: {  	v5 =	vld [tilespmem:s28+$0x4350]  }
0xba: {  	[tilespmem:s28+$0x8320] =	vst v2;
	v2 =	vld [tilespmem:s28+$0x360];
	_ =	sdelay $0x1  }
0xbb: {  	v1 =	vmul.f32 v1, v7  }
0xbc: {  	v4 =	vmul.f32 v6, v4  }
0xbd: {  	[tilespmem:s28+$0x8330] =	vst v1;
	v1 =	vmul.f32 v5, v3  }
0xbe: {  	[tilespmem:s28+$0x8340] =	vst v4;
	v2 =	vmul.f32 v8, v2  }
0xbf: {  	[tilespmem:s28+$0x8350] =	vst v1  }
0xc0: {  	[tilespmem:s28+$0x8360] =	vst v2  }
0xc1: {  	[spmem:s1] =	stream.indirect.scatter.add.f32 [tilespmem:s10], [sflag:$0x7], $0x80, s3, s14, $0xb8;
	[tilespmem:$0x1FF00] =	vst v63  }
0xc2: {  	_ =	swait.ge [sflag:s13], $0x2000  }
0xc3: {  	[sflag:s13] =	ssyncset.done $0x0  }
0xc4: {  	[sflag:s13] =	ssyncadd.s32 $0xFFFFE000  }
0xc5: {  	_ =	swait.ge [sflag:s18], $0x2000  }
0xc6: {  	[sflag:s18] =	ssyncset.done $0x0  }
0xc7: {  	s2 =	simm.s32 @!p1 $0x8;
	[sflag:s18] =	ssyncadd.s32 $0xFFFFE000  }
0xc8: {  	_ =	swait.ge @!p1 [sflag:s2], $0x2000  }
0xc9: {  	[sflag:s2] =	ssyncset.done @!p1 $0x0  }
0xca: {  	[sflag:s2] =	ssyncadd.s32 @!p1 $0xFFFFE000  }
0xcb: {  	v1 =	vld [tilespmem:$0x180]  }
0xcc: {  	v2 =	vld [tilespmem:$0x190]  }
0xcd: {  	v3 =	vld [tilespmem:$0x1A0]  }
0xce: {  	v4 =	vld [tilespmem:$0x1B0];
	_ =	sdelay $0x1  }
0xcf: {  	s2 =	sadd.s32 @!p0 s25, s8;
	[tilespmem:$0x280] =	vst v1  }
0xd0: {  	s2 =	sshll.u32 @!p0 s2, $0x5;
	[tilespmem:$0x290] =	vst v2  }
0xd1: {  	s2 =	sand.u32 @!p0 $0x1FFFFFE0, s2;
	[tilespmem:$0x2A0] =	vst v3  }
0xd2: {  	s26 =	simm.s32 @!p0 $0x100;
	s25 =	simm.s32 @!p0 $0x0;
	s2 =	sadd.s32 @!p0 s17, s2;
	[tilespmem:$0x2B0] =	vst v4  }
0xd3: {  	[tilespmem:s26], [sflag:$0x2] =	stream.linear.gather @!p0 [hbm4b:s2+s25], $0x100, $0x38;
	[tilespmem:$0x1FF00] =	vst v63  }
0xd4: {  	s2 =	simm.s32 @!p0 $0x1  }
0xd5: {  	_ =	swait.ge @!p0 [sflag:s2], $0x100  }
0xd6: {  	[sflag:s2] =	ssyncset.done @!p0 $0x0  }
0xd7: {  	s26 =	simm.s32 @!p0 $0x300;
	[sflag:s2] =	ssyncadd.s32 @!p0 $0xFFFFFF00;
	s2 =	simm.s32 @!p0 $0x40  }
0xd8: {  	[tilespmem:s26], [sflag:$0x3] =	stream.indirect.gather @!p0 [hbm4b:s0+s2], $0x80, s25, s2, $0xb8;
	[tilespmem:$0x1FF00] =	vst v63  }
0xd9: {  	p1 =	slt.u32 @!p0 s24, $0x1388;
	s2 =	sshll.u32 @!p0 s24, $0xA  }
0xda: {  	p1 =	por !p1, p0;
	s2 =	sand.u32 @!p0 $0x1FFFF800, s2  }
0xdb: {  	s2 =	simm.s32 @p1 $0x0  }
0xdc: {  	s24 =	simm.s32 @!p0 $0x4300;
	s2 =	sadd.s32 @!p0 s16, s2  }
0xdd: {  	[tilespmem:s24], [sflag:$0x5] =	stream.linear.gather @!p0 [hbm4b:s2+s25], $0x2000, $0x38;
	[tilespmem:$0x1FF00] =	vst v63  }
0xde: {  	s24 =	simm.s32 $0x0  }
0xdf: {  	v1 =	vld [tilespmem:s24+$0x2370]  }
0xe0: {  	v2 =	vld [tilespmem:s24+$0x6370]  }
0xe1: {  	v3 =	vld [tilespmem:s24+$0x2300]  }
0xe2: {  	v4 =	vld [tilespmem:s24+$0x6300]  }
0xe3: {  	v5 =	vld [tilespmem:s24+$0x2310]  }
0xe4: {  	v6 =	vld [tilespmem:s24+$0x6310]  }
0xe5: {  	v7 =	vld [tilespmem:s24+$0x2320]  }
0xe6: {  	v8 =	vld [tilespmem:s24+$0x2330]  }
0xe7: {  	v1 =	vmul.f32 v2, v1;
	v2 =	vld [tilespmem:s24+$0x6320]  }
0xe8: {  	v9 =	vld [tilespmem:s24+$0x6330]  }
0xe9: {  	v10 =	vld [tilespmem:s24+$0x6340];
	v3 =	vmul.f32 v4, v3  }
0xea: {  	[tilespmem:s24+$0xA370] =	vst v1;
	v1 =	vmul.f32 v6, v5;
	v6 =	vld [tilespmem:s24+$0x2340]  }
0xeb: {  	v4 =	vld [tilespmem:s24+$0x6350];
	[tilespmem:s24+$0xA300] =	vst v3  }
0xec: {  	v3 =	vld [tilespmem:s24+$0x2350];
	[tilespmem:s24+$0xA310] =	vst v1;
	v1 =	vmul.f32 v2, v7  }
0xed: {  	v5 =	vld [tilespmem:s24+$0x6360];
	v7 =	vmul.f32 v9, v8  }
0xee: {  	s25 =	simm.s32 $0x80;
	[tilespmem:s24+$0xA320] =	vst v1;
	v1 =	vld [tilespmem:s24+$0x2360]  }
0xef: {  	s2 =	simm.s32 $0x400;
	v6 =	vmul.f32 v10, v6;
	v2 =	vld [tilespmem:s25+$0x2370];
	[tilespmem:s24+$0xA330] =	vst v7  }
.LBB2_7:
0xf0: {  	p0 =	sne.s32 s2, $0x7E00;
	v7 =	vld [tilespmem:s25+$0x6370]  }
0xf1: {  	v8 =	vld [tilespmem:s25+$0x2300];
	[tilespmem:s24+$0xA340] =	vst v6;
	v3 =	vmul.f32 v4, v3  }
0xf2: {  	v4 =	vld [tilespmem:s25+$0x6300]  }
0xf3: {  	v6 =	vld [tilespmem:s25+$0x2310];
	[tilespmem:s24+$0xA350] =	vst v3;
	v1 =	vmul.f32 v5, v1  }
0xf4: {  	v3 =	vld [tilespmem:s25+$0x6310]  }
0xf5: {  	v5 =	vld [tilespmem:s25+$0x2320];
	v2 =	vmul.f32 v7, v2;
	[tilespmem:s24+$0xA360] =	vst v1;
	s24 =	smov.u32 s25  }
0xf6: {  	v1 =	vld [tilespmem:s24+$0x6320]  }
0xf7: {  	v4 =	vmul.f32 v4, v8;
	v7 =	vld [tilespmem:s24+$0x2330];
	[tilespmem:s24+$0xA370] =	vst v2  }
0xf8: {  	v2 =	vld [tilespmem:s24+$0x6330]  }
0xf9: {  	[tilespmem:s24+$0xA300] =	vst v4;
	v3 =	vmul.f32 v3, v6;
	v6 =	vld [tilespmem:s24+$0x2340]  }
0xfa: {  	v8 =	vld [tilespmem:s24+$0x6340]  }
.Ltmp2:
0xfb: {  	[tilespmem:s24+$0xA310] =	vst v3;
	v1 =	vmul.f32 v1, v5;
	v3 =	vld [tilespmem:s24+$0x2350];
	(pc) =	sbr.rel @p0 .LBB2_7-.Ltmp2, $4  }
0xfc: {  	v4 =	vld [tilespmem:s24+$0x6350]  }
0xfd: {  	[tilespmem:s24+$0xA320] =	vst v1;
	v7 =	vmul.f32 v2, v7;
	v1 =	vld [tilespmem:s24+$0x2360]  }
0xfe: {  	s25 =	sshra.s32 s2, $0x2;
	v5 =	vld [tilespmem:s24+$0x6360]  }
0xff: {  	s2 =	sadd.s32 $0x200, s2;
	v2 =	vld [tilespmem:s25+$0x2370];
	[tilespmem:s24+$0xA330] =	vst v7;
	v6 =	vmul.f32 v8, v6  }
0x100: {  	v7 =	vld [tilespmem:s25+$0x6370]  }
0x101: {  	v8 =	vld [tilespmem:s25+$0x2300];
	[tilespmem:s24+$0xA340] =	vst v6;
	v3 =	vmul.f32 v4, v3  }
0x102: {  	v57 =	vld [tilespmem:s25+$0x6300]  }
0x103: {  	v6 =	vld [tilespmem:s25+$0x2310];
	[tilespmem:s24+$0xA350] =	vst v3;
	v1 =	vmul.f32 v5, v1  }
0x104: {  	v3 =	vld [tilespmem:s25+$0x6310]  }
0x105: {  	v58 =	vld [tilespmem:s25+$0x2320];
	[tilespmem:s24+$0xA360] =	vst v1  }
0x106: {  	v1 =	vmul.f32 v7, v2;
	v2 =	vld [tilespmem:s25+$0x6320]  }
0x107: {  	v59 =	vld [tilespmem:s25+$0x2330]  }
0x108: {  	v60 =	vld [tilespmem:s25+$0x2340]  }
0x109: {  	v61 =	vld [tilespmem:s25+$0x6340]  }
0x10a: {  	v62 =	vld [tilespmem:s25+$0x6350]  }
0x10b: {  	[tilespmem:s25+$0xA370] =	vst v1;
	v1 =	vld [tilespmem:s25+$0x6330];
	v3 =	vmul.f32 v3, v6  }
0x10c: {  	v63 =	vld [tilespmem:s25+$0x6360];
	v2 =	vmul.f32 v2, v58  }
0x10d: {  	[tilespmem:s25+$0xA310] =	vst v3;
	v3 =	vld [tilespmem:s25+$0x2350]  }
0x10e: {  	[tilespmem:s25+$0xA320] =	vst v2;
	v2 =	vld [tilespmem:s25+$0x2360]  }
0x10f: {  	v4 =	vmul.f32 v57, v8  }
0x110: {  	s23 =	sadd.s32 $0x1, s23;
	v1 =	vmul.f32 v1, v59  }
0x111: {  	p0 =	sne.s32 s23, s30;
	[tilespmem:s25+$0xA300] =	vst v4;
	v4 =	vmul.f32 v61, v60  }
.Ltmp3:
0x112: {  	[tilespmem:s25+$0xA330] =	vst v1;
	v1 =	vmul.f32 v62, v3;
	(pc) =	sbr.rel @p0 .LBB2_4-.Ltmp3, $4  }
0x113: {  	[tilespmem:s25+$0xA340] =	vst v4;
	v2 =	vmul.f32 v63, v2  }
0x114: {  	[tilespmem:s25+$0xA350] =	vst v1  }
0x115: {  	[tilespmem:s25+$0xA360] =	vst v2  }
0x116: {  	[spmem:s1] =	stream.indirect.scatter.add.f32 [tilespmem:s20], [sflag:$0x8], $0x80, s19, s14, $0xb8;
	[tilespmem:$0x1FF00] =	vst v63  }
0x117: {  	s2 =	simm.s32 $0x7  }
0x118: {  	_ =	swait.ge [sflag:s2], $0x2000  }
0x119: {  	[sflag:s2] =	ssyncset.done $0x0  }
0x11a: {  	s24 =	simm.s32 $0x8;
	[sflag:s2] =	ssyncadd.s32 $0xFFFFE000  }
0x11b: {  	_ =	swait.ge [sflag:s24], $0x2000  }
0x11c: {  	[sflag:s24] =	ssyncset.done $0x0  }
0x11d: {  	[sflag:s24] =	ssyncadd.s32 $0xFFFFE000  }
0x11e: {  	[bflag:$0x0] =	sbarrier.arrive $0xFFFF  }
0x11f: {  	s23 =	rddreg [dreg:$0xe]  }
0x120: {  	[tilespmem:s10], [sflag:$0x9] =	stream.linear.gather [spmem:s23], $0x2000, $0x38;
	[tilespmem:$0x1FF00] =	vst v63  }
0x121: {  	_ =	swait.ge [sflag:s11], $0x2000  }
0x122: {  	[sflag:s11] =	ssyncset.done $0x0  }
0x123: {  	s2 =	simm.s32 $0x0;
	s22 =	rddreg [dreg:$0x4];
	[sflag:s11] =	ssyncadd.s32 $0xFFFFE000  }
0x124: {  	[hbm4b:s22+s2] =	stream.linear.scatter [tilespmem:s10], [sflag:$0x9], $0x2000, $0x38;
	[tilespmem:$0x1FF00] =	vst v63  }
0x125: {  	_ =	swait.ge [sflag:s11], $0x2000  }
0x126: {  	[sflag:s11] =	ssyncset.done $0x0  }
0x127: {  	s24 =	rddreg [dreg:$0xf];
	[sflag:s11] =	ssyncadd.s32 $0xFFFFE000  }
0x128: {  	[tilespmem:s10], [sflag:$0x9] =	stream.linear.gather [spmem:s24], $0x2000, $0x38;
	[tilespmem:$0x1FF00] =	vst v63  }
0x129: {  	_ =	swait.ge [sflag:s11], $0x2000  }
0x12a: {  	[sflag:s11] =	ssyncset.done $0x0  }
0x12b: {  	s25 =	rddreg [dreg:$0x5];
	[sflag:s11] =	ssyncadd.s32 $0xFFFFE000  }
0x12c: {  	[hbm4b:s25+s2] =	stream.linear.scatter [tilespmem:s10], [sflag:$0x9], $0x2000, $0x38;
	[tilespmem:$0x1FF00] =	vst v63  }
0x12d: {  	_ =	swait.ge [sflag:s11], $0x2000  }
0x12e: {  	[sflag:s11] =	ssyncset.done $0x0  }
0x12f: {  	s25 =	rddreg [dreg:$0x10];
	[sflag:s11] =	ssyncadd.s32 $0xFFFFE000  }
0x130: {  	[tilespmem:s10], [sflag:$0x9] =	stream.linear.gather [spmem:s25], $0x2000, $0x38;
	[tilespmem:$0x1FF00] =	vst v63  }
0x131: {  	_ =	swait.ge [sflag:s11], $0x2000  }
0x132: {  	[sflag:s11] =	ssyncset.done $0x0  }
0x133: {  	s26 =	rddreg [dreg:$0x6];
	[sflag:s11] =	ssyncadd.s32 $0xFFFFE000  }
0x134: {  	[hbm4b:s26+s2] =	stream.linear.scatter [tilespmem:s10], [sflag:$0x9], $0x2000, $0x38;
	[tilespmem:$0x1FF00] =	vst v63  }
0x135: {  	_ =	swait.ge [sflag:s11], $0x2000  }
0x136: {  	[sflag:s11] =	ssyncset.done $0x0  }
0x137: {  	s26 =	rddreg [dreg:$0x11];
	[sflag:s11] =	ssyncadd.s32 $0xFFFFE000  }
0x138: {  	[tilespmem:s10], [sflag:$0x9] =	stream.linear.gather [spmem:s26], $0x2000, $0x38;
	[tilespmem:$0x1FF00] =	vst v63  }
0x139: {  	_ =	swait.ge [sflag:s11], $0x2000  }
0x13a: {  	[sflag:s11] =	ssyncset.done $0x0  }
0x13b: {  	s22 =	rddreg [dreg:$0x7];
	[sflag:s11] =	ssyncadd.s32 $0xFFFFE000  }
0x13c: {  	[hbm4b:s22+s2] =	stream.linear.scatter [tilespmem:s10], [sflag:$0x9], $0x2000, $0x38;
	[tilespmem:$0x1FF00] =	vst v63  }
0x13d: {  	_ =	swait.ge [sflag:s11], $0x2000  }
0x13e: {  	[sflag:s11] =	ssyncset.done $0x0  }
0x13f: {  	s28 =	rddreg [dreg:$0x12];
	[sflag:s11] =	ssyncadd.s32 $0xFFFFE000  }
0x140: {  	[tilespmem:s10], [sflag:$0x9] =	stream.linear.gather [spmem:s28], $0x2000, $0x38;
	[tilespmem:$0x1FF00] =	vst v63  }
0x141: {  	_ =	swait.ge [sflag:s11], $0x2000  }
0x142: {  	[sflag:s11] =	ssyncset.done $0x0  }
0x143: {  	s22 =	rddreg [dreg:$0x8];
	[sflag:s11] =	ssyncadd.s32 $0xFFFFE000  }
0x144: {  	[hbm4b:s22+s2] =	stream.linear.scatter [tilespmem:s10], [sflag:$0x9], $0x2000, $0x38;
	[tilespmem:$0x1FF00] =	vst v63  }
0x145: {  	_ =	swait.ge [sflag:s11], $0x2000  }
0x146: {  	[sflag:s11] =	ssyncset.done $0x0  }
0x147: {  	s22 =	rddreg [dreg:$0x13];
	[sflag:s11] =	ssyncadd.s32 $0xFFFFE000  }
0x148: {  	[tilespmem:s10], [sflag:$0x9] =	stream.linear.gather [spmem:s22], $0x2000, $0x38;
	[tilespmem:$0x1FF00] =	vst v63  }
0x149: {  	_ =	swait.ge [sflag:s11], $0x2000  }
0x14a: {  	[sflag:s11] =	ssyncset.done $0x0  }
0x14b: {  	s22 =	rddreg [dreg:$0x9];
	[sflag:s11] =	ssyncadd.s32 $0xFFFFE000  }
0x14c: {  	[hbm4b:s22+s2] =	stream.linear.scatter [tilespmem:s10], [sflag:$0x9], $0x2000, $0x38;
	[tilespmem:$0x1FF00] =	vst v63  }
0x14d: {  	_ =	swait.ge [sflag:s11], $0x2000  }
0x14e: {  	[sflag:s11] =	ssyncset.done $0x0  }
0x14f: {  	s22 =	rddreg [dreg:$0x14];
	[sflag:s11] =	ssyncadd.s32 $0xFFFFE000  }
0x150: {  	[tilespmem:s10], [sflag:$0x9] =	stream.linear.gather [spmem:s22], $0x2000, $0x38;
	[tilespmem:$0x1FF00] =	vst v63  }
0x151: {  	_ =	swait.ge [sflag:s11], $0x2000  }
0x152: {  	[sflag:s11] =	ssyncset.done $0x0  }
0x153: {  	s22 =	rddreg [dreg:$0xa];
	[sflag:s11] =	ssyncadd.s32 $0xFFFFE000  }
0x154: {  	[hbm4b:s22+s2] =	stream.linear.scatter [tilespmem:s10], [sflag:$0x9], $0x2000, $0x38;
	[tilespmem:$0x1FF00] =	vst v63  }
0x155: {  	_ =	swait.ge [sflag:s11], $0x2000  }
0x156: {  	[sflag:s11] =	ssyncset.done $0x0  }
0x157: {  	s22 =	rddreg [dreg:$0x15];
	[sflag:s11] =	ssyncadd.s32 $0xFFFFE000  }
0x158: {  	[tilespmem:s10], [sflag:$0x9] =	stream.linear.gather [spmem:s22], $0x2000, $0x38;
	[tilespmem:$0x1FF00] =	vst v63  }
0x159: {  	_ =	swait.ge [sflag:s11], $0x2000  }
0x15a: {  	[sflag:s11] =	ssyncset.done $0x0  }
0x15b: {  	s22 =	rddreg [dreg:$0xb];
	[sflag:s11] =	ssyncadd.s32 $0xFFFFE000  }
0x15c: {  	[hbm4b:s22+s2] =	stream.linear.scatter [tilespmem:s10], [sflag:$0x9], $0x2000, $0x38;
	[tilespmem:$0x1FF00] =	vst v63  }
0x15d: {  	_ =	swait.ge [sflag:s11], $0x2000  }
0x15e: {  	[sflag:s11] =	ssyncset.done $0x0  }
0x15f: {  	s22 =	rddreg [dreg:$0x16];
	[sflag:s11] =	ssyncadd.s32 $0xFFFFE000  }
0x160: {  	[tilespmem:s10], [sflag:$0x9] =	stream.linear.gather [spmem:s22], $0x2000, $0x38;
	[tilespmem:$0x1FF00] =	vst v63  }
0x161: {  	_ =	swait.ge [sflag:s11], $0x2000  }
0x162: {  	[sflag:s11] =	ssyncset.done $0x0  }
0x163: {  	s22 =	rddreg [dreg:$0xc];
	[sflag:s11] =	ssyncadd.s32 $0xFFFFE000  }
0x164: {  	[hbm4b:s22+s2] =	stream.linear.scatter [tilespmem:s10], [sflag:$0x9], $0x2000, $0x38;
	[tilespmem:$0x1FF00] =	vst v63  }
0x165: {  	_ =	swait.ge [sflag:s11], $0x2000  }
0x166: {  	[sflag:s11] =	ssyncset.done $0x0  }
0x167: {  	s22 =	rddreg [dreg:$0x17];
	[sflag:s11] =	ssyncadd.s32 $0xFFFFE000  }
0x168: {  	[tilespmem:s10], [sflag:$0x9] =	stream.linear.gather [spmem:s22], $0x1C00, $0x38;
	[tilespmem:$0x1FF00] =	vst v63  }
0x169: {  	_ =	swait.ge [sflag:s11], $0x1C00  }
0x16a: {  	[sflag:s11] =	ssyncset.done $0x0  }
0x16b: {  	s22 =	rddreg [dreg:$0xd];
	[sflag:s11] =	ssyncadd.s32 $0xFFFFE400  }
0x16c: {  	[hbm4b:s22+s2] =	stream.linear.scatter [tilespmem:s10], [sflag:$0x9], $0x1C00, $0x38;
	[tilespmem:$0x1FF00] =	vst v63  }
0x16d: {  	_ =	swait.ge [sflag:s11], $0x1C00  }
0x16e: {  	s21 =	sadd.s32 $0x1, s21;
	s22 =	rddreg [dreg:$0x1a]  }
0x16f: {  	p0 =	sne.s32 s21, s22  }
.Ltmp4:
0x170: {  	_ = 	snop;
	(pc) =	sbr.rel @p0 .LBB2_1-.Ltmp4, $3  }
0x171: {  	_ =	sdelay $0x1  }
0x172: {  	[sflag:s11] =	ssyncset.done $0x0  }
0x173: {  	[sflag:s11] =	ssyncadd.s32 $0xFFFFE400  }
0x174: {  	_ =	sfence.sel $0x180000  }
0x175: {  	[bflag:$0x0] =	sbarrier.arrive $0xFFFF  }
0x176: {  	_ =	strace $0x90000047  }
0x177: {  	s0 =	stileid.u32;
	[bflag:$0x2] =	sbarrier.arrive $0xFFFF  }
0x178: {  	p0 =	sne.s32 s0, $0x0;
	s0 =	rddreg [dreg:$0x3]  }
0x179: {  	s0 =	sadd.s32 @!p0 $0x100000, s0  }
0x17a: {  	[sflag:s0] =	ssyncadd.tile.s32 @!p0 $0x1;
	_ =	shalt  }
.Lfunc_end2:
_tile_overlayer_lowered:
.L_overlay_start_2:
0x17b: {  	(tag) =	ssettag $0x2  }
0x17c: {  	s0 =	rddreg [dreg:$0x0];
	s2 =	stileid.u32  }
0x17d: {  	s1 =	rddreg [dreg:$0x1];
	p0 =	sne.s32 s2, $0x0  }
0x17e: {  	s3 =	rddreg [dreg:$0x2];
	[bflag:$0x3] =	sbarrier.arrive $0xFFFF;
	s2 =	simm.s32 @!p0 $0x1C09  }
0x17f: {  	[timem:s3], [sflag:s2] =	dma.local @!p0 [hbm:s0], s1  }
0x180: {  	s0 =	simm.s32 @!p0 $0x9  }
0x181: {  	_ =	swait.ge @!p0 [sflag:s0], s1  }
0x182: {  	s1 =	ssub.s32 @!p0 $0x0, s1;
	[sflag:s0] =	ssyncset.done @!p0 $0x0  }
0x183: {  	[sflag:s0] =	ssyncadd.s32 @!p0 s1  }
0x184: {  	[bflag:$0x3] =	sbarrier.arrive $0xFFFF  }
0x185: {  	_ =	shalt  }

</sc_bundles>
